<compile_context>
chip_gen: v7x
topology: tpu7x:2x2x1
jax: 0.10.2.dev20260603
libtpu: 0.0.44.dev20260713+nightly
codegen_flags: <defaults>
</compile_context>

<pallas_src>
import functools

import jax
import jax.numpy as jnp
from jax import lax
from jax.experimental import pallas as pl
from jax.experimental.pallas import tpu as pltpu
from jax.experimental.pallas import tpu_sc as plsc

NC = 2
NS = 16
NW = NC * NS
L = 16


@functools.lru_cache(maxsize=None)
def _make_degree_kernel(E_W: int, N_R: int):
    chunk = N_R // NS
    mesh = plsc.VectorSubcoreMesh(core_axis_name="c", subcore_axis_name="s")

    @functools.partial(
        pl.kernel,
        mesh=mesh,
        out_type=jax.ShapeDtypeStruct((NC, 2, N_R), jnp.float32),
        scratch_types=[
            pltpu.VMEM((E_W,), jnp.int32),
            pltpu.VMEM((E_W,), jnp.int32),
            pltpu.VMEM((N_R,), jnp.float32),
            pltpu.VMEM((N_R,), jnp.float32),
            pltpu.VMEM((chunk,), jnp.float32),
            pltpu.VMEM((chunk,), jnp.float32),
            pltpu.VMEM_SHARED((NS, 2, N_R), jnp.float32),
        ],
        compiler_params=pltpu.CompilerParams(needs_layout_passes=False),
    )
    def deg_k(s_hbm, r_hbm, out_hbm, sidx_v, ridx_v, acc_s, acc_r, tmp_v,
              acc2_v, shared):
        c = lax.axis_index("c")
        s = lax.axis_index("s")
        wid = c * NS + s
        pltpu.sync_copy(s_hbm.at[pl.ds(wid * E_W, E_W)], sidx_v)
        pltpu.sync_copy(r_hbm.at[pl.ds(wid * E_W, E_W)], ridx_v)

        zeros = jnp.zeros((L,), jnp.float32)
        ones = jnp.ones((L,), jnp.float32)

        def zero_body(i, _):
            acc_s[pl.ds(i * L, L)] = zeros
            acc_r[pl.ds(i * L, L)] = zeros
            return 0
        lax.fori_loop(0, N_R // L, zero_body, 0)

        def hist_body(i, _):
            si = sidx_v[pl.ds(i * L, L)]
            plsc.addupdate_scatter(acc_s, [si], ones)
            ri = ridx_v[pl.ds(i * L, L)]
            plsc.addupdate_scatter(acc_r, [ri], ones)
            return 0
        lax.fori_loop(0, E_W // L, hist_body, 0)

        pltpu.sync_copy(acc_s, shared.at[s, 0])
        pltpu.sync_copy(acc_r, shared.at[s, 1])
        plsc.subcore_barrier()

        col = s * chunk
        for a in range(2):
            pltpu.sync_copy(shared.at[0, a, pl.ds(col, chunk)], acc2_v)
            for j in range(1, NS):
                pltpu.sync_copy(shared.at[j, a, pl.ds(col, chunk)], tmp_v)

                def add_body(i, _):
                    acc2_v[pl.ds(i * L, L)] = (
                        acc2_v[pl.ds(i * L, L)] + tmp_v[pl.ds(i * L, L)])
                    return 0
                lax.fori_loop(0, chunk // L, add_body, 0)
            pltpu.sync_copy(acc2_v, out_hbm.at[c, a, pl.ds(col, chunk)])

    return deg_k


@functools.lru_cache(maxsize=None)
def _make_edge_kernel(CH: int, K: int, N_R: int, D: int):
    chunk = N_R // NS
    NH = 2
    CHH = CH // NH
    mesh = plsc.VectorSubcoreMesh(core_axis_name="c", subcore_axis_name="s")

    @functools.partial(
        pl.kernel,
        mesh=mesh,
        out_type=jax.ShapeDtypeStruct((NC, N_R, D), jnp.float32),
        scratch_types=[
            pltpu.VMEM((CHH, K), jnp.int32),
            pltpu.VMEM((CHH, K), jnp.int32),
            pltpu.VMEM((2, K, D), jnp.float32),
            pltpu.VMEM_SHARED((N_R, D), jnp.float32),
            pltpu.SemaphoreType.DMA,
            pltpu.SemaphoreType.DMA,
        ],
        compiler_params=pltpu.CompilerParams(needs_layout_passes=False),
    )
    def edge_k(h_hbm, sidx_hbm, ridx_hbm, out_hbm, sidx_v, ridx_v, rows_v,
               acc_sh, sem0, sem1):
        c = lax.axis_index("c")
        s = lax.axis_index("s")
        wid = c * NS + s
        h_hbm = h_hbm.at[c]

        zeros = jnp.zeros((L,), jnp.float32)
        dl = D // L

        def zero_body(i, _):
            rows_v[0, i // dl, pl.ds((i % dl) * L, L)] = zeros
            return 0
        lax.fori_loop(0, K * dl, zero_body, 0)
        for b in range(chunk // K):
            pltpu.sync_copy(rows_v.at[0], acc_sh.at[pl.ds(s * chunk + b * K, K)])
        plsc.subcore_barrier()

        sems = [sem0, sem1]

        def start_gather(chu, b):
            pltpu.make_async_copy(
                h_hbm.at[sidx_v.at[chu]], rows_v.at[b], sems[b]).start()

        def wait_gather(b):
            pltpu.make_async_copy(
                h_hbm.at[sidx_v.at[0]], rows_v.at[b], sems[b]).wait()

        for half in range(NH):
            pltpu.sync_copy(sidx_hbm.at[wid, pl.ds(half * CHH, CHH)], sidx_v)
            pltpu.sync_copy(ridx_hbm.at[wid, pl.ds(half * CHH, CHH)], ridx_v)
            start_gather(0, 0)

            def outer(g, _):
                for b in range(2):
                    chu = g * 2 + b
                    wait_gather(b)
                    nxt = chu + 1

                    @pl.when(nxt < CHH)
                    def _():
                        start_gather(nxt, 1 - b)

                    pltpu.sync_copy(rows_v.at[b], acc_sh.at[ridx_v.at[chu]],
                                    add=True)
                return 0
            lax.fori_loop(0, CHH // 2, outer, 0)

        plsc.subcore_barrier()
        pltpu.sync_copy(acc_sh.at[pl.ds(s * chunk, chunk)],
                        out_hbm.at[c, pl.ds(s * chunk, chunk)])

    return edge_k


def _mm_body(x_ref, w_ref, b_ref, d_ref, o_ref):
    h = jnp.dot(x_ref[...], w_ref[...], preferred_element_type=jnp.float32)
    h = h + b_ref[...]
    deg = d_ref[0] + d_ref[1]
    hs = h * lax.rsqrt(jnp.maximum(deg, 1.0))
    o_ref[0] = hs
    o_ref[1] = hs


def _comb_body(p_ref, d_ref, o_ref):
    ssum = p_ref[0] + p_ref[1]
    deg = d_ref[0] + d_ref[1]
    o_ref[...] = ssum * lax.rsqrt(jnp.maximum(deg, 1.0))


def kernel(x, senders, receivers, n_node, weight, bias):
    N, D_IN = x.shape
    D_OUT = weight.shape[1]
    E = senders.shape[0]

    N_R = -(-(N + 1) // (NS * 128)) * (NS * 128)
    K = 128
    CH = -(-(-(-E // (NW * K))) // 4) * 4
    EP = NW * CH * K

    pad = EP - E
    sp = jnp.concatenate([senders, jnp.zeros((pad,), jnp.int32)])
    rp = jnp.concatenate([receivers, jnp.full((pad,), N, jnp.int32)])
    sp = sp.reshape(NW, CH, K)
    rp = rp.reshape(NW, CH, K)

    dpart = _make_degree_kernel(E // NW, N_R)(senders, receivers)
    deg_s = dpart[:, 0, :N, None]
    deg_r = dpart[:, 1, :N, None]

    bm = 2000
    grid = (N // bm,)
    h = pl.pallas_call(
        _mm_body,
        grid=grid,
        in_specs=[
            pl.BlockSpec((bm, D_IN), lambda i: (i, 0)),
            pl.BlockSpec((D_IN, D_OUT), lambda i: (0, 0)),
            pl.BlockSpec((1, D_OUT), lambda i: (0, 0)),
            pl.BlockSpec((NC, bm, 1), lambda i: (0, i, 0)),
        ],
        out_specs=pl.BlockSpec((NC, bm, D_OUT), lambda i: (0, i, 0)),
        out_shape=jax.ShapeDtypeStruct((NC, N, D_OUT), jnp.float32),
    )(x, weight, bias.reshape(1, D_OUT), deg_s)

    parts = _make_edge_kernel(CH, K, N_R, D_OUT)(h, sp, rp)

    out = pl.pallas_call(
        _comb_body,
        grid=grid,
        in_specs=[
            pl.BlockSpec((NC, bm, D_OUT), lambda i: (0, i, 0)),
            pl.BlockSpec((NC, bm, 1), lambda i: (0, i, 0)),
        ],
        out_specs=pl.BlockSpec((bm, D_OUT), lambda i: (i, 0)),
        out_shape=jax.ShapeDtypeStruct((N, D_OUT), jnp.float32),
    )(parts, deg_r)
    return out

# --- scband reference (transcript-rebuilt; emitter-appended) ---
"""Pipeline reference for scband-gcnlayer-11708080849500 (READ-ONLY COPY).

The authoritative reference and input builder live on the scoring server;
editing this copy changes nothing except your own understanding.
"""

import jax, jax.numpy as jnp
import numpy as np


def setup_inputs(seed: int = 0) -> dict:
    key = jax.random.key(seed)
    k_x, k_s, k_r, k_w = jax.random.split(key, 4)
    N = 10000
    E = 320000
    D_IN = 128
    D_OUT = 128
    x = jax.random.normal(k_x, (N, D_IN), dtype=jnp.float32)
    senders = jax.random.randint(k_s, (E,), 0, N, dtype=jnp.int32)
    receivers = jax.random.randint(k_r, (E,), 0, N, dtype=jnp.int32)
    # xavier-uniform-like init for the dense weight, zeros for bias
    limit = float(np.sqrt(6.0 / (D_IN + D_OUT)))
    weight = jax.random.uniform(k_w, (D_IN, D_OUT), dtype=jnp.float32, minval=-limit, maxval=limit)
    bias = jnp.zeros((D_OUT,), dtype=jnp.float32)
    return {"x": x, "senders": senders, "receivers": receivers, "n_node": N, "weight": weight, "bias": bias}


def reference(x, senders, receivers, n_node, weight, bias):
    # update_node_fn: dense projection
    x = jnp.dot(x, weight) + bias
    total_num_nodes = x.shape[0]
    # add_self_edges=False -> conv_senders/receivers are the raw edge lists
    conv_senders = senders
    conv_receivers = receivers
    # symmetric_normalization=True
    sender_degree = jax.ops.segment_sum(jnp.ones_like(conv_senders), conv_senders, num_segments=total_num_nodes)
    receiver_degree = jax.ops.segment_sum(jnp.ones_like(conv_receivers), conv_receivers, num_segments=total_num_nodes)
    nodes = x * jax.lax.rsqrt(jnp.maximum(sender_degree, 1.0))[:, None]
    nodes = jax.ops.segment_sum(nodes[conv_senders], conv_receivers, num_segments=total_num_nodes)
    nodes = nodes * jax.lax.rsqrt(jnp.maximum(receiver_degree, 1.0))[:, None]
    return nodes

if __name__ == "__main__":
    import jax
    _d = setup_inputs()
    print(jax.jit(kernel)(*tuple(_d.values())))

</pallas_src>

<mosaic_0001>
#map = affine_map<(d0, d1) -> (0, 0, 0)>
module attributes {stable_mosaic.version = 14 : i64} {
  func.func @edge_k(%arg0: i32, %arg1: i32, %arg2: memref<2x10000x128xf32, #tpu.memory_space<hbm>>, %arg3: memref<32x80x128xi32, #tpu.memory_space<hbm>>, %arg4: memref<32x80x128xi32, #tpu.memory_space<hbm>>, %arg5: memref<2x10240x128xf32, #tpu.memory_space<hbm>>, %arg6: memref<40x128xi32, #tpu.memory_space<vmem>>, %arg7: memref<40x128xi32, #tpu.memory_space<vmem>>, %arg8: memref<2x128x128xf32, #tpu.memory_space<vmem>>, %arg9: memref<10240x128xf32, #tpu.memory_space<vmem_shared>>, %arg10: memref<!tpu.dma_semaphore, #tpu.memory_space<semaphore_mem>>, %arg11: memref<!tpu.dma_semaphore, #tpu.memory_space<semaphore_mem>>) attributes {dimension_semantics = [#tpu.dimension_semantics<core_parallel>, #tpu.dimension_semantics<subcore_parallel>], iteration_bounds = array<i64: 2, 16>, scalar_prefetch = 0 : i64, scratch_operands = 6 : i64, tpu.core_type = #tpu.core_type<sc_vector_subcore>, window_params = [{transform_indices = #map}, {transform_indices = #map}, {transform_indices = #map}, {transform_indices = #map}]} {
    %mul3A = arith.constant 16 : i32
    %mul3A_0 = arith.muli %arg0, %mul3A : i32
    %add3A = arith.addi %mul3A_0, %arg1 : i32
    %broadcast_in_dim3A = arith.constant 0.000000e+00 : f32
    %broadcast_in_dim3A_1 = vector.broadcast %broadcast_in_dim3A : f32 to vector<16xf32>
    %scan3A = arith.constant 0 : i32
    %scan3A_2 = arith.constant 0 : i32
    %scan3A_3 = arith.constant 1024 : i32
    %scan3A_4 = arith.addi %scan3A_2, %scan3A_3 : i32
    %scan3A_5 = arith.constant 1 : i32
    %scan3A_6 = scf.for %scan3A_82 = %scan3A_2 to %scan3A_4 step %scan3A_5 iter_args(%scan3A_83 = %scan3A) -> (i32)  : i32 {
      %jit3A = arith.constant 8 : i32
      %div3A = arith.divsi %scan3A_82, %jit3A : i32
      %sign3A = arith.constant 0 : i32
      %sign3A_84 = arith.cmpi sgt, %scan3A_82, %sign3A : i32
      %sign3A_85 = arith.extui %sign3A_84 : i1 to i32
      %sign3A_86 = arith.constant 0 : i32
      %sign3A_87 = arith.cmpi slt, %scan3A_82, %sign3A_86 : i32
      %sign3A_88 = arith.extui %sign3A_87 : i1 to i32
      %sign3A_89 = arith.subi %sign3A_85, %sign3A_88 : i32
      %sign3A_90 = arith.constant 0 : i32
      %sign3A_91 = arith.cmpi sgt, %jit3A, %sign3A_90 : i32
      %sign3A_92 = arith.extui %sign3A_91 : i1 to i32
      %sign3A_93 = arith.constant 0 : i32
      %sign3A_94 = arith.cmpi slt, %jit3A, %sign3A_93 : i32
      %sign3A_95 = arith.extui %sign3A_94 : i1 to i32
      %sign3A_96 = arith.subi %sign3A_92, %sign3A_95 : i32
      %ne3A = arith.cmpi ne, %sign3A_89, %sign3A_96 : i32
      %rem3A = arith.remsi %scan3A_82, %jit3A : i32
      %ne3A_97 = arith.constant 0 : i32
      %ne3A_98 = arith.cmpi ne, %rem3A, %ne3A_97 : i32
      %and3A = arith.andi %ne3A, %ne3A_98 : i1
      %sub3A = arith.constant 1 : i32
      %sub3A_99 = arith.subi %div3A, %sub3A : i32
      %select_n3A = arith.select %and3A, %sub3A_99, %div3A : i32
      %jit3A_100 = arith.constant 8 : i32
      %eq3A = arith.constant 0 : i32
      %eq3A_101 = arith.cmpi eq, %jit3A_100, %eq3A : i32
      %jit3A_102 = arith.constant 1 : i32
      %select_n3A_103 = arith.select %eq3A_101, %jit3A_102, %jit3A_100 : i32
      %rem3A_104 = arith.remsi %scan3A_82, %select_n3A_103 : i32
      %ne3A_105 = arith.constant 0 : i32
      %ne3A_106 = arith.cmpi ne, %rem3A_104, %ne3A_105 : i32
      %lt3A = arith.constant 0 : i32
      %lt3A_107 = arith.cmpi slt, %rem3A_104, %lt3A : i32
      %lt3A_108 = arith.constant 0 : i32
      %lt3A_109 = arith.cmpi slt, %select_n3A_103, %lt3A_108 : i32
      %ne3A_110 = arith.xori %lt3A_107, %lt3A_109 : i1
      %and3A_111 = arith.andi %ne3A_110, %ne3A_106 : i1
      %add3A_112 = arith.addi %rem3A_104, %select_n3A_103 : i32
      %select_n3A_113 = arith.select %and3A_111, %add3A_112, %rem3A_104 : i32
      %mul3A_114 = arith.constant 16 : i32
      %mul3A_115 = arith.muli %select_n3A_113, %mul3A_114 : i32
      %swap3A = arith.constant 0 : i32
      %swap3A_116 = arith.index_cast %swap3A : i32 to index
      %swap3A_117 = arith.index_cast %select_n3A : i32 to index
      %swap3A_118 = arith.index_cast %mul3A_115 : i32 to index
      %swap3A_119 = tpu.vector_load %arg8[%swap3A_116, %swap3A_117, %swap3A_118] {strides = array<i32>} : memref<2x128x128xf32, #tpu.memory_space<vmem>>, vector<16xf32>,
      tpu.vector_store %arg8[%swap3A_116, %swap3A_117, %swap3A_118], %broadcast_in_dim3A_1 {strides = array<i32>} : memref<2x128x128xf32, #tpu.memory_space<vmem>>, vector<16xf32>,
      %scan3A_120 = arith.constant 0 : i32
      scf.yield %scan3A_120 : i32
    }
    %scan3A_7 = arith.constant 1024 : i32
    %mul3A_8 = arith.constant 640 : i32
    %mul3A_9 = arith.muli %arg1, %mul3A_8 : i32
    %add3A_10 = arith.constant 0 : i32
    %add3A_11 = arith.addi %mul3A_9, %add3A_10 : i32
    %run_scoped3A = arith.constant 0 : i32
    "tpu.region"() ({
      %run_scoped3A_82 = tpu.sem_alloc : memref<!tpu.dma_semaphore, #tpu.memory_space<semaphore_mem>>
      %dma_start3A_83 = arith.constant 0 : i32
      %dma_start3A_84 = arith.constant 0 : i32
      %dma_start3A_85 = tpu.memref_slice %arg8[%run_scoped3A, %dma_start3A_83, %dma_start3A_84] : memref<2x128x128xf32, #tpu.memory_space<vmem>> -> memref<1x128x128xf32, #tpu.memory_space<vmem>>
      %dma_start3A_86 = tpu.memref_squeeze %dma_start3A_85 : memref<1x128x128xf32, #tpu.memory_space<vmem>> -> memref<128x128xf32, #tpu.memory_space<vmem>>
      %dma_start3A_87 = arith.constant 0 : i32
      %dma_start3A_88 = tpu.memref_slice %arg9[%add3A_11, %dma_start3A_87] : memref<10240x128xf32, #tpu.memory_space<vmem_shared>> -> memref<128x128xf32, #tpu.memory_space<vmem_shared>>
      %dma_start3A_89 = arith.constant 0 : i32
      %dma_start3A_90 = tpu.memref_slice %arg9[%add3A_11, %dma_start3A_89] : memref<10240x128xf32, #tpu.memory_space<vmem_shared>> -> memref<128x128xf32, #tpu.memory_space<vmem_shared>>
      %dma_start3A_91 = arith.constant 0 : i32
      %dma_start3A_92 = arith.constant 0 : i32
      %dma_start3A_93 = tpu.memref_slice %arg8[%run_scoped3A, %dma_start3A_91, %dma_start3A_92] : memref<2x128x128xf32, #tpu.memory_space<vmem>> -> memref<1x128x128xf32, #tpu.memory_space<vmem>>
      %dma_start3A_94 = tpu.memref_squeeze %dma_start3A_93 : memref<1x128x128xf32, #tpu.memory_space<vmem>> -> memref<128x128xf32, #tpu.memory_space<vmem>>
      tpu.enqueue_dma source(%dma_start3A_94 : memref<128x128xf32, #tpu.memory_space<vmem>>) target(%dma_start3A_90 : memref<128x128xf32, #tpu.memory_space<vmem_shared>>) target_semaphore(%run_scoped3A_82 : memref<!tpu.dma_semaphore, #tpu.memory_space<semaphore_mem>>)
      %dma_wait3A = arith.constant 0 : i32
      %dma_wait3A_95 = arith.constant 0 : i32
      %dma_wait3A_96 = tpu.memref_slice %arg8[%run_scoped3A, %dma_wait3A, %dma_wait3A_95] : memref<2x128x128xf32, #tpu.memory_space<vmem>> -> memref<1x128x128xf32, #tpu.memory_space<vmem>>
      %dma_wait3A_97 = tpu.memref_squeeze %dma_wait3A_96 : memref<1x128x128xf32, #tpu.memory_space<vmem>> -> memref<128x128xf32, #tpu.memory_space<vmem>>
      %dma_wait3A_98 = arith.constant 0 : i32
      %dma_wait3A_99 = tpu.memref_slice %arg9[%add3A_11, %dma_wait3A_98] : memref<10240x128xf32, #tpu.memory_space<vmem_shared>> -> memref<128x128xf32, #tpu.memory_space<vmem_shared>>
      %dma_wait3A_100 = arith.constant 0 : i32
      %dma_wait3A_101 = tpu.memref_slice %arg9[%add3A_11, %dma_wait3A_100] : memref<10240x128xf32, #tpu.memory_space<vmem_shared>> -> memref<128x128xf32, #tpu.memory_space<vmem_shared>>
      %dma_wait3A_102 = arith.constant 0 : i32
      %dma_wait3A_103 = arith.constant 0 : i32
      %dma_wait3A_104 = tpu.memref_slice %arg8[%run_scoped3A, %dma_wait3A_102, %dma_wait3A_103] : memref<2x128x128xf32, #tpu.memory_space<vmem>> -> memref<1x128x128xf32, #tpu.memory_space<vmem>>
      %dma_wait3A_105 = tpu.memref_squeeze %dma_wait3A_104 : memref<1x128x128xf32, #tpu.memory_space<vmem>> -> memref<128x128xf32, #tpu.memory_space<vmem>>
      tpu.wait_dma2 semaphore(%run_scoped3A_82 : memref<!tpu.dma_semaphore, #tpu.memory_space<semaphore_mem>>) src(%dma_wait3A_105 : memref<128x128xf32, #tpu.memory_space<vmem>>) dst(%dma_wait3A_101 : memref<128x128xf32, #tpu.memory_space<vmem_shared>>)
      tpu.yield
    }) : () -> ()
    %mul3A_12 = arith.constant 640 : i32
    %mul3A_13 = arith.muli %arg1, %mul3A_12 : i32
    %add3A_14 = arith.constant 128 : i32
    %add3A_15 = arith.addi %mul3A_13, %add3A_14 : i32
    %run_scoped3A_16 = arith.constant 0 : i32
    "tpu.region"() ({
      %run_scoped3A_82 = tpu.sem_alloc : memref<!tpu.dma_semaphore, #tpu.memory_space<semaphore_mem>>
      %dma_start3A_83 = arith.constant 0 : i32
      %dma_start3A_84 = arith.constant 0 : i32
      %dma_start3A_85 = tpu.memref_slice %arg8[%run_scoped3A_16, %dma_start3A_83, %dma_start3A_84] : memref<2x128x128xf32, #tpu.memory_space<vmem>> -> memref<1x128x128xf32, #tpu.memory_space<vmem>>
      %dma_start3A_86 = tpu.memref_squeeze %dma_start3A_85 : memref<1x128x128xf32, #tpu.memory_space<vmem>> -> memref<128x128xf32, #tpu.memory_space<vmem>>
      %dma_start3A_87 = arith.constant 0 : i32
      %dma_start3A_88 = tpu.memref_slice %arg9[%add3A_15, %dma_start3A_87] : memref<10240x128xf32, #tpu.memory_space<vmem_shared>> -> memref<128x128xf32, #tpu.memory_space<vmem_shared>>
      %dma_start3A_89 = arith.constant 0 : i32
      %dma_start3A_90 = tpu.memref_slice %arg9[%add3A_15, %dma_start3A_89] : memref<10240x128xf32, #tpu.memory_space<vmem_shared>> -> memref<128x128xf32, #tpu.memory_space<vmem_shared>>
      %dma_start3A_91 = arith.constant 0 : i32
      %dma_start3A_92 = arith.constant 0 : i32
      %dma_start3A_93 = tpu.memref_slice %arg8[%run_scoped3A_16, %dma_start3A_91, %dma_start3A_92] : memref<2x128x128xf32, #tpu.memory_space<vmem>> -> memref<1x128x128xf32, #tpu.memory_space<vmem>>
      %dma_start3A_94 = tpu.memref_squeeze %dma_start3A_93 : memref<1x128x128xf32, #tpu.memory_space<vmem>> -> memref<128x128xf32, #tpu.memory_space<vmem>>
      tpu.enqueue_dma source(%dma_start3A_94 : memref<128x128xf32, #tpu.memory_space<vmem>>) target(%dma_start3A_90 : memref<128x128xf32, #tpu.memory_space<vmem_shared>>) target_semaphore(%run_scoped3A_82 : memref<!tpu.dma_semaphore, #tpu.memory_space<semaphore_mem>>)
      %dma_wait3A = arith.constant 0 : i32
      %dma_wait3A_95 = arith.constant 0 : i32
      %dma_wait3A_96 = tpu.memref_slice %arg8[%run_scoped3A_16, %dma_wait3A, %dma_wait3A_95] : memref<2x128x128xf32, #tpu.memory_space<vmem>> -> memref<1x128x128xf32, #tpu.memory_space<vmem>>
      %dma_wait3A_97 = tpu.memref_squeeze %dma_wait3A_96 : memref<1x128x128xf32, #tpu.memory_space<vmem>> -> memref<128x128xf32, #tpu.memory_space<vmem>>
      %dma_wait3A_98 = arith.constant 0 : i32
      %dma_wait3A_99 = tpu.memref_slice %arg9[%add3A_15, %dma_wait3A_98] : memref<10240x128xf32, #tpu.memory_space<vmem_shared>> -> memref<128x128xf32, #tpu.memory_space<vmem_shared>>
      %dma_wait3A_100 = arith.constant 0 : i32
      %dma_wait3A_101 = tpu.memref_slice %arg9[%add3A_15, %dma_wait3A_100] : memref<10240x128xf32, #tpu.memory_space<vmem_shared>> -> memref<128x128xf32, #tpu.memory_space<vmem_shared>>
      %dma_wait3A_102 = arith.constant 0 : i32
      %dma_wait3A_103 = arith.constant 0 : i32
      %dma_wait3A_104 = tpu.memref_slice %arg8[%run_scoped3A_16, %dma_wait3A_102, %dma_wait3A_103] : memref<2x128x128xf32, #tpu.memory_space<vmem>> -> memref<1x128x128xf32, #tpu.memory_space<vmem>>
      %dma_wait3A_105 = tpu.memref_squeeze %dma_wait3A_104 : memref<1x128x128xf32, #tpu.memory_space<vmem>> -> memref<128x128xf32, #tpu.memory_space<vmem>>
      tpu.wait_dma2 semaphore(%run_scoped3A_82 : memref<!tpu.dma_semaphore, #tpu.memory_space<semaphore_mem>>) src(%dma_wait3A_105 : memref<128x128xf32, #tpu.memory_space<vmem>>) dst(%dma_wait3A_101 : memref<128x128xf32, #tpu.memory_space<vmem_shared>>)
      tpu.yield
    }) : () -> ()
    %mul3A_17 = arith.constant 640 : i32
    %mul3A_18 = arith.muli %arg1, %mul3A_17 : i32
    %add3A_19 = arith.constant 256 : i32
    %add3A_20 = arith.addi %mul3A_18, %add3A_19 : i32
    %run_scoped3A_21 = arith.constant 0 : i32
    "tpu.region"() ({
      %run_scoped3A_82 = tpu.sem_alloc : memref<!tpu.dma_semaphore, #tpu.memory_space<semaphore_mem>>
      %dma_start3A_83 = arith.constant 0 : i32
      %dma_start3A_84 = arith.constant 0 : i32
      %dma_start3A_85 = tpu.memref_slice %arg8[%run_scoped3A_21, %dma_start3A_83, %dma_start3A_84] : memref<2x128x128xf32, #tpu.memory_space<vmem>> -> memref<1x128x128xf32, #tpu.memory_space<vmem>>
      %dma_start3A_86 = tpu.memref_squeeze %dma_start3A_85 : memref<1x128x128xf32, #tpu.memory_space<vmem>> -> memref<128x128xf32, #tpu.memory_space<vmem>>
      %dma_start3A_87 = arith.constant 0 : i32
      %dma_start3A_88 = tpu.memref_slice %arg9[%add3A_20, %dma_start3A_87] : memref<10240x128xf32, #tpu.memory_space<vmem_shared>> -> memref<128x128xf32, #tpu.memory_space<vmem_shared>>
      %dma_start3A_89 = arith.constant 0 : i32
      %dma_start3A_90 = tpu.memref_slice %arg9[%add3A_20, %dma_start3A_89] : memref<10240x128xf32, #tpu.memory_space<vmem_shared>> -> memref<128x128xf32, #tpu.memory_space<vmem_shared>>
      %dma_start3A_91 = arith.constant 0 : i32
      %dma_start3A_92 = arith.constant 0 : i32
      %dma_start3A_93 = tpu.memref_slice %arg8[%run_scoped3A_21, %dma_start3A_91, %dma_start3A_92] : memref<2x128x128xf32, #tpu.memory_space<vmem>> -> memref<1x128x128xf32, #tpu.memory_space<vmem>>
      %dma_start3A_94 = tpu.memref_squeeze %dma_start3A_93 : memref<1x128x128xf32, #tpu.memory_space<vmem>> -> memref<128x128xf32, #tpu.memory_space<vmem>>
      tpu.enqueue_dma source(%dma_start3A_94 : memref<128x128xf32, #tpu.memory_space<vmem>>) target(%dma_start3A_90 : memref<128x128xf32, #tpu.memory_space<vmem_shared>>) target_semaphore(%run_scoped3A_82 : memref<!tpu.dma_semaphore, #tpu.memory_space<semaphore_mem>>)
      %dma_wait3A = arith.constant 0 : i32
      %dma_wait3A_95 = arith.constant 0 : i32
      %dma_wait3A_96 = tpu.memref_slice %arg8[%run_scoped3A_21, %dma_wait3A, %dma_wait3A_95] : memref<2x128x128xf32, #tpu.memory_space<vmem>> -> memref<1x128x128xf32, #tpu.memory_space<vmem>>
      %dma_wait3A_97 = tpu.memref_squeeze %dma_wait3A_96 : memref<1x128x128xf32, #tpu.memory_space<vmem>> -> memref<128x128xf32, #tpu.memory_space<vmem>>
      %dma_wait3A_98 = arith.constant 0 : i32
      %dma_wait3A_99 = tpu.memref_slice %arg9[%add3A_20, %dma_wait3A_98] : memref<10240x128xf32, #tpu.memory_space<vmem_shared>> -> memref<128x128xf32, #tpu.memory_space<vmem_shared>>
      %dma_wait3A_100 = arith.constant 0 : i32
      %dma_wait3A_101 = tpu.memref_slice %arg9[%add3A_20, %dma_wait3A_100] : memref<10240x128xf32, #tpu.memory_space<vmem_shared>> -> memref<128x128xf32, #tpu.memory_space<vmem_shared>>
      %dma_wait3A_102 = arith.constant 0 : i32
      %dma_wait3A_103 = arith.constant 0 : i32
      %dma_wait3A_104 = tpu.memref_slice %arg8[%run_scoped3A_21, %dma_wait3A_102, %dma_wait3A_103] : memref<2x128x128xf32, #tpu.memory_space<vmem>> -> memref<1x128x128xf32, #tpu.memory_space<vmem>>
      %dma_wait3A_105 = tpu.memref_squeeze %dma_wait3A_104 : memref<1x128x128xf32, #tpu.memory_space<vmem>> -> memref<128x128xf32, #tpu.memory_space<vmem>>
      tpu.wait_dma2 semaphore(%run_scoped3A_82 : memref<!tpu.dma_semaphore, #tpu.memory_space<semaphore_mem>>) src(%dma_wait3A_105 : memref<128x128xf32, #tpu.memory_space<vmem>>) dst(%dma_wait3A_101 : memref<128x128xf32, #tpu.memory_space<vmem_shared>>)
      tpu.yield
    }) : () -> ()
    %mul3A_22 = arith.constant 640 : i32
    %mul3A_23 = arith.muli %arg1, %mul3A_22 : i32
    %add3A_24 = arith.constant 384 : i32
    %add3A_25 = arith.addi %mul3A_23, %add3A_24 : i32
    %run_scoped3A_26 = arith.constant 0 : i32
    "tpu.region"() ({
      %run_scoped3A_82 = tpu.sem_alloc : memref<!tpu.dma_semaphore, #tpu.memory_space<semaphore_mem>>
      %dma_start3A_83 = arith.constant 0 : i32
      %dma_start3A_84 = arith.constant 0 : i32
      %dma_start3A_85 = tpu.memref_slice %arg8[%run_scoped3A_26, %dma_start3A_83, %dma_start3A_84] : memref<2x128x128xf32, #tpu.memory_space<vmem>> -> memref<1x128x128xf32, #tpu.memory_space<vmem>>
      %dma_start3A_86 = tpu.memref_squeeze %dma_start3A_85 : memref<1x128x128xf32, #tpu.memory_space<vmem>> -> memref<128x128xf32, #tpu.memory_space<vmem>>
      %dma_start3A_87 = arith.constant 0 : i32
      %dma_start3A_88 = tpu.memref_slice %arg9[%add3A_25, %dma_start3A_87] : memref<10240x128xf32, #tpu.memory_space<vmem_shared>> -> memref<128x128xf32, #tpu.memory_space<vmem_shared>>
      %dma_start3A_89 = arith.constant 0 : i32
      %dma_start3A_90 = tpu.memref_slice %arg9[%add3A_25, %dma_start3A_89] : memref<10240x128xf32, #tpu.memory_space<vmem_shared>> -> memref<128x128xf32, #tpu.memory_space<vmem_shared>>
      %dma_start3A_91 = arith.constant 0 : i32
      %dma_start3A_92 = arith.constant 0 : i32
      %dma_start3A_93 = tpu.memref_slice %arg8[%run_scoped3A_26, %dma_start3A_91, %dma_start3A_92] : memref<2x128x128xf32, #tpu.memory_space<vmem>> -> memref<1x128x128xf32, #tpu.memory_space<vmem>>
      %dma_start3A_94 = tpu.memref_squeeze %dma_start3A_93 : memref<1x128x128xf32, #tpu.memory_space<vmem>> -> memref<128x128xf32, #tpu.memory_space<vmem>>
      tpu.enqueue_dma source(%dma_start3A_94 : memref<128x128xf32, #tpu.memory_space<vmem>>) target(%dma_start3A_90 : memref<128x128xf32, #tpu.memory_space<vmem_shared>>) target_semaphore(%run_scoped3A_82 : memref<!tpu.dma_semaphore, #tpu.memory_space<semaphore_mem>>)
      %dma_wait3A = arith.constant 0 : i32
      %dma_wait3A_95 = arith.constant 0 : i32
      %dma_wait3A_96 = tpu.memref_slice %arg8[%run_scoped3A_26, %dma_wait3A, %dma_wait3A_95] : memref<2x128x128xf32, #tpu.memory_space<vmem>> -> memref<1x128x128xf32, #tpu.memory_space<vmem>>
      %dma_wait3A_97 = tpu.memref_squeeze %dma_wait3A_96 : memref<1x128x128xf32, #tpu.memory_space<vmem>> -> memref<128x128xf32, #tpu.memory_space<vmem>>
      %dma_wait3A_98 = arith.constant 0 : i32
      %dma_wait3A_99 = tpu.memref_slice %arg9[%add3A_25, %dma_wait3A_98] : memref<10240x128xf32, #tpu.memory_space<vmem_shared>> -> memref<128x128xf32, #tpu.memory_space<vmem_shared>>
      %dma_wait3A_100 = arith.constant 0 : i32
      %dma_wait3A_101 = tpu.memref_slice %arg9[%add3A_25, %dma_wait3A_100] : memref<10240x128xf32, #tpu.memory_space<vmem_shared>> -> memref<128x128xf32, #tpu.memory_space<vmem_shared>>
      %dma_wait3A_102 = arith.constant 0 : i32
      %dma_wait3A_103 = arith.constant 0 : i32
      %dma_wait3A_104 = tpu.memref_slice %arg8[%run_scoped3A_26, %dma_wait3A_102, %dma_wait3A_103] : memref<2x128x128xf32, #tpu.memory_space<vmem>> -> memref<1x128x128xf32, #tpu.memory_space<vmem>>
      %dma_wait3A_105 = tpu.memref_squeeze %dma_wait3A_104 : memref<1x128x128xf32, #tpu.memory_space<vmem>> -> memref<128x128xf32, #tpu.memory_space<vmem>>
      tpu.wait_dma2 semaphore(%run_scoped3A_82 : memref<!tpu.dma_semaphore, #tpu.memory_space<semaphore_mem>>) src(%dma_wait3A_105 : memref<128x128xf32, #tpu.memory_space<vmem>>) dst(%dma_wait3A_101 : memref<128x128xf32, #tpu.memory_space<vmem_shared>>)
      tpu.yield
    }) : () -> ()
    %mul3A_27 = arith.constant 640 : i32
    %mul3A_28 = arith.muli %arg1, %mul3A_27 : i32
    %add3A_29 = arith.constant 512 : i32
    %add3A_30 = arith.addi %mul3A_28, %add3A_29 : i32
    %run_scoped3A_31 = arith.constant 0 : i32
    "tpu.region"() ({
      %run_scoped3A_82 = tpu.sem_alloc : memref<!tpu.dma_semaphore, #tpu.memory_space<semaphore_mem>>
      %dma_start3A_83 = arith.constant 0 : i32
      %dma_start3A_84 = arith.constant 0 : i32
      %dma_start3A_85 = tpu.memref_slice %arg8[%run_scoped3A_31, %dma_start3A_83, %dma_start3A_84] : memref<2x128x128xf32, #tpu.memory_space<vmem>> -> memref<1x128x128xf32, #tpu.memory_space<vmem>>
      %dma_start3A_86 = tpu.memref_squeeze %dma_start3A_85 : memref<1x128x128xf32, #tpu.memory_space<vmem>> -> memref<128x128xf32, #tpu.memory_space<vmem>>
      %dma_start3A_87 = arith.constant 0 : i32
      %dma_start3A_88 = tpu.memref_slice %arg9[%add3A_30, %dma_start3A_87] : memref<10240x128xf32, #tpu.memory_space<vmem_shared>> -> memref<128x128xf32, #tpu.memory_space<vmem_shared>>
      %dma_start3A_89 = arith.constant 0 : i32
      %dma_start3A_90 = tpu.memref_slice %arg9[%add3A_30, %dma_start3A_89] : memref<10240x128xf32, #tpu.memory_space<vmem_shared>> -> memref<128x128xf32, #tpu.memory_space<vmem_shared>>
      %dma_start3A_91 = arith.constant 0 : i32
      %dma_start3A_92 = arith.constant 0 : i32
      %dma_start3A_93 = tpu.memref_slice %arg8[%run_scoped3A_31, %dma_start3A_91, %dma_start3A_92] : memref<2x128x128xf32, #tpu.memory_space<vmem>> -> memref<1x128x128xf32, #tpu.memory_space<vmem>>
      %dma_start3A_94 = tpu.memref_squeeze %dma_start3A_93 : memref<1x128x128xf32, #tpu.memory_space<vmem>> -> memref<128x128xf32, #tpu.memory_space<vmem>>
      tpu.enqueue_dma source(%dma_start3A_94 : memref<128x128xf32, #tpu.memory_space<vmem>>) target(%dma_start3A_90 : memref<128x128xf32, #tpu.memory_space<vmem_shared>>) target_semaphore(%run_scoped3A_82 : memref<!tpu.dma_semaphore, #tpu.memory_space<semaphore_mem>>)
      %dma_wait3A = arith.constant 0 : i32
      %dma_wait3A_95 = arith.constant 0 : i32
      %dma_wait3A_96 = tpu.memref_slice %arg8[%run_scoped3A_31, %dma_wait3A, %dma_wait3A_95] : memref<2x128x128xf32, #tpu.memory_space<vmem>> -> memref<1x128x128xf32, #tpu.memory_space<vmem>>
      %dma_wait3A_97 = tpu.memref_squeeze %dma_wait3A_96 : memref<1x128x128xf32, #tpu.memory_space<vmem>> -> memref<128x128xf32, #tpu.memory_space<vmem>>
      %dma_wait3A_98 = arith.constant 0 : i32
      %dma_wait3A_99 = tpu.memref_slice %arg9[%add3A_30, %dma_wait3A_98] : memref<10240x128xf32, #tpu.memory_space<vmem_shared>> -> memref<128x128xf32, #tpu.memory_space<vmem_shared>>
      %dma_wait3A_100 = arith.constant 0 : i32
      %dma_wait3A_101 = tpu.memref_slice %arg9[%add3A_30, %dma_wait3A_100] : memref<10240x128xf32, #tpu.memory_space<vmem_shared>> -> memref<128x128xf32, #tpu.memory_space<vmem_shared>>
      %dma_wait3A_102 = arith.constant 0 : i32
      %dma_wait3A_103 = arith.constant 0 : i32
      %dma_wait3A_104 = tpu.memref_slice %arg8[%run_scoped3A_31, %dma_wait3A_102, %dma_wait3A_103] : memref<2x128x128xf32, #tpu.memory_space<vmem>> -> memref<1x128x128xf32, #tpu.memory_space<vmem>>
      %dma_wait3A_105 = tpu.memref_squeeze %dma_wait3A_104 : memref<1x128x128xf32, #tpu.memory_space<vmem>> -> memref<128x128xf32, #tpu.memory_space<vmem>>
      tpu.wait_dma2 semaphore(%run_scoped3A_82 : memref<!tpu.dma_semaphore, #tpu.memory_space<semaphore_mem>>) src(%dma_wait3A_105 : memref<128x128xf32, #tpu.memory_space<vmem>>) dst(%dma_wait3A_101 : memref<128x128xf32, #tpu.memory_space<vmem_shared>>)
      tpu.yield
    }) : () -> ()
    %barrier3A = arith.constant 0 : index
    tpu.barrier barrier_id(%barrier3A)
    "tpu.region"() ({
      %run_scoped3A_82 = tpu.sem_alloc : memref<!tpu.dma_semaphore, #tpu.memory_space<semaphore_mem>>
      %dma_start3A_83 = arith.constant 0 : i32
      %dma_start3A_84 = arith.constant 0 : i32
      %dma_start3A_85 = tpu.memref_slice %arg3[%add3A, %dma_start3A_83, %dma_start3A_84] : memref<32x80x128xi32, #tpu.memory_space<hbm>> -> memref<1x40x128xi32, #tpu.memory_space<hbm>>
      %dma_start3A_86 = tpu.memref_squeeze %dma_start3A_85 : memref<1x40x128xi32, #tpu.memory_space<hbm>> -> memref<40x128xi32, #tpu.memory_space<hbm>>
      %dma_start3A_87 = arith.constant 0 : i32
      %dma_start3A_88 = arith.constant 0 : i32
      %dma_start3A_89 = tpu.memref_slice %arg3[%add3A, %dma_start3A_87, %dma_start3A_88] : memref<32x80x128xi32, #tpu.memory_space<hbm>> -> memref<1x40x128xi32, #tpu.memory_space<hbm>>
      %dma_start3A_90 = tpu.memref_squeeze %dma_start3A_89 : memref<1x40x128xi32, #tpu.memory_space<hbm>> -> memref<40x128xi32, #tpu.memory_space<hbm>>
      tpu.enqueue_dma source(%dma_start3A_90 : memref<40x128xi32, #tpu.memory_space<hbm>>) target(%arg6 : memref<40x128xi32, #tpu.memory_space<vmem>>) target_semaphore(%run_scoped3A_82 : memref<!tpu.dma_semaphore, #tpu.memory_space<semaphore_mem>>)
      %dma_wait3A = arith.constant 0 : i32
      %dma_wait3A_91 = arith.constant 0 : i32
      %dma_wait3A_92 = tpu.memref_slice %arg3[%add3A, %dma_wait3A, %dma_wait3A_91] : memref<32x80x128xi32, #tpu.memory_space<hbm>> -> memref<1x40x128xi32, #tpu.memory_space<hbm>>
      %dma_wait3A_93 = tpu.memref_squeeze %dma_wait3A_92 : memref<1x40x128xi32, #tpu.memory_space<hbm>> -> memref<40x128xi32, #tpu.memory_space<hbm>>
      %dma_wait3A_94 = arith.constant 0 : i32
      %dma_wait3A_95 = arith.constant 0 : i32
      %dma_wait3A_96 = tpu.memref_slice %arg3[%add3A, %dma_wait3A_94, %dma_wait3A_95] : memref<32x80x128xi32, #tpu.memory_space<hbm>> -> memref<1x40x128xi32, #tpu.memory_space<hbm>>
      %dma_wait3A_97 = tpu.memref_squeeze %dma_wait3A_96 : memref<1x40x128xi32, #tpu.memory_space<hbm>> -> memref<40x128xi32, #tpu.memory_space<hbm>>
      tpu.wait_dma2 semaphore(%run_scoped3A_82 : memref<!tpu.dma_semaphore, #tpu.memory_space<semaphore_mem>>) src(%dma_wait3A_97 : memref<40x128xi32, #tpu.memory_space<hbm>>) dst(%arg6 : memref<40x128xi32, #tpu.memory_space<vmem>>)
      tpu.yield
    }) : () -> ()
    "tpu.region"() ({
      %run_scoped3A_82 = tpu.sem_alloc : memref<!tpu.dma_semaphore, #tpu.memory_space<semaphore_mem>>
      %dma_start3A_83 = arith.constant 0 : i32
      %dma_start3A_84 = arith.constant 0 : i32
      %dma_start3A_85 = tpu.memref_slice %arg4[%add3A, %dma_start3A_83, %dma_start3A_84] : memref<32x80x128xi32, #tpu.memory_space<hbm>> -> memref<1x40x128xi32, #tpu.memory_space<hbm>>
      %dma_start3A_86 = tpu.memref_squeeze %dma_start3A_85 : memref<1x40x128xi32, #tpu.memory_space<hbm>> -> memref<40x128xi32, #tpu.memory_space<hbm>>
      %dma_start3A_87 = arith.constant 0 : i32
      %dma_start3A_88 = arith.constant 0 : i32
      %dma_start3A_89 = tpu.memref_slice %arg4[%add3A, %dma_start3A_87, %dma_start3A_88] : memref<32x80x128xi32, #tpu.memory_space<hbm>> -> memref<1x40x128xi32, #tpu.memory_space<hbm>>
      %dma_start3A_90 = tpu.memref_squeeze %dma_start3A_89 : memref<1x40x128xi32, #tpu.memory_space<hbm>> -> memref<40x128xi32, #tpu.memory_space<hbm>>
      tpu.enqueue_dma source(%dma_start3A_90 : memref<40x128xi32, #tpu.memory_space<hbm>>) target(%arg7 : memref<40x128xi32, #tpu.memory_space<vmem>>) target_semaphore(%run_scoped3A_82 : memref<!tpu.dma_semaphore, #tpu.memory_space<semaphore_mem>>)
      %dma_wait3A = arith.constant 0 : i32
      %dma_wait3A_91 = arith.constant 0 : i32
      %dma_wait3A_92 = tpu.memref_slice %arg4[%add3A, %dma_wait3A, %dma_wait3A_91] : memref<32x80x128xi32, #tpu.memory_space<hbm>> -> memref<1x40x128xi32, #tpu.memory_space<hbm>>
      %dma_wait3A_93 = tpu.memref_squeeze %dma_wait3A_92 : memref<1x40x128xi32, #tpu.memory_space<hbm>> -> memref<40x128xi32, #tpu.memory_space<hbm>>
      %dma_wait3A_94 = arith.constant 0 : i32
      %dma_wait3A_95 = arith.constant 0 : i32
      %dma_wait3A_96 = tpu.memref_slice %arg4[%add3A, %dma_wait3A_94, %dma_wait3A_95] : memref<32x80x128xi32, #tpu.memory_space<hbm>> -> memref<1x40x128xi32, #tpu.memory_space<hbm>>
      %dma_wait3A_97 = tpu.memref_squeeze %dma_wait3A_96 : memref<1x40x128xi32, #tpu.memory_space<hbm>> -> memref<40x128xi32, #tpu.memory_space<hbm>>
      tpu.wait_dma2 semaphore(%run_scoped3A_82 : memref<!tpu.dma_semaphore, #tpu.memory_space<semaphore_mem>>) src(%dma_wait3A_97 : memref<40x128xi32, #tpu.memory_space<hbm>>) dst(%arg7 : memref<40x128xi32, #tpu.memory_space<vmem>>)
      tpu.yield
    }) : () -> ()
    %dma_start3A = arith.constant 0 : i32
    %dma_start3A_32 = arith.constant 0 : i32
    %dma_start3A_33 = arith.constant 0 : i32
    %dma_start3A_34 = arith.constant 0 : i32
    %dma_start3A_35 = tpu.memref_slice %arg8[%dma_start3A_32, %dma_start3A_33, %dma_start3A_34] : memref<2x128x128xf32, #tpu.memory_space<vmem>> -> memref<1x128x128xf32, #tpu.memory_space<vmem>>
    %dma_start3A_36 = tpu.memref_squeeze %dma_start3A_35 : memref<1x128x128xf32, #tpu.memory_space<vmem>> -> memref<128x128xf32, #tpu.memory_space<vmem>>
    %dma_start3A_37 = arith.constant 0 : i32
    %dma_start3A_38 = tpu.memref_slice %arg6[%dma_start3A, %dma_start3A_37] : memref<40x128xi32, #tpu.memory_space<vmem>> -> memref<1x128xi32, #tpu.memory_space<vmem>>
    %dma_start3A_39 = tpu.memref_squeeze %dma_start3A_38 : memref<1x128xi32, #tpu.memory_space<vmem>> -> memref<128xi32, #tpu.memory_space<vmem>>
    %dma_start3A_40 = arith.constant 0 : i32
    %dma_start3A_41 = arith.constant 0 : i32
    %dma_start3A_42 = tpu.memref_slice %arg2[%arg0, %dma_start3A_40, %dma_start3A_41] : memref<2x10000x128xf32, #tpu.memory_space<hbm>> -> memref<1x10000x128xf32, #tpu.memory_space<hbm>>
    %dma_start3A_43 = tpu.memref_squeeze %dma_start3A_42 : memref<1x10000x128xf32, #tpu.memory_space<hbm>> -> memref<10000x128xf32, #tpu.memory_space<hbm>>
    %dma_start3A_44 = arith.constant 0 : i32
    %dma_start3A_45 = arith.constant 0 : i32
    %dma_start3A_46 = tpu.memref_slice %dma_start3A_43[%dma_start3A_44, %dma_start3A_45] : memref<10000x128xf32, #tpu.memory_space<hbm>> -> memref<10000x128xf32, #tpu.memory_space<hbm>>
    tpu.enqueue_indirect_dma source(%dma_start3A_46 : memref<10000x128xf32, #tpu.memory_space<hbm>>) target(%dma_start3A_36 : memref<128x128xf32, #tpu.memory_space<vmem>>) offsets(%dma_start3A_39 : memref<128xi32, #tpu.memory_space<vmem>>) semaphore(%arg10 : memref<!tpu.dma_semaphore, #tpu.memory_space<semaphore_mem>>)
    %scan3A_47 = arith.constant 0 : i32
    %scan3A_48 = arith.constant 0 : i32
    %scan3A_49 = arith.constant 20 : i32
    %scan3A_50 = arith.addi %scan3A_48, %scan3A_49 : i32
    %scan3A_51 = arith.constant 1 : i32
    %scan3A_52 = scf.for %scan3A_82 = %scan3A_48 to %scan3A_50 step %scan3A_51 iter_args(%scan3A_83 = %scan3A_47) -> (i32)  : i32 {
      %mul3A_84 = arith.constant 2 : i32
      %mul3A_85 = arith.muli %scan3A_82, %mul3A_84 : i32
      %add3A_86 = arith.constant 0 : i32
      %add3A_87 = arith.addi %mul3A_85, %add3A_86 : i32
      %dma_wait3A = arith.constant 0 : i32
      %dma_wait3A_88 = arith.constant 0 : i32
      %dma_wait3A_89 = arith.constant 0 : i32
      %dma_wait3A_90 = arith.constant 0 : i32
      %dma_wait3A_91 = tpu.memref_slice %arg8[%dma_wait3A_88, %dma_wait3A_89, %dma_wait3A_90] : memref<2x128x128xf32, #tpu.memory_space<vmem>> -> memref<1x128x128xf32, #tpu.memory_space<vmem>>
      %dma_wait3A_92 = tpu.memref_squeeze %dma_wait3A_91 : memref<1x128x128xf32, #tpu.memory_space<vmem>> -> memref<128x128xf32, #tpu.memory_space<vmem>>
      %dma_wait3A_93 = arith.constant 0 : i32
      %dma_wait3A_94 = tpu.memref_slice %arg6[%dma_wait3A, %dma_wait3A_93] : memref<40x128xi32, #tpu.memory_space<vmem>> -> memref<1x128xi32, #tpu.memory_space<vmem>>
      %dma_wait3A_95 = tpu.memref_squeeze %dma_wait3A_94 : memref<1x128xi32, #tpu.memory_space<vmem>> -> memref<128xi32, #tpu.memory_space<vmem>>
      %dma_wait3A_96 = arith.constant 0 : i32
      %dma_wait3A_97 = arith.constant 0 : i32
      %dma_wait3A_98 = tpu.memref_slice %arg2[%arg0, %dma_wait3A_96, %dma_wait3A_97] : memref<2x10000x128xf32, #tpu.memory_space<hbm>> -> memref<1x10000x128xf32, #tpu.memory_space<hbm>>
      %dma_wait3A_99 = tpu.memref_squeeze %dma_wait3A_98 : memref<1x10000x128xf32, #tpu.memory_space<hbm>> -> memref<10000x128xf32, #tpu.memory_space<hbm>>
      %dma_wait3A_100 = arith.constant 0 : i32
      %dma_wait3A_101 = arith.constant 0 : i32
      %dma_wait3A_102 = tpu.memref_slice %dma_wait3A_99[%dma_wait3A_100, %dma_wait3A_101] : memref<10000x128xf32, #tpu.memory_space<hbm>> -> memref<10000x128xf32, #tpu.memory_space<hbm>>
      tpu.wait_indirect_dma semaphore(%arg10 : memref<!tpu.dma_semaphore, #tpu.memory_space<semaphore_mem>>) src(%dma_wait3A_102 : memref<10000x128xf32, #tpu.memory_space<hbm>>) dst(%dma_wait3A_92 : memref<128x128xf32, #tpu.memory_space<vmem>>)
      %add3A_103 = arith.constant 1 : i32
      %add3A_104 = arith.addi %add3A_87, %add3A_103 : i32
      %lt3A = arith.constant 40 : i32
      %lt3A_105 = arith.cmpi slt, %add3A_104, %lt3A : i32
      %convert_element_type3A = arith.extui %lt3A_105 : i1 to i32
      %cond3A = arith.constant 0 : i32
      %cond3A_106 = arith.cmpi ne, %convert_element_type3A, %cond3A : i32
      scf.if %cond3A_106 {
        %dma_start3A_137 = arith.constant 1 : i32
        %dma_start3A_138 = arith.constant 0 : i32
        %dma_start3A_139 = arith.constant 0 : i32
        %dma_start3A_140 = tpu.memref_slice %arg8[%dma_start3A_137, %dma_start3A_138, %dma_start3A_139] : memref<2x128x128xf32, #tpu.memory_space<vmem>> -> memref<1x128x128xf32, #tpu.memory_space<vmem>>
        %dma_start3A_141 = tpu.memref_squeeze %dma_start3A_140 : memref<1x128x128xf32, #tpu.memory_space<vmem>> -> memref<128x128xf32, #tpu.memory_space<vmem>>
        %dma_start3A_142 = arith.constant 0 : i32
        %dma_start3A_143 = tpu.memref_slice %arg6[%add3A_104, %dma_start3A_142] : memref<40x128xi32, #tpu.memory_space<vmem>> -> memref<1x128xi32, #tpu.memory_space<vmem>>
        %dma_start3A_144 = tpu.memref_squeeze %dma_start3A_143 : memref<1x128xi32, #tpu.memory_space<vmem>> -> memref<128xi32, #tpu.memory_space<vmem>>
        %dma_start3A_145 = arith.constant 0 : i32
        %dma_start3A_146 = arith.constant 0 : i32
        %dma_start3A_147 = tpu.memref_slice %arg2[%arg0, %dma_start3A_145, %dma_start3A_146] : memref<2x10000x128xf32, #tpu.memory_space<hbm>> -> memref<1x10000x128xf32, #tpu.memory_space<hbm>>
        %dma_start3A_148 = tpu.memref_squeeze %dma_start3A_147 : memref<1x10000x128xf32, #tpu.memory_space<hbm>> -> memref<10000x128xf32, #tpu.memory_space<hbm>>
        %dma_start3A_149 = arith.constant 0 : i32
        %dma_start3A_150 = arith.constant 0 : i32
        %dma_start3A_151 = tpu.memref_slice %dma_start3A_148[%dma_start3A_149, %dma_start3A_150] : memref<10000x128xf32, #tpu.memory_space<hbm>> -> memref<10000x128xf32, #tpu.memory_space<hbm>>
        tpu.enqueue_indirect_dma source(%dma_start3A_151 : memref<10000x128xf32, #tpu.memory_space<hbm>>) target(%dma_start3A_141 : memref<128x128xf32, #tpu.memory_space<vmem>>) offsets(%dma_start3A_144 : memref<128xi32, #tpu.memory_space<vmem>>) semaphore(%arg11 : memref<!tpu.dma_semaphore, #tpu.memory_space<semaphore_mem>>)
      } else {
      }
      %run_scoped3A_107 = arith.constant 0 : i32
      "tpu.region"() ({
        %run_scoped3A_137 = tpu.sem_alloc : memref<!tpu.dma_semaphore, #tpu.memory_space<semaphore_mem>>
        %dma_start3A_138 = arith.constant 0 : i32
        %dma_start3A_139 = arith.constant 0 : i32
        %dma_start3A_140 = tpu.memref_slice %arg8[%run_scoped3A_107, %dma_start3A_138, %dma_start3A_139] : memref<2x128x128xf32, #tpu.memory_space<vmem>> -> memref<1x128x128xf32, #tpu.memory_space<vmem>>
        %dma_start3A_141 = tpu.memref_squeeze %dma_start3A_140 : memref<1x128x128xf32, #tpu.memory_space<vmem>> -> memref<128x128xf32, #tpu.memory_space<vmem>>
        %dma_start3A_142 = arith.constant 0 : i32
        %dma_start3A_143 = tpu.memref_slice %arg7[%add3A_87, %dma_start3A_142] : memref<40x128xi32, #tpu.memory_space<vmem>> -> memref<1x128xi32, #tpu.memory_space<vmem>>
        %dma_start3A_144 = tpu.memref_squeeze %dma_start3A_143 : memref<1x128xi32, #tpu.memory_space<vmem>> -> memref<128xi32, #tpu.memory_space<vmem>>
        %dma_start3A_145 = arith.constant 0 : i32
        %dma_start3A_146 = arith.constant 0 : i32
        %dma_start3A_147 = tpu.memref_slice %arg9[%dma_start3A_145, %dma_start3A_146] : memref<10240x128xf32, #tpu.memory_space<vmem_shared>> -> memref<10240x128xf32, #tpu.memory_space<vmem_shared>>
        tpu.enqueue_indirect_dma source(%dma_start3A_141 : memref<128x128xf32, #tpu.memory_space<vmem>>) target(%dma_start3A_147 : memref<10240x128xf32, #tpu.memory_space<vmem_shared>>) offsets(%dma_start3A_144 : memref<128xi32, #tpu.memory_space<vmem>>) semaphore(%run_scoped3A_137 : memref<!tpu.dma_semaphore, #tpu.memory_space<semaphore_mem>>) {add = true}
        %dma_wait3A_148 = arith.constant 0 : i32
        %dma_wait3A_149 = arith.constant 0 : i32
        %dma_wait3A_150 = tpu.memref_slice %arg8[%run_scoped3A_107, %dma_wait3A_148, %dma_wait3A_149] : memref<2x128x128xf32, #tpu.memory_space<vmem>> -> memref<1x128x128xf32, #tpu.memory_space<vmem>>
        %dma_wait3A_151 = tpu.memref_squeeze %dma_wait3A_150 : memref<1x128x128xf32, #tpu.memory_space<vmem>> -> memref<128x128xf32, #tpu.memory_space<vmem>>
        %dma_wait3A_152 = arith.constant 0 : i32
        %dma_wait3A_153 = tpu.memref_slice %arg7[%add3A_87, %dma_wait3A_152] : memref<40x128xi32, #tpu.memory_space<vmem>> -> memref<1x128xi32, #tpu.memory_space<vmem>>
        %dma_wait3A_154 = tpu.memref_squeeze %dma_wait3A_153 : memref<1x128xi32, #tpu.memory_space<vmem>> -> memref<128xi32, #tpu.memory_space<vmem>>
        %dma_wait3A_155 = arith.constant 0 : i32
        %dma_wait3A_156 = arith.constant 0 : i32
        %dma_wait3A_157 = tpu.memref_slice %arg9[%dma_wait3A_155, %dma_wait3A_156] : memref<10240x128xf32, #tpu.memory_space<vmem_shared>> -> memref<10240x128xf32, #tpu.memory_space<vmem_shared>>
        tpu.wait_indirect_dma semaphore(%run_scoped3A_137 : memref<!tpu.dma_semaphore, #tpu.memory_space<semaphore_mem>>) src(%dma_wait3A_151 : memref<128x128xf32, #tpu.memory_space<vmem>>) dst(%dma_wait3A_157 : memref<10240x128xf32, #tpu.memory_space<vmem_shared>>)
        tpu.yield
      }) : () -> ()
      %mul3A_108 = arith.constant 2 : i32
      %mul3A_109 = arith.muli %scan3A_82, %mul3A_108 : i32
      %add3A_110 = arith.constant 1 : i32
      %add3A_111 = arith.addi %mul3A_109, %add3A_110 : i32
      %dma_wait3A_112 = arith.constant 0 : i32
      %dma_wait3A_113 = arith.constant 1 : i32
      %dma_wait3A_114 = arith.constant 0 : i32
      %dma_wait3A_115 = arith.constant 0 : i32
      %dma_wait3A_116 = tpu.memref_slice %arg8[%dma_wait3A_113, %dma_wait3A_114, %dma_wait3A_115] : memref<2x128x128xf32, #tpu.memory_space<vmem>> -> memref<1x128x128xf32, #tpu.memory_space<vmem>>
      %dma_wait3A_117 = tpu.memref_squeeze %dma_wait3A_116 : memref<1x128x128xf32, #tpu.memory_space<vmem>> -> memref<128x128xf32, #tpu.memory_space<vmem>>
      %dma_wait3A_118 = arith.constant 0 : i32
      %dma_wait3A_119 = tpu.memref_slice %arg6[%dma_wait3A_112, %dma_wait3A_118] : memref<40x128xi32, #tpu.memory_space<vmem>> -> memref<1x128xi32, #tpu.memory_space<vmem>>
      %dma_wait3A_120 = tpu.memref_squeeze %dma_wait3A_119 : memref<1x128xi32, #tpu.memory_space<vmem>> -> memref<128xi32, #tpu.memory_space<vmem>>
      %dma_wait3A_121 = arith.constant 0 : i32
      %dma_wait3A_122 = arith.constant 0 : i32
      %dma_wait3A_123 = tpu.memref_slice %arg2[%arg0, %dma_wait3A_121, %dma_wait3A_122] : memref<2x10000x128xf32, #tpu.memory_space<hbm>> -> memref<1x10000x128xf32, #tpu.memory_space<hbm>>
      %dma_wait3A_124 = tpu.memref_squeeze %dma_wait3A_123 : memref<1x10000x128xf32, #tpu.memory_space<hbm>> -> memref<10000x128xf32, #tpu.memory_space<hbm>>
      %dma_wait3A_125 = arith.constant 0 : i32
      %dma_wait3A_126 = arith.constant 0 : i32
      %dma_wait3A_127 = tpu.memref_slice %dma_wait3A_124[%dma_wait3A_125, %dma_wait3A_126] : memref<10000x128xf32, #tpu.memory_space<hbm>> -> memref<10000x128xf32, #tpu.memory_space<hbm>>
      tpu.wait_indirect_dma semaphore(%arg11 : memref<!tpu.dma_semaphore, #tpu.memory_space<semaphore_mem>>) src(%dma_wait3A_127 : memref<10000x128xf32, #tpu.memory_space<hbm>>) dst(%dma_wait3A_117 : memref<128x128xf32, #tpu.memory_space<vmem>>)
      %add3A_128 = arith.constant 1 : i32
      %add3A_129 = arith.addi %add3A_111, %add3A_128 : i32
      %lt3A_130 = arith.constant 40 : i32
      %lt3A_131 = arith.cmpi slt, %add3A_129, %lt3A_130 : i32
      %convert_element_type3A_132 = arith.extui %lt3A_131 : i1 to i32
      %cond3A_133 = arith.constant 0 : i32
      %cond3A_134 = arith.cmpi ne, %convert_element_type3A_132, %cond3A_133 : i32
      scf.if %cond3A_134 {
        %dma_start3A_137 = arith.constant 0 : i32
        %dma_start3A_138 = arith.constant 0 : i32
        %dma_start3A_139 = arith.constant 0 : i32
        %dma_start3A_140 = tpu.memref_slice %arg8[%dma_start3A_137, %dma_start3A_138, %dma_start3A_139] : memref<2x128x128xf32, #tpu.memory_space<vmem>> -> memref<1x128x128xf32, #tpu.memory_space<vmem>>
        %dma_start3A_141 = tpu.memref_squeeze %dma_start3A_140 : memref<1x128x128xf32, #tpu.memory_space<vmem>> -> memref<128x128xf32, #tpu.memory_space<vmem>>
        %dma_start3A_142 = arith.constant 0 : i32
        %dma_start3A_143 = tpu.memref_slice %arg6[%add3A_129, %dma_start3A_142] : memref<40x128xi32, #tpu.memory_space<vmem>> -> memref<1x128xi32, #tpu.memory_space<vmem>>
        %dma_start3A_144 = tpu.memref_squeeze %dma_start3A_143 : memref<1x128xi32, #tpu.memory_space<vmem>> -> memref<128xi32, #tpu.memory_space<vmem>>
        %dma_start3A_145 = arith.constant 0 : i32
        %dma_start3A_146 = arith.constant 0 : i32
        %dma_start3A_147 = tpu.memref_slice %arg2[%arg0, %dma_start3A_145, %dma_start3A_146] : memref<2x10000x128xf32, #tpu.memory_space<hbm>> -> memref<1x10000x128xf32, #tpu.memory_space<hbm>>
        %dma_start3A_148 = tpu.memref_squeeze %dma_start3A_147 : memref<1x10000x128xf32, #tpu.memory_space<hbm>> -> memref<10000x128xf32, #tpu.memory_space<hbm>>
        %dma_start3A_149 = arith.constant 0 : i32
        %dma_start3A_150 = arith.constant 0 : i32
        %dma_start3A_151 = tpu.memref_slice %dma_start3A_148[%dma_start3A_149, %dma_start3A_150] : memref<10000x128xf32, #tpu.memory_space<hbm>> -> memref<10000x128xf32, #tpu.memory_space<hbm>>
        tpu.enqueue_indirect_dma source(%dma_start3A_151 : memref<10000x128xf32, #tpu.memory_space<hbm>>) target(%dma_start3A_141 : memref<128x128xf32, #tpu.memory_space<vmem>>) offsets(%dma_start3A_144 : memref<128xi32, #tpu.memory_space<vmem>>) semaphore(%arg10 : memref<!tpu.dma_semaphore, #tpu.memory_space<semaphore_mem>>)
      } else {
      }
      %run_scoped3A_135 = arith.constant 1 : i32
      "tpu.region"() ({
        %run_scoped3A_137 = tpu.sem_alloc : memref<!tpu.dma_semaphore, #tpu.memory_space<semaphore_mem>>
        %dma_start3A_138 = arith.constant 0 : i32
        %dma_start3A_139 = arith.constant 0 : i32
        %dma_start3A_140 = tpu.memref_slice %arg8[%run_scoped3A_135, %dma_start3A_138, %dma_start3A_139] : memref<2x128x128xf32, #tpu.memory_space<vmem>> -> memref<1x128x128xf32, #tpu.memory_space<vmem>>
        %dma_start3A_141 = tpu.memref_squeeze %dma_start3A_140 : memref<1x128x128xf32, #tpu.memory_space<vmem>> -> memref<128x128xf32, #tpu.memory_space<vmem>>
        %dma_start3A_142 = arith.constant 0 : i32
        %dma_start3A_143 = tpu.memref_slice %arg7[%add3A_111, %dma_start3A_142] : memref<40x128xi32, #tpu.memory_space<vmem>> -> memref<1x128xi32, #tpu.memory_space<vmem>>
        %dma_start3A_144 = tpu.memref_squeeze %dma_start3A_143 : memref<1x128xi32, #tpu.memory_space<vmem>> -> memref<128xi32, #tpu.memory_space<vmem>>
        %dma_start3A_145 = arith.constant 0 : i32
        %dma_start3A_146 = arith.constant 0 : i32
        %dma_start3A_147 = tpu.memref_slice %arg9[%dma_start3A_145, %dma_start3A_146] : memref<10240x128xf32, #tpu.memory_space<vmem_shared>> -> memref<10240x128xf32, #tpu.memory_space<vmem_shared>>
        tpu.enqueue_indirect_dma source(%dma_start3A_141 : memref<128x128xf32, #tpu.memory_space<vmem>>) target(%dma_start3A_147 : memref<10240x128xf32, #tpu.memory_space<vmem_shared>>) offsets(%dma_start3A_144 : memref<128xi32, #tpu.memory_space<vmem>>) semaphore(%run_scoped3A_137 : memref<!tpu.dma_semaphore, #tpu.memory_space<semaphore_mem>>) {add = true}
        %dma_wait3A_148 = arith.constant 0 : i32
        %dma_wait3A_149 = arith.constant 0 : i32
        %dma_wait3A_150 = tpu.memref_slice %arg8[%run_scoped3A_135, %dma_wait3A_148, %dma_wait3A_149] : memref<2x128x128xf32, #tpu.memory_space<vmem>> -> memref<1x128x128xf32, #tpu.memory_space<vmem>>
        %dma_wait3A_151 = tpu.memref_squeeze %dma_wait3A_150 : memref<1x128x128xf32, #tpu.memory_space<vmem>> -> memref<128x128xf32, #tpu.memory_space<vmem>>
        %dma_wait3A_152 = arith.constant 0 : i32
        %dma_wait3A_153 = tpu.memref_slice %arg7[%add3A_111, %dma_wait3A_152] : memref<40x128xi32, #tpu.memory_space<vmem>> -> memref<1x128xi32, #tpu.memory_space<vmem>>
        %dma_wait3A_154 = tpu.memref_squeeze %dma_wait3A_153 : memref<1x128xi32, #tpu.memory_space<vmem>> -> memref<128xi32, #tpu.memory_space<vmem>>
        %dma_wait3A_155 = arith.constant 0 : i32
        %dma_wait3A_156 = arith.constant 0 : i32
        %dma_wait3A_157 = tpu.memref_slice %arg9[%dma_wait3A_155, %dma_wait3A_156] : memref<10240x128xf32, #tpu.memory_space<vmem_shared>> -> memref<10240x128xf32, #tpu.memory_space<vmem_shared>>
        tpu.wait_indirect_dma semaphore(%run_scoped3A_137 : memref<!tpu.dma_semaphore, #tpu.memory_space<semaphore_mem>>) src(%dma_wait3A_151 : memref<128x128xf32, #tpu.memory_space<vmem>>) dst(%dma_wait3A_157 : memref<10240x128xf32, #tpu.memory_space<vmem_shared>>)
        tpu.yield
      }) : () -> ()
      %scan3A_136 = arith.constant 0 : i32
      scf.yield %scan3A_136 : i32
    }
    %scan3A_53 = arith.constant 20 : i32
    "tpu.region"() ({
      %run_scoped3A_82 = tpu.sem_alloc : memref<!tpu.dma_semaphore, #tpu.memory_space<semaphore_mem>>
      %dma_start3A_83 = arith.constant 40 : i32
      %dma_start3A_84 = arith.constant 0 : i32
      %dma_start3A_85 = tpu.memref_slice %arg3[%add3A, %dma_start3A_83, %dma_start3A_84] : memref<32x80x128xi32, #tpu.memory_space<hbm>> -> memref<1x40x128xi32, #tpu.memory_space<hbm>>
      %dma_start3A_86 = tpu.memref_squeeze %dma_start3A_85 : memref<1x40x128xi32, #tpu.memory_space<hbm>> -> memref<40x128xi32, #tpu.memory_space<hbm>>
      %dma_start3A_87 = arith.constant 40 : i32
      %dma_start3A_88 = arith.constant 0 : i32
      %dma_start3A_89 = tpu.memref_slice %arg3[%add3A, %dma_start3A_87, %dma_start3A_88] : memref<32x80x128xi32, #tpu.memory_space<hbm>> -> memref<1x40x128xi32, #tpu.memory_space<hbm>>
      %dma_start3A_90 = tpu.memref_squeeze %dma_start3A_89 : memref<1x40x128xi32, #tpu.memory_space<hbm>> -> memref<40x128xi32, #tpu.memory_space<hbm>>
      tpu.enqueue_dma source(%dma_start3A_90 : memref<40x128xi32, #tpu.memory_space<hbm>>) target(%arg6 : memref<40x128xi32, #tpu.memory_space<vmem>>) target_semaphore(%run_scoped3A_82 : memref<!tpu.dma_semaphore, #tpu.memory_space<semaphore_mem>>)
      %dma_wait3A = arith.constant 40 : i32
      %dma_wait3A_91 = arith.constant 0 : i32
      %dma_wait3A_92 = tpu.memref_slice %arg3[%add3A, %dma_wait3A, %dma_wait3A_91] : memref<32x80x128xi32, #tpu.memory_space<hbm>> -> memref<1x40x128xi32, #tpu.memory_space<hbm>>
      %dma_wait3A_93 = tpu.memref_squeeze %dma_wait3A_92 : memref<1x40x128xi32, #tpu.memory_space<hbm>> -> memref<40x128xi32, #tpu.memory_space<hbm>>
      %dma_wait3A_94 = arith.constant 40 : i32
      %dma_wait3A_95 = arith.constant 0 : i32
      %dma_wait3A_96 = tpu.memref_slice %arg3[%add3A, %dma_wait3A_94, %dma_wait3A_95] : memref<32x80x128xi32, #tpu.memory_space<hbm>> -> memref<1x40x128xi32, #tpu.memory_space<hbm>>
      %dma_wait3A_97 = tpu.memref_squeeze %dma_wait3A_96 : memref<1x40x128xi32, #tpu.memory_space<hbm>> -> memref<40x128xi32, #tpu.memory_space<hbm>>
      tpu.wait_dma2 semaphore(%run_scoped3A_82 : memref<!tpu.dma_semaphore, #tpu.memory_space<semaphore_mem>>) src(%dma_wait3A_97 : memref<40x128xi32, #tpu.memory_space<hbm>>) dst(%arg6 : memref<40x128xi32, #tpu.memory_space<vmem>>)
      tpu.yield
    }) : () -> ()
    "tpu.region"() ({
      %run_scoped3A_82 = tpu.sem_alloc : memref<!tpu.dma_semaphore, #tpu.memory_space<semaphore_mem>>
      %dma_start3A_83 = arith.constant 40 : i32
      %dma_start3A_84 = arith.constant 0 : i32
      %dma_start3A_85 = tpu.memref_slice %arg4[%add3A, %dma_start3A_83, %dma_start3A_84] : memref<32x80x128xi32, #tpu.memory_space<hbm>> -> memref<1x40x128xi32, #tpu.memory_space<hbm>>
      %dma_start3A_86 = tpu.memref_squeeze %dma_start3A_85 : memref<1x40x128xi32, #tpu.memory_space<hbm>> -> memref<40x128xi32, #tpu.memory_space<hbm>>
      %dma_start3A_87 = arith.constant 40 : i32
      %dma_start3A_88 = arith.constant 0 : i32
      %dma_start3A_89 = tpu.memref_slice %arg4[%add3A, %dma_start3A_87, %dma_start3A_88] : memref<32x80x128xi32, #tpu.memory_space<hbm>> -> memref<1x40x128xi32, #tpu.memory_space<hbm>>
      %dma_start3A_90 = tpu.memref_squeeze %dma_start3A_89 : memref<1x40x128xi32, #tpu.memory_space<hbm>> -> memref<40x128xi32, #tpu.memory_space<hbm>>
      tpu.enqueue_dma source(%dma_start3A_90 : memref<40x128xi32, #tpu.memory_space<hbm>>) target(%arg7 : memref<40x128xi32, #tpu.memory_space<vmem>>) target_semaphore(%run_scoped3A_82 : memref<!tpu.dma_semaphore, #tpu.memory_space<semaphore_mem>>)
      %dma_wait3A = arith.constant 40 : i32
      %dma_wait3A_91 = arith.constant 0 : i32
      %dma_wait3A_92 = tpu.memref_slice %arg4[%add3A, %dma_wait3A, %dma_wait3A_91] : memref<32x80x128xi32, #tpu.memory_space<hbm>> -> memref<1x40x128xi32, #tpu.memory_space<hbm>>
      %dma_wait3A_93 = tpu.memref_squeeze %dma_wait3A_92 : memref<1x40x128xi32, #tpu.memory_space<hbm>> -> memref<40x128xi32, #tpu.memory_space<hbm>>
      %dma_wait3A_94 = arith.constant 40 : i32
      %dma_wait3A_95 = arith.constant 0 : i32
      %dma_wait3A_96 = tpu.memref_slice %arg4[%add3A, %dma_wait3A_94, %dma_wait3A_95] : memref<32x80x128xi32, #tpu.memory_space<hbm>> -> memref<1x40x128xi32, #tpu.memory_space<hbm>>
      %dma_wait3A_97 = tpu.memref_squeeze %dma_wait3A_96 : memref<1x40x128xi32, #tpu.memory_space<hbm>> -> memref<40x128xi32, #tpu.memory_space<hbm>>
      tpu.wait_dma2 semaphore(%run_scoped3A_82 : memref<!tpu.dma_semaphore, #tpu.memory_space<semaphore_mem>>) src(%dma_wait3A_97 : memref<40x128xi32, #tpu.memory_space<hbm>>) dst(%arg7 : memref<40x128xi32, #tpu.memory_space<vmem>>)
      tpu.yield
    }) : () -> ()
    %dma_start3A_54 = arith.constant 0 : i32
    %dma_start3A_55 = arith.constant 0 : i32
    %dma_start3A_56 = arith.constant 0 : i32
    %dma_start3A_57 = arith.constant 0 : i32
    %dma_start3A_58 = tpu.memref_slice %arg8[%dma_start3A_55, %dma_start3A_56, %dma_start3A_57] : memref<2x128x128xf32, #tpu.memory_space<vmem>> -> memref<1x128x128xf32, #tpu.memory_space<vmem>>
    %dma_start3A_59 = tpu.memref_squeeze %dma_start3A_58 : memref<1x128x128xf32, #tpu.memory_space<vmem>> -> memref<128x128xf32, #tpu.memory_space<vmem>>
    %dma_start3A_60 = arith.constant 0 : i32
    %dma_start3A_61 = tpu.memref_slice %arg6[%dma_start3A_54, %dma_start3A_60] : memref<40x128xi32, #tpu.memory_space<vmem>> -> memref<1x128xi32, #tpu.memory_space<vmem>>
    %dma_start3A_62 = tpu.memref_squeeze %dma_start3A_61 : memref<1x128xi32, #tpu.memory_space<vmem>> -> memref<128xi32, #tpu.memory_space<vmem>>
    %dma_start3A_63 = arith.constant 0 : i32
    %dma_start3A_64 = arith.constant 0 : i32
    %dma_start3A_65 = tpu.memref_slice %arg2[%arg0, %dma_start3A_63, %dma_start3A_64] : memref<2x10000x128xf32, #tpu.memory_space<hbm>> -> memref<1x10000x128xf32, #tpu.memory_space<hbm>>
    %dma_start3A_66 = tpu.memref_squeeze %dma_start3A_65 : memref<1x10000x128xf32, #tpu.memory_space<hbm>> -> memref<10000x128xf32, #tpu.memory_space<hbm>>
    %dma_start3A_67 = arith.constant 0 : i32
    %dma_start3A_68 = arith.constant 0 : i32
    %dma_start3A_69 = tpu.memref_slice %dma_start3A_66[%dma_start3A_67, %dma_start3A_68] : memref<10000x128xf32, #tpu.memory_space<hbm>> -> memref<10000x128xf32, #tpu.memory_space<hbm>>
    tpu.enqueue_indirect_dma source(%dma_start3A_69 : memref<10000x128xf32, #tpu.memory_space<hbm>>) target(%dma_start3A_59 : memref<128x128xf32, #tpu.memory_space<vmem>>) offsets(%dma_start3A_62 : memref<128xi32, #tpu.memory_space<vmem>>) semaphore(%arg10 : memref<!tpu.dma_semaphore, #tpu.memory_space<semaphore_mem>>)
    %scan3A_70 = arith.constant 0 : i32
    %scan3A_71 = arith.constant 0 : i32
    %scan3A_72 = arith.constant 20 : i32
    %scan3A_73 = arith.addi %scan3A_71, %scan3A_72 : i32
    %scan3A_74 = arith.constant 1 : i32
    %scan3A_75 = scf.for %scan3A_82 = %scan3A_71 to %scan3A_73 step %scan3A_74 iter_args(%scan3A_83 = %scan3A_70) -> (i32)  : i32 {
      %mul3A_84 = arith.constant 2 : i32
      %mul3A_85 = arith.muli %scan3A_82, %mul3A_84 : i32
      %add3A_86 = arith.constant 0 : i32
      %add3A_87 = arith.addi %mul3A_85, %add3A_86 : i32
      %dma_wait3A = arith.constant 0 : i32
      %dma_wait3A_88 = arith.constant 0 : i32
      %dma_wait3A_89 = arith.constant 0 : i32
      %dma_wait3A_90 = arith.constant 0 : i32
      %dma_wait3A_91 = tpu.memref_slice %arg8[%dma_wait3A_88, %dma_wait3A_89, %dma_wait3A_90] : memref<2x128x128xf32, #tpu.memory_space<vmem>> -> memref<1x128x128xf32, #tpu.memory_space<vmem>>
      %dma_wait3A_92 = tpu.memref_squeeze %dma_wait3A_91 : memref<1x128x128xf32, #tpu.memory_space<vmem>> -> memref<128x128xf32, #tpu.memory_space<vmem>>
      %dma_wait3A_93 = arith.constant 0 : i32
      %dma_wait3A_94 = tpu.memref_slice %arg6[%dma_wait3A, %dma_wait3A_93] : memref<40x128xi32, #tpu.memory_space<vmem>> -> memref<1x128xi32, #tpu.memory_space<vmem>>
      %dma_wait3A_95 = tpu.memref_squeeze %dma_wait3A_94 : memref<1x128xi32, #tpu.memory_space<vmem>> -> memref<128xi32, #tpu.memory_space<vmem>>
      %dma_wait3A_96 = arith.constant 0 : i32
      %dma_wait3A_97 = arith.constant 0 : i32
      %dma_wait3A_98 = tpu.memref_slice %arg2[%arg0, %dma_wait3A_96, %dma_wait3A_97] : memref<2x10000x128xf32, #tpu.memory_space<hbm>> -> memref<1x10000x128xf32, #tpu.memory_space<hbm>>
      %dma_wait3A_99 = tpu.memref_squeeze %dma_wait3A_98 : memref<1x10000x128xf32, #tpu.memory_space<hbm>> -> memref<10000x128xf32, #tpu.memory_space<hbm>>
      %dma_wait3A_100 = arith.constant 0 : i32
      %dma_wait3A_101 = arith.constant 0 : i32
      %dma_wait3A_102 = tpu.memref_slice %dma_wait3A_99[%dma_wait3A_100, %dma_wait3A_101] : memref<10000x128xf32, #tpu.memory_space<hbm>> -> memref<10000x128xf32, #tpu.memory_space<hbm>>
      tpu.wait_indirect_dma semaphore(%arg10 : memref<!tpu.dma_semaphore, #tpu.memory_space<semaphore_mem>>) src(%dma_wait3A_102 : memref<10000x128xf32, #tpu.memory_space<hbm>>) dst(%dma_wait3A_92 : memref<128x128xf32, #tpu.memory_space<vmem>>)
      %add3A_103 = arith.constant 1 : i32
      %add3A_104 = arith.addi %add3A_87, %add3A_103 : i32
      %lt3A = arith.constant 40 : i32
      %lt3A_105 = arith.cmpi slt, %add3A_104, %lt3A : i32
      %convert_element_type3A = arith.extui %lt3A_105 : i1 to i32
      %cond3A = arith.constant 0 : i32
      %cond3A_106 = arith.cmpi ne, %convert_element_type3A, %cond3A : i32
      scf.if %cond3A_106 {
        %dma_start3A_137 = arith.constant 1 : i32
        %dma_start3A_138 = arith.constant 0 : i32
        %dma_start3A_139 = arith.constant 0 : i32
        %dma_start3A_140 = tpu.memref_slice %arg8[%dma_start3A_137, %dma_start3A_138, %dma_start3A_139] : memref<2x128x128xf32, #tpu.memory_space<vmem>> -> memref<1x128x128xf32, #tpu.memory_space<vmem>>
        %dma_start3A_141 = tpu.memref_squeeze %dma_start3A_140 : memref<1x128x128xf32, #tpu.memory_space<vmem>> -> memref<128x128xf32, #tpu.memory_space<vmem>>
        %dma_start3A_142 = arith.constant 0 : i32
        %dma_start3A_143 = tpu.memref_slice %arg6[%add3A_104, %dma_start3A_142] : memref<40x128xi32, #tpu.memory_space<vmem>> -> memref<1x128xi32, #tpu.memory_space<vmem>>
        %dma_start3A_144 = tpu.memref_squeeze %dma_start3A_143 : memref<1x128xi32, #tpu.memory_space<vmem>> -> memref<128xi32, #tpu.memory_space<vmem>>
        %dma_start3A_145 = arith.constant 0 : i32
        %dma_start3A_146 = arith.constant 0 : i32
        %dma_start3A_147 = tpu.memref_slice %arg2[%arg0, %dma_start3A_145, %dma_start3A_146] : memref<2x10000x128xf32, #tpu.memory_space<hbm>> -> memref<1x10000x128xf32, #tpu.memory_space<hbm>>
        %dma_start3A_148 = tpu.memref_squeeze %dma_start3A_147 : memref<1x10000x128xf32, #tpu.memory_space<hbm>> -> memref<10000x128xf32, #tpu.memory_space<hbm>>
        %dma_start3A_149 = arith.constant 0 : i32
        %dma_start3A_150 = arith.constant 0 : i32
        %dma_start3A_151 = tpu.memref_slice %dma_start3A_148[%dma_start3A_149, %dma_start3A_150] : memref<10000x128xf32, #tpu.memory_space<hbm>> -> memref<10000x128xf32, #tpu.memory_space<hbm>>
        tpu.enqueue_indirect_dma source(%dma_start3A_151 : memref<10000x128xf32, #tpu.memory_space<hbm>>) target(%dma_start3A_141 : memref<128x128xf32, #tpu.memory_space<vmem>>) offsets(%dma_start3A_144 : memref<128xi32, #tpu.memory_space<vmem>>) semaphore(%arg11 : memref<!tpu.dma_semaphore, #tpu.memory_space<semaphore_mem>>)
      } else {
      }
      %run_scoped3A_107 = arith.constant 0 : i32
      "tpu.region"() ({
        %run_scoped3A_137 = tpu.sem_alloc : memref<!tpu.dma_semaphore, #tpu.memory_space<semaphore_mem>>
        %dma_start3A_138 = arith.constant 0 : i32
        %dma_start3A_139 = arith.constant 0 : i32
        %dma_start3A_140 = tpu.memref_slice %arg8[%run_scoped3A_107, %dma_start3A_138, %dma_start3A_139] : memref<2x128x128xf32, #tpu.memory_space<vmem>> -> memref<1x128x128xf32, #tpu.memory_space<vmem>>
        %dma_start3A_141 = tpu.memref_squeeze %dma_start3A_140 : memref<1x128x128xf32, #tpu.memory_space<vmem>> -> memref<128x128xf32, #tpu.memory_space<vmem>>
        %dma_start3A_142 = arith.constant 0 : i32
        %dma_start3A_143 = tpu.memref_slice %arg7[%add3A_87, %dma_start3A_142] : memref<40x128xi32, #tpu.memory_space<vmem>> -> memref<1x128xi32, #tpu.memory_space<vmem>>
        %dma_start3A_144 = tpu.memref_squeeze %dma_start3A_143 : memref<1x128xi32, #tpu.memory_space<vmem>> -> memref<128xi32, #tpu.memory_space<vmem>>
        %dma_start3A_145 = arith.constant 0 : i32
        %dma_start3A_146 = arith.constant 0 : i32
        %dma_start3A_147 = tpu.memref_slice %arg9[%dma_start3A_145, %dma_start3A_146] : memref<10240x128xf32, #tpu.memory_space<vmem_shared>> -> memref<10240x128xf32, #tpu.memory_space<vmem_shared>>
        tpu.enqueue_indirect_dma source(%dma_start3A_141 : memref<128x128xf32, #tpu.memory_space<vmem>>) target(%dma_start3A_147 : memref<10240x128xf32, #tpu.memory_space<vmem_shared>>) offsets(%dma_start3A_144 : memref<128xi32, #tpu.memory_space<vmem>>) semaphore(%run_scoped3A_137 : memref<!tpu.dma_semaphore, #tpu.memory_space<semaphore_mem>>) {add = true}
        %dma_wait3A_148 = arith.constant 0 : i32
        %dma_wait3A_149 = arith.constant 0 : i32
        %dma_wait3A_150 = tpu.memref_slice %arg8[%run_scoped3A_107, %dma_wait3A_148, %dma_wait3A_149] : memref<2x128x128xf32, #tpu.memory_space<vmem>> -> memref<1x128x128xf32, #tpu.memory_space<vmem>>
        %dma_wait3A_151 = tpu.memref_squeeze %dma_wait3A_150 : memref<1x128x128xf32, #tpu.memory_space<vmem>> -> memref<128x128xf32, #tpu.memory_space<vmem>>
        %dma_wait3A_152 = arith.constant 0 : i32
        %dma_wait3A_153 = tpu.memref_slice %arg7[%add3A_87, %dma_wait3A_152] : memref<40x128xi32, #tpu.memory_space<vmem>> -> memref<1x128xi32, #tpu.memory_space<vmem>>
        %dma_wait3A_154 = tpu.memref_squeeze %dma_wait3A_153 : memref<1x128xi32, #tpu.memory_space<vmem>> -> memref<128xi32, #tpu.memory_space<vmem>>
        %dma_wait3A_155 = arith.constant 0 : i32
        %dma_wait3A_156 = arith.constant 0 : i32
        %dma_wait3A_157 = tpu.memref_slice %arg9[%dma_wait3A_155, %dma_wait3A_156] : memref<10240x128xf32, #tpu.memory_space<vmem_shared>> -> memref<10240x128xf32, #tpu.memory_space<vmem_shared>>
        tpu.wait_indirect_dma semaphore(%run_scoped3A_137 : memref<!tpu.dma_semaphore, #tpu.memory_space<semaphore_mem>>) src(%dma_wait3A_151 : memref<128x128xf32, #tpu.memory_space<vmem>>) dst(%dma_wait3A_157 : memref<10240x128xf32, #tpu.memory_space<vmem_shared>>)
        tpu.yield
      }) : () -> ()
      %mul3A_108 = arith.constant 2 : i32
      %mul3A_109 = arith.muli %scan3A_82, %mul3A_108 : i32
      %add3A_110 = arith.constant 1 : i32
      %add3A_111 = arith.addi %mul3A_109, %add3A_110 : i32
      %dma_wait3A_112 = arith.constant 0 : i32
      %dma_wait3A_113 = arith.constant 1 : i32
      %dma_wait3A_114 = arith.constant 0 : i32
      %dma_wait3A_115 = arith.constant 0 : i32
      %dma_wait3A_116 = tpu.memref_slice %arg8[%dma_wait3A_113, %dma_wait3A_114, %dma_wait3A_115] : memref<2x128x128xf32, #tpu.memory_space<vmem>> -> memref<1x128x128xf32, #tpu.memory_space<vmem>>
      %dma_wait3A_117 = tpu.memref_squeeze %dma_wait3A_116 : memref<1x128x128xf32, #tpu.memory_space<vmem>> -> memref<128x128xf32, #tpu.memory_space<vmem>>
      %dma_wait3A_118 = arith.constant 0 : i32
      %dma_wait3A_119 = tpu.memref_slice %arg6[%dma_wait3A_112, %dma_wait3A_118] : memref<40x128xi32, #tpu.memory_space<vmem>> -> memref<1x128xi32, #tpu.memory_space<vmem>>
      %dma_wait3A_120 = tpu.memref_squeeze %dma_wait3A_119 : memref<1x128xi32, #tpu.memory_space<vmem>> -> memref<128xi32, #tpu.memory_space<vmem>>
      %dma_wait3A_121 = arith.constant 0 : i32
      %dma_wait3A_122 = arith.constant 0 : i32
      %dma_wait3A_123 = tpu.memref_slice %arg2[%arg0, %dma_wait3A_121, %dma_wait3A_122] : memref<2x10000x128xf32, #tpu.memory_space<hbm>> -> memref<1x10000x128xf32, #tpu.memory_space<hbm>>
      %dma_wait3A_124 = tpu.memref_squeeze %dma_wait3A_123 : memref<1x10000x128xf32, #tpu.memory_space<hbm>> -> memref<10000x128xf32, #tpu.memory_space<hbm>>
      %dma_wait3A_125 = arith.constant 0 : i32
      %dma_wait3A_126 = arith.constant 0 : i32
      %dma_wait3A_127 = tpu.memref_slice %dma_wait3A_124[%dma_wait3A_125, %dma_wait3A_126] : memref<10000x128xf32, #tpu.memory_space<hbm>> -> memref<10000x128xf32, #tpu.memory_space<hbm>>
      tpu.wait_indirect_dma semaphore(%arg11 : memref<!tpu.dma_semaphore, #tpu.memory_space<semaphore_mem>>) src(%dma_wait3A_127 : memref<10000x128xf32, #tpu.memory_space<hbm>>) dst(%dma_wait3A_117 : memref<128x128xf32, #tpu.memory_space<vmem>>)
      %add3A_128 = arith.constant 1 : i32
      %add3A_129 = arith.addi %add3A_111, %add3A_128 : i32
      %lt3A_130 = arith.constant 40 : i32
      %lt3A_131 = arith.cmpi slt, %add3A_129, %lt3A_130 : i32
      %convert_element_type3A_132 = arith.extui %lt3A_131 : i1 to i32
      %cond3A_133 = arith.constant 0 : i32
      %cond3A_134 = arith.cmpi ne, %convert_element_type3A_132, %cond3A_133 : i32
      scf.if %cond3A_134 {
        %dma_start3A_137 = arith.constant 0 : i32
        %dma_start3A_138 = arith.constant 0 : i32
        %dma_start3A_139 = arith.constant 0 : i32
        %dma_start3A_140 = tpu.memref_slice %arg8[%dma_start3A_137, %dma_start3A_138, %dma_start3A_139] : memref<2x128x128xf32, #tpu.memory_space<vmem>> -> memref<1x128x128xf32, #tpu.memory_space<vmem>>
        %dma_start3A_141 = tpu.memref_squeeze %dma_start3A_140 : memref<1x128x128xf32, #tpu.memory_space<vmem>> -> memref<128x128xf32, #tpu.memory_space<vmem>>
        %dma_start3A_142 = arith.constant 0 : i32
        %dma_start3A_143 = tpu.memref_slice %arg6[%add3A_129, %dma_start3A_142] : memref<40x128xi32, #tpu.memory_space<vmem>> -> memref<1x128xi32, #tpu.memory_space<vmem>>
        %dma_start3A_144 = tpu.memref_squeeze %dma_start3A_143 : memref<1x128xi32, #tpu.memory_space<vmem>> -> memref<128xi32, #tpu.memory_space<vmem>>
        %dma_start3A_145 = arith.constant 0 : i32
        %dma_start3A_146 = arith.constant 0 : i32
        %dma_start3A_147 = tpu.memref_slice %arg2[%arg0, %dma_start3A_145, %dma_start3A_146] : memref<2x10000x128xf32, #tpu.memory_space<hbm>> -> memref<1x10000x128xf32, #tpu.memory_space<hbm>>
        %dma_start3A_148 = tpu.memref_squeeze %dma_start3A_147 : memref<1x10000x128xf32, #tpu.memory_space<hbm>> -> memref<10000x128xf32, #tpu.memory_space<hbm>>
        %dma_start3A_149 = arith.constant 0 : i32
        %dma_start3A_150 = arith.constant 0 : i32
        %dma_start3A_151 = tpu.memref_slice %dma_start3A_148[%dma_start3A_149, %dma_start3A_150] : memref<10000x128xf32, #tpu.memory_space<hbm>> -> memref<10000x128xf32, #tpu.memory_space<hbm>>
        tpu.enqueue_indirect_dma source(%dma_start3A_151 : memref<10000x128xf32, #tpu.memory_space<hbm>>) target(%dma_start3A_141 : memref<128x128xf32, #tpu.memory_space<vmem>>) offsets(%dma_start3A_144 : memref<128xi32, #tpu.memory_space<vmem>>) semaphore(%arg10 : memref<!tpu.dma_semaphore, #tpu.memory_space<semaphore_mem>>)
      } else {
      }
      %run_scoped3A_135 = arith.constant 1 : i32
      "tpu.region"() ({
        %run_scoped3A_137 = tpu.sem_alloc : memref<!tpu.dma_semaphore, #tpu.memory_space<semaphore_mem>>
        %dma_start3A_138 = arith.constant 0 : i32
        %dma_start3A_139 = arith.constant 0 : i32
        %dma_start3A_140 = tpu.memref_slice %arg8[%run_scoped3A_135, %dma_start3A_138, %dma_start3A_139] : memref<2x128x128xf32, #tpu.memory_space<vmem>> -> memref<1x128x128xf32, #tpu.memory_space<vmem>>
        %dma_start3A_141 = tpu.memref_squeeze %dma_start3A_140 : memref<1x128x128xf32, #tpu.memory_space<vmem>> -> memref<128x128xf32, #tpu.memory_space<vmem>>
        %dma_start3A_142 = arith.constant 0 : i32
        %dma_start3A_143 = tpu.memref_slice %arg7[%add3A_111, %dma_start3A_142] : memref<40x128xi32, #tpu.memory_space<vmem>> -> memref<1x128xi32, #tpu.memory_space<vmem>>
        %dma_start3A_144 = tpu.memref_squeeze %dma_start3A_143 : memref<1x128xi32, #tpu.memory_space<vmem>> -> memref<128xi32, #tpu.memory_space<vmem>>
        %dma_start3A_145 = arith.constant 0 : i32
        %dma_start3A_146 = arith.constant 0 : i32
        %dma_start3A_147 = tpu.memref_slice %arg9[%dma_start3A_145, %dma_start3A_146] : memref<10240x128xf32, #tpu.memory_space<vmem_shared>> -> memref<10240x128xf32, #tpu.memory_space<vmem_shared>>
        tpu.enqueue_indirect_dma source(%dma_start3A_141 : memref<128x128xf32, #tpu.memory_space<vmem>>) target(%dma_start3A_147 : memref<10240x128xf32, #tpu.memory_space<vmem_shared>>) offsets(%dma_start3A_144 : memref<128xi32, #tpu.memory_space<vmem>>) semaphore(%run_scoped3A_137 : memref<!tpu.dma_semaphore, #tpu.memory_space<semaphore_mem>>) {add = true}
        %dma_wait3A_148 = arith.constant 0 : i32
        %dma_wait3A_149 = arith.constant 0 : i32
        %dma_wait3A_150 = tpu.memref_slice %arg8[%run_scoped3A_135, %dma_wait3A_148, %dma_wait3A_149] : memref<2x128x128xf32, #tpu.memory_space<vmem>> -> memref<1x128x128xf32, #tpu.memory_space<vmem>>
        %dma_wait3A_151 = tpu.memref_squeeze %dma_wait3A_150 : memref<1x128x128xf32, #tpu.memory_space<vmem>> -> memref<128x128xf32, #tpu.memory_space<vmem>>
        %dma_wait3A_152 = arith.constant 0 : i32
        %dma_wait3A_153 = tpu.memref_slice %arg7[%add3A_111, %dma_wait3A_152] : memref<40x128xi32, #tpu.memory_space<vmem>> -> memref<1x128xi32, #tpu.memory_space<vmem>>
        %dma_wait3A_154 = tpu.memref_squeeze %dma_wait3A_153 : memref<1x128xi32, #tpu.memory_space<vmem>> -> memref<128xi32, #tpu.memory_space<vmem>>
        %dma_wait3A_155 = arith.constant 0 : i32
        %dma_wait3A_156 = arith.constant 0 : i32
        %dma_wait3A_157 = tpu.memref_slice %arg9[%dma_wait3A_155, %dma_wait3A_156] : memref<10240x128xf32, #tpu.memory_space<vmem_shared>> -> memref<10240x128xf32, #tpu.memory_space<vmem_shared>>
        tpu.wait_indirect_dma semaphore(%run_scoped3A_137 : memref<!tpu.dma_semaphore, #tpu.memory_space<semaphore_mem>>) src(%dma_wait3A_151 : memref<128x128xf32, #tpu.memory_space<vmem>>) dst(%dma_wait3A_157 : memref<10240x128xf32, #tpu.memory_space<vmem_shared>>)
        tpu.yield
      }) : () -> ()
      %scan3A_136 = arith.constant 0 : i32
      scf.yield %scan3A_136 : i32
    }
    %scan3A_76 = arith.constant 20 : i32
    %barrier3A_77 = arith.constant 0 : index
    tpu.barrier barrier_id(%barrier3A_77)
    %mul3A_78 = arith.constant 640 : i32
    %mul3A_79 = arith.muli %arg1, %mul3A_78 : i32
    %mul3A_80 = arith.constant 640 : i32
    %mul3A_81 = arith.muli %arg1, %mul3A_80 : i32
    "tpu.region"() ({
      %run_scoped3A_82 = tpu.sem_alloc : memref<!tpu.dma_semaphore, #tpu.memory_space<semaphore_mem>>
      %dma_start3A_83 = arith.constant 0 : i32
      %dma_start3A_84 = tpu.memref_slice %arg5[%arg0, %mul3A_81, %dma_start3A_83] : memref<2x10240x128xf32, #tpu.memory_space<hbm>> -> memref<1x640x128xf32, #tpu.memory_space<hbm>>
      %dma_start3A_85 = tpu.memref_squeeze %dma_start3A_84 : memref<1x640x128xf32, #tpu.memory_space<hbm>> -> memref<640x128xf32, #tpu.memory_space<hbm>>
      %dma_start3A_86 = arith.constant 0 : i32
      %dma_start3A_87 = tpu.memref_slice %arg9[%mul3A_79, %dma_start3A_86] : memref<10240x128xf32, #tpu.memory_space<vmem_shared>> -> memref<640x128xf32, #tpu.memory_space<vmem_shared>>
      tpu.enqueue_dma source(%dma_start3A_87 : memref<640x128xf32, #tpu.memory_space<vmem_shared>>) target(%dma_start3A_85 : memref<640x128xf32, #tpu.memory_space<hbm>>) target_semaphore(%run_scoped3A_82 : memref<!tpu.dma_semaphore, #tpu.memory_space<semaphore_mem>>)
      %dma_wait3A = arith.constant 0 : i32
      %dma_wait3A_88 = tpu.memref_slice %arg5[%arg0, %mul3A_81, %dma_wait3A] : memref<2x10240x128xf32, #tpu.memory_space<hbm>> -> memref<1x640x128xf32, #tpu.memory_space<hbm>>
      %dma_wait3A_89 = tpu.memref_squeeze %dma_wait3A_88 : memref<1x640x128xf32, #tpu.memory_space<hbm>> -> memref<640x128xf32, #tpu.memory_space<hbm>>
      %dma_wait3A_90 = arith.constant 0 : i32
      %dma_wait3A_91 = tpu.memref_slice %arg9[%mul3A_79, %dma_wait3A_90] : memref<10240x128xf32, #tpu.memory_space<vmem_shared>> -> memref<640x128xf32, #tpu.memory_space<vmem_shared>>
      tpu.wait_dma2 semaphore(%run_scoped3A_82 : memref<!tpu.dma_semaphore, #tpu.memory_space<semaphore_mem>>) src(%dma_wait3A_91 : memref<640x128xf32, #tpu.memory_space<vmem_shared>>) dst(%dma_wait3A_89 : memref<640x128xf32, #tpu.memory_space<hbm>>)
      tpu.yield
    }) : () -> ()
    return
  }
}

#map = affine_map<(d0, d1) -> (0)>
#map1 = affine_map<(d0, d1) -> (0, 0, 0)>
module attributes {stable_mosaic.version = 14 : i64} {
  func.func @deg_k(%arg0: i32, %arg1: i32, %arg2: memref<320000xi32, #tpu.memory_space<hbm>>, %arg3: memref<320000xi32, #tpu.memory_space<hbm>>, %arg4: memref<2x2x10240xf32, #tpu.memory_space<hbm>>, %arg5: memref<10000xi32, #tpu.memory_space<vmem>>, %arg6: memref<10000xi32, #tpu.memory_space<vmem>>, %arg7: memref<10240xf32, #tpu.memory_space<vmem>>, %arg8: memref<10240xf32, #tpu.memory_space<vmem>>, %arg9: memref<640xf32, #tpu.memory_space<vmem>>, %arg10: memref<640xf32, #tpu.memory_space<vmem>>, %arg11: memref<16x2x10240xf32, #tpu.memory_space<vmem_shared>>) attributes {dimension_semantics = [#tpu.dimension_semantics<core_parallel>, #tpu.dimension_semantics<subcore_parallel>], iteration_bounds = array<i64: 2, 16>, scalar_prefetch = 0 : i64, scratch_operands = 7 : i64, tpu.core_type = #tpu.core_type<sc_vector_subcore>, window_params = [{transform_indices = #map}, {transform_indices = #map}, {transform_indices = #map1}]} {
    %mul3A = arith.constant 16 : i32
    %mul3A_0 = arith.muli %arg0, %mul3A : i32
    %add3A = arith.addi %mul3A_0, %arg1 : i32
    %mul3A_1 = arith.constant 10000 : i32
    %mul3A_2 = arith.muli %add3A, %mul3A_1 : i32
    "tpu.region"() ({
      %run_scoped3A_300 = tpu.sem_alloc : memref<!tpu.dma_semaphore, #tpu.memory_space<semaphore_mem>>
      %dma_start3A = tpu.memref_slice %arg2[%mul3A_2] : memref<320000xi32, #tpu.memory_space<hbm>> -> memref<10000xi32, #tpu.memory_space<hbm>>
      %dma_start3A_301 = tpu.memref_slice %arg2[%mul3A_2] : memref<320000xi32, #tpu.memory_space<hbm>> -> memref<10000xi32, #tpu.memory_space<hbm>>
      tpu.enqueue_dma source(%dma_start3A_301 : memref<10000xi32, #tpu.memory_space<hbm>>) target(%arg5 : memref<10000xi32, #tpu.memory_space<vmem>>) target_semaphore(%run_scoped3A_300 : memref<!tpu.dma_semaphore, #tpu.memory_space<semaphore_mem>>)
      %dma_wait3A = tpu.memref_slice %arg2[%mul3A_2] : memref<320000xi32, #tpu.memory_space<hbm>> -> memref<10000xi32, #tpu.memory_space<hbm>>
      %dma_wait3A_302 = tpu.memref_slice %arg2[%mul3A_2] : memref<320000xi32, #tpu.memory_space<hbm>> -> memref<10000xi32, #tpu.memory_space<hbm>>
      tpu.wait_dma2 semaphore(%run_scoped3A_300 : memref<!tpu.dma_semaphore, #tpu.memory_space<semaphore_mem>>) src(%dma_wait3A_302 : memref<10000xi32, #tpu.memory_space<hbm>>) dst(%arg5 : memref<10000xi32, #tpu.memory_space<vmem>>)
      tpu.yield
    }) : () -> ()
    %mul3A_3 = arith.constant 10000 : i32
    %mul3A_4 = arith.muli %add3A, %mul3A_3 : i32
    "tpu.region"() ({
      %run_scoped3A_300 = tpu.sem_alloc : memref<!tpu.dma_semaphore, #tpu.memory_space<semaphore_mem>>
      %dma_start3A = tpu.memref_slice %arg3[%mul3A_4] : memref<320000xi32, #tpu.memory_space<hbm>> -> memref<10000xi32, #tpu.memory_space<hbm>>
      %dma_start3A_301 = tpu.memref_slice %arg3[%mul3A_4] : memref<320000xi32, #tpu.memory_space<hbm>> -> memref<10000xi32, #tpu.memory_space<hbm>>
      tpu.enqueue_dma source(%dma_start3A_301 : memref<10000xi32, #tpu.memory_space<hbm>>) target(%arg6 : memref<10000xi32, #tpu.memory_space<vmem>>) target_semaphore(%run_scoped3A_300 : memref<!tpu.dma_semaphore, #tpu.memory_space<semaphore_mem>>)
      %dma_wait3A = tpu.memref_slice %arg3[%mul3A_4] : memref<320000xi32, #tpu.memory_space<hbm>> -> memref<10000xi32, #tpu.memory_space<hbm>>
      %dma_wait3A_302 = tpu.memref_slice %arg3[%mul3A_4] : memref<320000xi32, #tpu.memory_space<hbm>> -> memref<10000xi32, #tpu.memory_space<hbm>>
      tpu.wait_dma2 semaphore(%run_scoped3A_300 : memref<!tpu.dma_semaphore, #tpu.memory_space<semaphore_mem>>) src(%dma_wait3A_302 : memref<10000xi32, #tpu.memory_space<hbm>>) dst(%arg6 : memref<10000xi32, #tpu.memory_space<vmem>>)
      tpu.yield
    }) : () -> ()
    %broadcast_in_dim3A = arith.constant 0.000000e+00 : f32
    %broadcast_in_dim3A_5 = vector.broadcast %broadcast_in_dim3A : f32 to vector<16xf32>
    %broadcast_in_dim3A_6 = arith.constant 1.000000e+00 : f32
    %broadcast_in_dim3A_7 = vector.broadcast %broadcast_in_dim3A_6 : f32 to vector<16xf32>
    %scan3A = arith.constant 0 : i32
    %scan3A_8 = arith.constant 0 : i32
    %scan3A_9 = arith.constant 640 : i32
    %scan3A_10 = arith.addi %scan3A_8, %scan3A_9 : i32
    %scan3A_11 = arith.constant 1 : i32
    %scan3A_12 = scf.for %scan3A_300 = %scan3A_8 to %scan3A_10 step %scan3A_11 iter_args(%scan3A_301 = %scan3A) -> (i32)  : i32 {
      %mul3A_302 = arith.constant 16 : i32
      %mul3A_303 = arith.muli %scan3A_300, %mul3A_302 : i32
      %swap3A = arith.index_cast %mul3A_303 : i32 to index
      %swap3A_304 = tpu.vector_load %arg7[%swap3A] {strides = array<i32>} : memref<10240xf32, #tpu.memory_space<vmem>>, vector<16xf32>,
      tpu.vector_store %arg7[%swap3A], %broadcast_in_dim3A_5 {strides = array<i32>} : memref<10240xf32, #tpu.memory_space<vmem>>, vector<16xf32>,
      %mul3A_305 = arith.constant 16 : i32
      %mul3A_306 = arith.muli %scan3A_300, %mul3A_305 : i32
      %swap3A_307 = arith.index_cast %mul3A_306 : i32 to index
      %swap3A_308 = tpu.vector_load %arg8[%swap3A_307] {strides = array<i32>} : memref<10240xf32, #tpu.memory_space<vmem>>, vector<16xf32>,
      tpu.vector_store %arg8[%swap3A_307], %broadcast_in_dim3A_5 {strides = array<i32>} : memref<10240xf32, #tpu.memory_space<vmem>>, vector<16xf32>,
      %scan3A_309 = arith.constant 0 : i32
      scf.yield %scan3A_309 : i32
    }
    %scan3A_13 = arith.constant 640 : i32
    %scan3A_14 = arith.constant 0 : i32
    %scan3A_15 = arith.constant 0 : i32
    %scan3A_16 = arith.constant 625 : i32
    %scan3A_17 = arith.addi %scan3A_15, %scan3A_16 : i32
    %scan3A_18 = arith.constant 1 : i32
    %scan3A_19 = scf.for %scan3A_300 = %scan3A_15 to %scan3A_17 step %scan3A_18 iter_args(%scan3A_301 = %scan3A_14) -> (i32)  : i32 {
      %mul3A_302 = arith.constant 16 : i32
      %mul3A_303 = arith.muli %scan3A_300, %mul3A_302 : i32
      %get3A = arith.index_cast %mul3A_303 : i32 to index
      %get3A_304 = tpu.vector_load %arg5[%get3A] {strides = array<i32>} : memref<10000xi32, #tpu.memory_space<vmem>>, vector<16xi32>,
      tpu.vector_store_idx %arg7[%get3A_304], %broadcast_in_dim3A_7 {add = true} : memref<10240xf32, #tpu.memory_space<vmem>>[vector<16xi32>], vector<16xf32>,
      %mul3A_305 = arith.constant 16 : i32
      %mul3A_306 = arith.muli %scan3A_300, %mul3A_305 : i32
      %get3A_307 = arith.index_cast %mul3A_306 : i32 to index
      %get3A_308 = tpu.vector_load %arg6[%get3A_307] {strides = array<i32>} : memref<10000xi32, #tpu.memory_space<vmem>>, vector<16xi32>,
      tpu.vector_store_idx %arg8[%get3A_308], %broadcast_in_dim3A_7 {add = true} : memref<10240xf32, #tpu.memory_space<vmem>>[vector<16xi32>], vector<16xf32>,
      %scan3A_309 = arith.constant 0 : i32
      scf.yield %scan3A_309 : i32
    }
    %scan3A_20 = arith.constant 625 : i32
    %run_scoped3A = arith.constant 0 : i32
    "tpu.region"() ({
      %run_scoped3A_300 = tpu.sem_alloc : memref<!tpu.dma_semaphore, #tpu.memory_space<semaphore_mem>>
      %dma_start3A = arith.constant 0 : i32
      %dma_start3A_301 = tpu.memref_slice %arg11[%arg1, %run_scoped3A, %dma_start3A] : memref<16x2x10240xf32, #tpu.memory_space<vmem_shared>> -> memref<1x1x10240xf32, #tpu.memory_space<vmem_shared>>
      %dma_start3A_302 = tpu.memref_squeeze %dma_start3A_301 : memref<1x1x10240xf32, #tpu.memory_space<vmem_shared>> -> memref<10240xf32, #tpu.memory_space<vmem_shared>>
      %dma_start3A_303 = arith.constant 0 : i32
      %dma_start3A_304 = tpu.memref_slice %arg11[%arg1, %run_scoped3A, %dma_start3A_303] : memref<16x2x10240xf32, #tpu.memory_space<vmem_shared>> -> memref<1x1x10240xf32, #tpu.memory_space<vmem_shared>>
      %dma_start3A_305 = tpu.memref_squeeze %dma_start3A_304 : memref<1x1x10240xf32, #tpu.memory_space<vmem_shared>> -> memref<10240xf32, #tpu.memory_space<vmem_shared>>
      tpu.enqueue_dma source(%arg7 : memref<10240xf32, #tpu.memory_space<vmem>>) target(%dma_start3A_305 : memref<10240xf32, #tpu.memory_space<vmem_shared>>) target_semaphore(%run_scoped3A_300 : memref<!tpu.dma_semaphore, #tpu.memory_space<semaphore_mem>>)
      %dma_wait3A = arith.constant 0 : i32
      %dma_wait3A_306 = tpu.memref_slice %arg11[%arg1, %run_scoped3A, %dma_wait3A] : memref<16x2x10240xf32, #tpu.memory_space<vmem_shared>> -> memref<1x1x10240xf32, #tpu.memory_space<vmem_shared>>
      %dma_wait3A_307 = tpu.memref_squeeze %dma_wait3A_306 : memref<1x1x10240xf32, #tpu.memory_space<vmem_shared>> -> memref<10240xf32, #tpu.memory_space<vmem_shared>>
      %dma_wait3A_308 = arith.constant 0 : i32
      %dma_wait3A_309 = tpu.memref_slice %arg11[%arg1, %run_scoped3A, %dma_wait3A_308] : memref<16x2x10240xf32, #tpu.memory_space<vmem_shared>> -> memref<1x1x10240xf32, #tpu.memory_space<vmem_shared>>
      %dma_wait3A_310 = tpu.memref_squeeze %dma_wait3A_309 : memref<1x1x10240xf32, #tpu.memory_space<vmem_shared>> -> memref<10240xf32, #tpu.memory_space<vmem_shared>>
      tpu.wait_dma2 semaphore(%run_scoped3A_300 : memref<!tpu.dma_semaphore, #tpu.memory_space<semaphore_mem>>) src(%arg7 : memref<10240xf32, #tpu.memory_space<vmem>>) dst(%dma_wait3A_310 : memref<10240xf32, #tpu.memory_space<vmem_shared>>)
      tpu.yield
    }) : () -> ()
    %run_scoped3A_21 = arith.constant 1 : i32
    "tpu.region"() ({
      %run_scoped3A_300 = tpu.sem_alloc : memref<!tpu.dma_semaphore, #tpu.memory_space<semaphore_mem>>
      %dma_start3A = arith.constant 0 : i32
      %dma_start3A_301 = tpu.memref_slice %arg11[%arg1, %run_scoped3A_21, %dma_start3A] : memref<16x2x10240xf32, #tpu.memory_space<vmem_shared>> -> memref<1x1x10240xf32, #tpu.memory_space<vmem_shared>>
      %dma_start3A_302 = tpu.memref_squeeze %dma_start3A_301 : memref<1x1x10240xf32, #tpu.memory_space<vmem_shared>> -> memref<10240xf32, #tpu.memory_space<vmem_shared>>
      %dma_start3A_303 = arith.constant 0 : i32
      %dma_start3A_304 = tpu.memref_slice %arg11[%arg1, %run_scoped3A_21, %dma_start3A_303] : memref<16x2x10240xf32, #tpu.memory_space<vmem_shared>> -> memref<1x1x10240xf32, #tpu.memory_space<vmem_shared>>
      %dma_start3A_305 = tpu.memref_squeeze %dma_start3A_304 : memref<1x1x10240xf32, #tpu.memory_space<vmem_shared>> -> memref<10240xf32, #tpu.memory_space<vmem_shared>>
      tpu.enqueue_dma source(%arg8 : memref<10240xf32, #tpu.memory_space<vmem>>) target(%dma_start3A_305 : memref<10240xf32, #tpu.memory_space<vmem_shared>>) target_semaphore(%run_scoped3A_300 : memref<!tpu.dma_semaphore, #tpu.memory_space<semaphore_mem>>)
      %dma_wait3A = arith.constant 0 : i32
      %dma_wait3A_306 = tpu.memref_slice %arg11[%arg1, %run_scoped3A_21, %dma_wait3A] : memref<16x2x10240xf32, #tpu.memory_space<vmem_shared>> -> memref<1x1x10240xf32, #tpu.memory_space<vmem_shared>>
      %dma_wait3A_307 = tpu.memref_squeeze %dma_wait3A_306 : memref<1x1x10240xf32, #tpu.memory_space<vmem_shared>> -> memref<10240xf32, #tpu.memory_space<vmem_shared>>
      %dma_wait3A_308 = arith.constant 0 : i32
      %dma_wait3A_309 = tpu.memref_slice %arg11[%arg1, %run_scoped3A_21, %dma_wait3A_308] : memref<16x2x10240xf32, #tpu.memory_space<vmem_shared>> -> memref<1x1x10240xf32, #tpu.memory_space<vmem_shared>>
      %dma_wait3A_310 = tpu.memref_squeeze %dma_wait3A_309 : memref<1x1x10240xf32, #tpu.memory_space<vmem_shared>> -> memref<10240xf32, #tpu.memory_space<vmem_shared>>
      tpu.wait_dma2 semaphore(%run_scoped3A_300 : memref<!tpu.dma_semaphore, #tpu.memory_space<semaphore_mem>>) src(%arg8 : memref<10240xf32, #tpu.memory_space<vmem>>) dst(%dma_wait3A_310 : memref<10240xf32, #tpu.memory_space<vmem_shared>>)
      tpu.yield
    }) : () -> ()
    %barrier3A = arith.constant 0 : index
    tpu.barrier barrier_id(%barrier3A)
    %mul3A_22 = arith.constant 640 : i32
    %mul3A_23 = arith.muli %arg1, %mul3A_22 : i32
    %run_scoped3A_24 = arith.constant 0 : i32
    %run_scoped3A_25 = arith.constant 0 : i32
    "tpu.region"() ({
      %run_scoped3A_300 = tpu.sem_alloc : memref<!tpu.dma_semaphore, #tpu.memory_space<semaphore_mem>>
      %dma_start3A = tpu.memref_slice %arg11[%run_scoped3A_24, %run_scoped3A_25, %mul3A_23] : memref<16x2x10240xf32, #tpu.memory_space<vmem_shared>> -> memref<1x1x640xf32, #tpu.memory_space<vmem_shared>>
      %dma_start3A_301 = tpu.memref_squeeze %dma_start3A : memref<1x1x640xf32, #tpu.memory_space<vmem_shared>> -> memref<640xf32, #tpu.memory_space<vmem_shared>>
      %dma_start3A_302 = tpu.memref_slice %arg11[%run_scoped3A_24, %run_scoped3A_25, %mul3A_23] : memref<16x2x10240xf32, #tpu.memory_space<vmem_shared>> -> memref<1x1x640xf32, #tpu.memory_space<vmem_shared>>
      %dma_start3A_303 = tpu.memref_squeeze %dma_start3A_302 : memref<1x1x640xf32, #tpu.memory_space<vmem_shared>> -> memref<640xf32, #tpu.memory_space<vmem_shared>>
      tpu.enqueue_dma source(%dma_start3A_303 : memref<640xf32, #tpu.memory_space<vmem_shared>>) target(%arg10 : memref<640xf32, #tpu.memory_space<vmem>>) target_semaphore(%run_scoped3A_300 : memref<!tpu.dma_semaphore, #tpu.memory_space<semaphore_mem>>)
      %dma_wait3A = tpu.memref_slice %arg11[%run_scoped3A_24, %run_scoped3A_25, %mul3A_23] : memref<16x2x10240xf32, #tpu.memory_space<vmem_shared>> -> memref<1x1x640xf32, #tpu.memory_space<vmem_shared>>
      %dma_wait3A_304 = tpu.memref_squeeze %dma_wait3A : memref<1x1x640xf32, #tpu.memory_space<vmem_shared>> -> memref<640xf32, #tpu.memory_space<vmem_shared>>
      %dma_wait3A_305 = tpu.memref_slice %arg11[%run_scoped3A_24, %run_scoped3A_25, %mul3A_23] : memref<16x2x10240xf32, #tpu.memory_space<vmem_shared>> -> memref<1x1x640xf32, #tpu.memory_space<vmem_shared>>
      %dma_wait3A_306 = tpu.memref_squeeze %dma_wait3A_305 : memref<1x1x640xf32, #tpu.memory_space<vmem_shared>> -> memref<640xf32, #tpu.memory_space<vmem_shared>>
      tpu.wait_dma2 semaphore(%run_scoped3A_300 : memref<!tpu.dma_semaphore, #tpu.memory_space<semaphore_mem>>) src(%dma_wait3A_306 : memref<640xf32, #tpu.memory_space<vmem_shared>>) dst(%arg10 : memref<640xf32, #tpu.memory_space<vmem>>)
      tpu.yield
    }) : () -> ()
    %run_scoped3A_26 = arith.constant 1 : i32
    %run_scoped3A_27 = arith.constant 0 : i32
    "tpu.region"() ({
      %run_scoped3A_300 = tpu.sem_alloc : memref<!tpu.dma_semaphore, #tpu.memory_space<semaphore_mem>>
      %dma_start3A = tpu.memref_slice %arg11[%run_scoped3A_26, %run_scoped3A_27, %mul3A_23] : memref<16x2x10240xf32, #tpu.memory_space<vmem_shared>> -> memref<1x1x640xf32, #tpu.memory_space<vmem_shared>>
      %dma_start3A_301 = tpu.memref_squeeze %dma_start3A : memref<1x1x640xf32, #tpu.memory_space<vmem_shared>> -> memref<640xf32, #tpu.memory_space<vmem_shared>>
      %dma_start3A_302 = tpu.memref_slice %arg11[%run_scoped3A_26, %run_scoped3A_27, %mul3A_23] : memref<16x2x10240xf32, #tpu.memory_space<vmem_shared>> -> memref<1x1x640xf32, #tpu.memory_space<vmem_shared>>
      %dma_start3A_303 = tpu.memref_squeeze %dma_start3A_302 : memref<1x1x640xf32, #tpu.memory_space<vmem_shared>> -> memref<640xf32, #tpu.memory_space<vmem_shared>>
      tpu.enqueue_dma source(%dma_start3A_303 : memref<640xf32, #tpu.memory_space<vmem_shared>>) target(%arg9 : memref<640xf32, #tpu.memory_space<vmem>>) target_semaphore(%run_scoped3A_300 : memref<!tpu.dma_semaphore, #tpu.memory_space<semaphore_mem>>)
      %dma_wait3A = tpu.memref_slice %arg11[%run_scoped3A_26, %run_scoped3A_27, %mul3A_23] : memref<16x2x10240xf32, #tpu.memory_space<vmem_shared>> -> memref<1x1x640xf32, #tpu.memory_space<vmem_shared>>
      %dma_wait3A_304 = tpu.memref_squeeze %dma_wait3A : memref<1x1x640xf32, #tpu.memory_space<vmem_shared>> -> memref<640xf32, #tpu.memory_space<vmem_shared>>
      %dma_wait3A_305 = tpu.memref_slice %arg11[%run_scoped3A_26, %run_scoped3A_27, %mul3A_23] : memref<16x2x10240xf32, #tpu.memory_space<vmem_shared>> -> memref<1x1x640xf32, #tpu.memory_space<vmem_shared>>
      %dma_wait3A_306 = tpu.memref_squeeze %dma_wait3A_305 : memref<1x1x640xf32, #tpu.memory_space<vmem_shared>> -> memref<640xf32, #tpu.memory_space<vmem_shared>>
      tpu.wait_dma2 semaphore(%run_scoped3A_300 : memref<!tpu.dma_semaphore, #tpu.memory_space<semaphore_mem>>) src(%dma_wait3A_306 : memref<640xf32, #tpu.memory_space<vmem_shared>>) dst(%arg9 : memref<640xf32, #tpu.memory_space<vmem>>)
      tpu.yield
    }) : () -> ()
    %scan3A_28 = arith.constant 0 : i32
    %scan3A_29 = arith.constant 0 : i32
    %scan3A_30 = arith.constant 40 : i32
    %scan3A_31 = arith.addi %scan3A_29, %scan3A_30 : i32
    %scan3A_32 = arith.constant 1 : i32
    %scan3A_33 = scf.for %scan3A_300 = %scan3A_29 to %scan3A_31 step %scan3A_32 iter_args(%scan3A_301 = %scan3A_28) -> (i32)  : i32 {
      %mul3A_302 = arith.constant 16 : i32
      %mul3A_303 = arith.muli %scan3A_300, %mul3A_302 : i32
      %get3A = arith.index_cast %mul3A_303 : i32 to index
      %get3A_304 = tpu.vector_load %arg10[%get3A] {strides = array<i32>} : memref<640xf32, #tpu.memory_space<vmem>>, vector<16xf32>,
      %mul3A_305 = arith.constant 16 : i32
      %mul3A_306 = arith.muli %scan3A_300, %mul3A_305 : i32
      %get3A_307 = arith.index_cast %mul3A_306 : i32 to index
      %get3A_308 = tpu.vector_load %arg9[%get3A_307] {strides = array<i32>} : memref<640xf32, #tpu.memory_space<vmem>>, vector<16xf32>,
      %add3A_309 = arith.addf %get3A_304, %get3A_308 : vector<16xf32>
      %mul3A_310 = arith.constant 16 : i32
      %mul3A_311 = arith.muli %scan3A_300, %mul3A_310 : i32
      %swap3A = arith.index_cast %mul3A_311 : i32 to index
      %swap3A_312 = tpu.vector_load %arg10[%swap3A] {strides = array<i32>} : memref<640xf32, #tpu.memory_space<vmem>>, vector<16xf32>,
      tpu.vector_store %arg10[%swap3A], %add3A_309 {strides = array<i32>} : memref<640xf32, #tpu.memory_space<vmem>>, vector<16xf32>,
      %scan3A_313 = arith.constant 0 : i32
      scf.yield %scan3A_313 : i32
    }
    %scan3A_34 = arith.constant 40 : i32
    %run_scoped3A_35 = arith.constant 2 : i32
    %run_scoped3A_36 = arith.constant 0 : i32
    "tpu.region"() ({
      %run_scoped3A_300 = tpu.sem_alloc : memref<!tpu.dma_semaphore, #tpu.memory_space<semaphore_mem>>
      %dma_start3A = tpu.memref_slice %arg11[%run_scoped3A_35, %run_scoped3A_36, %mul3A_23] : memref<16x2x10240xf32, #tpu.memory_space<vmem_shared>> -> memref<1x1x640xf32, #tpu.memory_space<vmem_shared>>
      %dma_start3A_301 = tpu.memref_squeeze %dma_start3A : memref<1x1x640xf32, #tpu.memory_space<vmem_shared>> -> memref<640xf32, #tpu.memory_space<vmem_shared>>
      %dma_start3A_302 = tpu.memref_slice %arg11[%run_scoped3A_35, %run_scoped3A_36, %mul3A_23] : memref<16x2x10240xf32, #tpu.memory_space<vmem_shared>> -> memref<1x1x640xf32, #tpu.memory_space<vmem_shared>>
      %dma_start3A_303 = tpu.memref_squeeze %dma_start3A_302 : memref<1x1x640xf32, #tpu.memory_space<vmem_shared>> -> memref<640xf32, #tpu.memory_space<vmem_shared>>
      tpu.enqueue_dma source(%dma_start3A_303 : memref<640xf32, #tpu.memory_space<vmem_shared>>) target(%arg9 : memref<640xf32, #tpu.memory_space<vmem>>) target_semaphore(%run_scoped3A_300 : memref<!tpu.dma_semaphore, #tpu.memory_space<semaphore_mem>>)
      %dma_wait3A = tpu.memref_slice %arg11[%run_scoped3A_35, %run_scoped3A_36, %mul3A_23] : memref<16x2x10240xf32, #tpu.memory_space<vmem_shared>> -> memref<1x1x640xf32, #tpu.memory_space<vmem_shared>>
      %dma_wait3A_304 = tpu.memref_squeeze %dma_wait3A : memref<1x1x640xf32, #tpu.memory_space<vmem_shared>> -> memref<640xf32, #tpu.memory_space<vmem_shared>>
      %dma_wait3A_305 = tpu.memref_slice %arg11[%run_scoped3A_35, %run_scoped3A_36, %mul3A_23] : memref<16x2x10240xf32, #tpu.memory_space<vmem_shared>> -> memref<1x1x640xf32, #tpu.memory_space<vmem_shared>>
      %dma_wait3A_306 = tpu.memref_squeeze %dma_wait3A_305 : memref<1x1x640xf32, #tpu.memory_space<vmem_shared>> -> memref<640xf32, #tpu.memory_space<vmem_shared>>
      tpu.wait_dma2 semaphore(%run_scoped3A_300 : memref<!tpu.dma_semaphore, #tpu.memory_space<semaphore_mem>>) src(%dma_wait3A_306 : memref<640xf32, #tpu.memory_space<vmem_shared>>) dst(%arg9 : memref<640xf32, #tpu.memory_space<vmem>>)
      tpu.yield
    }) : () -> ()
    %scan3A_37 = arith.constant 0 : i32
    %scan3A_38 = arith.constant 0 : i32
    %scan3A_39 = arith.constant 40 : i32
    %scan3A_40 = arith.addi %scan3A_38, %scan3A_39 : i32
    %scan3A_41 = arith.constant 1 : i32
    %scan3A_42 = scf.for %scan3A_300 = %scan3A_38 to %scan3A_40 step %scan3A_41 iter_args(%scan3A_301 = %scan3A_37) -> (i32)  : i32 {
      %mul3A_302 = arith.constant 16 : i32
      %mul3A_303 = arith.muli %scan3A_300, %mul3A_302 : i32
      %get3A = arith.index_cast %mul3A_303 : i32 to index
      %get3A_304 = tpu.vector_load %arg10[%get3A] {strides = array<i32>} : memref<640xf32, #tpu.memory_space<vmem>>, vector<16xf32>,
      %mul3A_305 = arith.constant 16 : i32
      %mul3A_306 = arith.muli %scan3A_300, %mul3A_305 : i32
      %get3A_307 = arith.index_cast %mul3A_306 : i32 to index
      %get3A_308 = tpu.vector_load %arg9[%get3A_307] {strides = array<i32>} : memref<640xf32, #tpu.memory_space<vmem>>, vector<16xf32>,
      %add3A_309 = arith.addf %get3A_304, %get3A_308 : vector<16xf32>
      %mul3A_310 = arith.constant 16 : i32
      %mul3A_311 = arith.muli %scan3A_300, %mul3A_310 : i32
      %swap3A = arith.index_cast %mul3A_311 : i32 to index
      %swap3A_312 = tpu.vector_load %arg10[%swap3A] {strides = array<i32>} : memref<640xf32, #tpu.memory_space<vmem>>, vector<16xf32>,
      tpu.vector_store %arg10[%swap3A], %add3A_309 {strides = array<i32>} : memref<640xf32, #tpu.memory_space<vmem>>, vector<16xf32>,
      %scan3A_313 = arith.constant 0 : i32
      scf.yield %scan3A_313 : i32
    }
    %scan3A_43 = arith.constant 40 : i32
    %run_scoped3A_44 = arith.constant 3 : i32
    %run_scoped3A_45 = arith.constant 0 : i32
    "tpu.region"() ({
      %run_scoped3A_300 = tpu.sem_alloc : memref<!tpu.dma_semaphore, #tpu.memory_space<semaphore_mem>>
      %dma_start3A = tpu.memref_slice %arg11[%run_scoped3A_44, %run_scoped3A_45, %mul3A_23] : memref<16x2x10240xf32, #tpu.memory_space<vmem_shared>> -> memref<1x1x640xf32, #tpu.memory_space<vmem_shared>>
      %dma_start3A_301 = tpu.memref_squeeze %dma_start3A : memref<1x1x640xf32, #tpu.memory_space<vmem_shared>> -> memref<640xf32, #tpu.memory_space<vmem_shared>>
      %dma_start3A_302 = tpu.memref_slice %arg11[%run_scoped3A_44, %run_scoped3A_45, %mul3A_23] : memref<16x2x10240xf32, #tpu.memory_space<vmem_shared>> -> memref<1x1x640xf32, #tpu.memory_space<vmem_shared>>
      %dma_start3A_303 = tpu.memref_squeeze %dma_start3A_302 : memref<1x1x640xf32, #tpu.memory_space<vmem_shared>> -> memref<640xf32, #tpu.memory_space<vmem_shared>>
      tpu.enqueue_dma source(%dma_start3A_303 : memref<640xf32, #tpu.memory_space<vmem_shared>>) target(%arg9 : memref<640xf32, #tpu.memory_space<vmem>>) target_semaphore(%run_scoped3A_300 : memref<!tpu.dma_semaphore, #tpu.memory_space<semaphore_mem>>)
      %dma_wait3A = tpu.memref_slice %arg11[%run_scoped3A_44, %run_scoped3A_45, %mul3A_23] : memref<16x2x10240xf32, #tpu.memory_space<vmem_shared>> -> memref<1x1x640xf32, #tpu.memory_space<vmem_shared>>
      %dma_wait3A_304 = tpu.memref_squeeze %dma_wait3A : memref<1x1x640xf32, #tpu.memory_space<vmem_shared>> -> memref<640xf32, #tpu.memory_space<vmem_shared>>
      %dma_wait3A_305 = tpu.memref_slice %arg11[%run_scoped3A_44, %run_scoped3A_45, %mul3A_23] : memref<16x2x10240xf32, #tpu.memory_space<vmem_shared>> -> memref<1x1x640xf32, #tpu.memory_space<vmem_shared>>
      %dma_wait3A_306 = tpu.memref_squeeze %dma_wait3A_305 : memref<1x1x640xf32, #tpu.memory_space<vmem_shared>> -> memref<640xf32, #tpu.memory_space<vmem_shared>>
      tpu.wait_dma2 semaphore(%run_scoped3A_300 : memref<!tpu.dma_semaphore, #tpu.memory_space<semaphore_mem>>) src(%dma_wait3A_306 : memref<640xf32, #tpu.memory_space<vmem_shared>>) dst(%arg9 : memref<640xf32, #tpu.memory_space<vmem>>)
      tpu.yield
    }) : () -> ()
    %scan3A_46 = arith.constant 0 : i32
    %scan3A_47 = arith.constant 0 : i32
    %scan3A_48 = arith.constant 40 : i32
    %scan3A_49 = arith.addi %scan3A_47, %scan3A_48 : i32
    %scan3A_50 = arith.constant 1 : i32
    %scan3A_51 = scf.for %scan3A_300 = %scan3A_47 to %scan3A_49 step %scan3A_50 iter_args(%scan3A_301 = %scan3A_46) -> (i32)  : i32 {
      %mul3A_302 = arith.constant 16 : i32
      %mul3A_303 = arith.muli %scan3A_300, %mul3A_302 : i32
      %get3A = arith.index_cast %mul3A_303 : i32 to index
      %get3A_304 = tpu.vector_load %arg10[%get3A] {strides = array<i32>} : memref<640xf32, #tpu.memory_space<vmem>>, vector<16xf32>,
      %mul3A_305 = arith.constant 16 : i32
      %mul3A_306 = arith.muli %scan3A_300, %mul3A_305 : i32
      %get3A_307 = arith.index_cast %mul3A_306 : i32 to index
      %get3A_308 = tpu.vector_load %arg9[%get3A_307] {strides = array<i32>} : memref<640xf32, #tpu.memory_space<vmem>>, vector<16xf32>,
      %add3A_309 = arith.addf %get3A_304, %get3A_308 : vector<16xf32>
      %mul3A_310 = arith.constant 16 : i32
      %mul3A_311 = arith.muli %scan3A_300, %mul3A_310 : i32
      %swap3A = arith.index_cast %mul3A_311 : i32 to index
      %swap3A_312 = tpu.vector_load %arg10[%swap3A] {strides = array<i32>} : memref<640xf32, #tpu.memory_space<vmem>>, vector<16xf32>,
      tpu.vector_store %arg10[%swap3A], %add3A_309 {strides = array<i32>} : memref<640xf32, #tpu.memory_space<vmem>>, vector<16xf32>,
      %scan3A_313 = arith.constant 0 : i32
      scf.yield %scan3A_313 : i32
    }
    %scan3A_52 = arith.constant 40 : i32
    %run_scoped3A_53 = arith.constant 4 : i32
    %run_scoped3A_54 = arith.constant 0 : i32
    "tpu.region"() ({
      %run_scoped3A_300 = tpu.sem_alloc : memref<!tpu.dma_semaphore, #tpu.memory_space<semaphore_mem>>
      %dma_start3A = tpu.memref_slice %arg11[%run_scoped3A_53, %run_scoped3A_54, %mul3A_23] : memref<16x2x10240xf32, #tpu.memory_space<vmem_shared>> -> memref<1x1x640xf32, #tpu.memory_space<vmem_shared>>
      %dma_start3A_301 = tpu.memref_squeeze %dma_start3A : memref<1x1x640xf32, #tpu.memory_space<vmem_shared>> -> memref<640xf32, #tpu.memory_space<vmem_shared>>
      %dma_start3A_302 = tpu.memref_slice %arg11[%run_scoped3A_53, %run_scoped3A_54, %mul3A_23] : memref<16x2x10240xf32, #tpu.memory_space<vmem_shared>> -> memref<1x1x640xf32, #tpu.memory_space<vmem_shared>>
      %dma_start3A_303 = tpu.memref_squeeze %dma_start3A_302 : memref<1x1x640xf32, #tpu.memory_space<vmem_shared>> -> memref<640xf32, #tpu.memory_space<vmem_shared>>
      tpu.enqueue_dma source(%dma_start3A_303 : memref<640xf32, #tpu.memory_space<vmem_shared>>) target(%arg9 : memref<640xf32, #tpu.memory_space<vmem>>) target_semaphore(%run_scoped3A_300 : memref<!tpu.dma_semaphore, #tpu.memory_space<semaphore_mem>>)
      %dma_wait3A = tpu.memref_slice %arg11[%run_scoped3A_53, %run_scoped3A_54, %mul3A_23] : memref<16x2x10240xf32, #tpu.memory_space<vmem_shared>> -> memref<1x1x640xf32, #tpu.memory_space<vmem_shared>>
      %dma_wait3A_304 = tpu.memref_squeeze %dma_wait3A : memref<1x1x640xf32, #tpu.memory_space<vmem_shared>> -> memref<640xf32, #tpu.memory_space<vmem_shared>>
      %dma_wait3A_305 = tpu.memref_slice %arg11[%run_scoped3A_53, %run_scoped3A_54, %mul3A_23] : memref<16x2x10240xf32, #tpu.memory_space<vmem_shared>> -> memref<1x1x640xf32, #tpu.memory_space<vmem_shared>>
      %dma_wait3A_306 = tpu.memref_squeeze %dma_wait3A_305 : memref<1x1x640xf32, #tpu.memory_space<vmem_shared>> -> memref<640xf32, #tpu.memory_space<vmem_shared>>
      tpu.wait_dma2 semaphore(%run_scoped3A_300 : memref<!tpu.dma_semaphore, #tpu.memory_space<semaphore_mem>>) src(%dma_wait3A_306 : memref<640xf32, #tpu.memory_space<vmem_shared>>) dst(%arg9 : memref<640xf32, #tpu.memory_space<vmem>>)
      tpu.yield
    }) : () -> ()
    %scan3A_55 = arith.constant 0 : i32
    %scan3A_56 = arith.constant 0 : i32
    %scan3A_57 = arith.constant 40 : i32
    %scan3A_58 = arith.addi %scan3A_56, %scan3A_57 : i32
    %scan3A_59 = arith.constant 1 : i32
    %scan3A_60 = scf.for %scan3A_300 = %scan3A_56 to %scan3A_58 step %scan3A_59 iter_args(%scan3A_301 = %scan3A_55) -> (i32)  : i32 {
      %mul3A_302 = arith.constant 16 : i32
      %mul3A_303 = arith.muli %scan3A_300, %mul3A_302 : i32
      %get3A = arith.index_cast %mul3A_303 : i32 to index
      %get3A_304 = tpu.vector_load %arg10[%get3A] {strides = array<i32>} : memref<640xf32, #tpu.memory_space<vmem>>, vector<16xf32>,
      %mul3A_305 = arith.constant 16 : i32
      %mul3A_306 = arith.muli %scan3A_300, %mul3A_305 : i32
      %get3A_307 = arith.index_cast %mul3A_306 : i32 to index
      %get3A_308 = tpu.vector_load %arg9[%get3A_307] {strides = array<i32>} : memref<640xf32, #tpu.memory_space<vmem>>, vector<16xf32>,
      %add3A_309 = arith.addf %get3A_304, %get3A_308 : vector<16xf32>
      %mul3A_310 = arith.constant 16 : i32
      %mul3A_311 = arith.muli %scan3A_300, %mul3A_310 : i32
      %swap3A = arith.index_cast %mul3A_311 : i32 to index
      %swap3A_312 = tpu.vector_load %arg10[%swap3A] {strides = array<i32>} : memref<640xf32, #tpu.memory_space<vmem>>, vector<16xf32>,
      tpu.vector_store %arg10[%swap3A], %add3A_309 {strides = array<i32>} : memref<640xf32, #tpu.memory_space<vmem>>, vector<16xf32>,
      %scan3A_313 = arith.constant 0 : i32
      scf.yield %scan3A_313 : i32
    }
    %scan3A_61 = arith.constant 40 : i32
    %run_scoped3A_62 = arith.constant 5 : i32
    %run_scoped3A_63 = arith.constant 0 : i32
    "tpu.region"() ({
      %run_scoped3A_300 = tpu.sem_alloc : memref<!tpu.dma_semaphore, #tpu.memory_space<semaphore_mem>>
      %dma_start3A = tpu.memref_slice %arg11[%run_scoped3A_62, %run_scoped3A_63, %mul3A_23] : memref<16x2x10240xf32, #tpu.memory_space<vmem_shared>> -> memref<1x1x640xf32, #tpu.memory_space<vmem_shared>>
      %dma_start3A_301 = tpu.memref_squeeze %dma_start3A : memref<1x1x640xf32, #tpu.memory_space<vmem_shared>> -> memref<640xf32, #tpu.memory_space<vmem_shared>>
      %dma_start3A_302 = tpu.memref_slice %arg11[%run_scoped3A_62, %run_scoped3A_63, %mul3A_23] : memref<16x2x10240xf32, #tpu.memory_space<vmem_shared>> -> memref<1x1x640xf32, #tpu.memory_space<vmem_shared>>
      %dma_start3A_303 = tpu.memref_squeeze %dma_start3A_302 : memref<1x1x640xf32, #tpu.memory_space<vmem_shared>> -> memref<640xf32, #tpu.memory_space<vmem_shared>>
      tpu.enqueue_dma source(%dma_start3A_303 : memref<640xf32, #tpu.memory_space<vmem_shared>>) target(%arg9 : memref<640xf32, #tpu.memory_space<vmem>>) target_semaphore(%run_scoped3A_300 : memref<!tpu.dma_semaphore, #tpu.memory_space<semaphore_mem>>)
      %dma_wait3A = tpu.memref_slice %arg11[%run_scoped3A_62, %run_scoped3A_63, %mul3A_23] : memref<16x2x10240xf32, #tpu.memory_space<vmem_shared>> -> memref<1x1x640xf32, #tpu.memory_space<vmem_shared>>
      %dma_wait3A_304 = tpu.memref_squeeze %dma_wait3A : memref<1x1x640xf32, #tpu.memory_space<vmem_shared>> -> memref<640xf32, #tpu.memory_space<vmem_shared>>
      %dma_wait3A_305 = tpu.memref_slice %arg11[%run_scoped3A_62, %run_scoped3A_63, %mul3A_23] : memref<16x2x10240xf32, #tpu.memory_space<vmem_shared>> -> memref<1x1x640xf32, #tpu.memory_space<vmem_shared>>
      %dma_wait3A_306 = tpu.memref_squeeze %dma_wait3A_305 : memref<1x1x640xf32, #tpu.memory_space<vmem_shared>> -> memref<640xf32, #tpu.memory_space<vmem_shared>>
      tpu.wait_dma2 semaphore(%run_scoped3A_300 : memref<!tpu.dma_semaphore, #tpu.memory_space<semaphore_mem>>) src(%dma_wait3A_306 : memref<640xf32, #tpu.memory_space<vmem_shared>>) dst(%arg9 : memref<640xf32, #tpu.memory_space<vmem>>)
      tpu.yield
    }) : () -> ()
    %scan3A_64 = arith.constant 0 : i32
    %scan3A_65 = arith.constant 0 : i32
    %scan3A_66 = arith.constant 40 : i32
    %scan3A_67 = arith.addi %scan3A_65, %scan3A_66 : i32
    %scan3A_68 = arith.constant 1 : i32
    %scan3A_69 = scf.for %scan3A_300 = %scan3A_65 to %scan3A_67 step %scan3A_68 iter_args(%scan3A_301 = %scan3A_64) -> (i32)  : i32 {
      %mul3A_302 = arith.constant 16 : i32
      %mul3A_303 = arith.muli %scan3A_300, %mul3A_302 : i32
      %get3A = arith.index_cast %mul3A_303 : i32 to index
      %get3A_304 = tpu.vector_load %arg10[%get3A] {strides = array<i32>} : memref<640xf32, #tpu.memory_space<vmem>>, vector<16xf32>,
      %mul3A_305 = arith.constant 16 : i32
      %mul3A_306 = arith.muli %scan3A_300, %mul3A_305 : i32
      %get3A_307 = arith.index_cast %mul3A_306 : i32 to index
      %get3A_308 = tpu.vector_load %arg9[%get3A_307] {strides = array<i32>} : memref<640xf32, #tpu.memory_space<vmem>>, vector<16xf32>,
      %add3A_309 = arith.addf %get3A_304, %get3A_308 : vector<16xf32>
      %mul3A_310 = arith.constant 16 : i32
      %mul3A_311 = arith.muli %scan3A_300, %mul3A_310 : i32
      %swap3A = arith.index_cast %mul3A_311 : i32 to index
      %swap3A_312 = tpu.vector_load %arg10[%swap3A] {strides = array<i32>} : memref<640xf32, #tpu.memory_space<vmem>>, vector<16xf32>,
      tpu.vector_store %arg10[%swap3A], %add3A_309 {strides = array<i32>} : memref<640xf32, #tpu.memory_space<vmem>>, vector<16xf32>,
      %scan3A_313 = arith.constant 0 : i32
      scf.yield %scan3A_313 : i32
    }
    %scan3A_70 = arith.constant 40 : i32
    %run_scoped3A_71 = arith.constant 6 : i32
    %run_scoped3A_72 = arith.constant 0 : i32
    "tpu.region"() ({
      %run_scoped3A_300 = tpu.sem_alloc : memref<!tpu.dma_semaphore, #tpu.memory_space<semaphore_mem>>
      %dma_start3A = tpu.memref_slice %arg11[%run_scoped3A_71, %run_scoped3A_72, %mul3A_23] : memref<16x2x10240xf32, #tpu.memory_space<vmem_shared>> -> memref<1x1x640xf32, #tpu.memory_space<vmem_shared>>
      %dma_start3A_301 = tpu.memref_squeeze %dma_start3A : memref<1x1x640xf32, #tpu.memory_space<vmem_shared>> -> memref<640xf32, #tpu.memory_space<vmem_shared>>
      %dma_start3A_302 = tpu.memref_slice %arg11[%run_scoped3A_71, %run_scoped3A_72, %mul3A_23] : memref<16x2x10240xf32, #tpu.memory_space<vmem_shared>> -> memref<1x1x640xf32, #tpu.memory_space<vmem_shared>>
      %dma_start3A_303 = tpu.memref_squeeze %dma_start3A_302 : memref<1x1x640xf32, #tpu.memory_space<vmem_shared>> -> memref<640xf32, #tpu.memory_space<vmem_shared>>
      tpu.enqueue_dma source(%dma_start3A_303 : memref<640xf32, #tpu.memory_space<vmem_shared>>) target(%arg9 : memref<640xf32, #tpu.memory_space<vmem>>) target_semaphore(%run_scoped3A_300 : memref<!tpu.dma_semaphore, #tpu.memory_space<semaphore_mem>>)
      %dma_wait3A = tpu.memref_slice %arg11[%run_scoped3A_71, %run_scoped3A_72, %mul3A_23] : memref<16x2x10240xf32, #tpu.memory_space<vmem_shared>> -> memref<1x1x640xf32, #tpu.memory_space<vmem_shared>>
      %dma_wait3A_304 = tpu.memref_squeeze %dma_wait3A : memref<1x1x640xf32, #tpu.memory_space<vmem_shared>> -> memref<640xf32, #tpu.memory_space<vmem_shared>>
      %dma_wait3A_305 = tpu.memref_slice %arg11[%run_scoped3A_71, %run_scoped3A_72, %mul3A_23] : memref<16x2x10240xf32, #tpu.memory_space<vmem_shared>> -> memref<1x1x640xf32, #tpu.memory_space<vmem_shared>>
      %dma_wait3A_306 = tpu.memref_squeeze %dma_wait3A_305 : memref<1x1x640xf32, #tpu.memory_space<vmem_shared>> -> memref<640xf32, #tpu.memory_space<vmem_shared>>
      tpu.wait_dma2 semaphore(%run_scoped3A_300 : memref<!tpu.dma_semaphore, #tpu.memory_space<semaphore_mem>>) src(%dma_wait3A_306 : memref<640xf32, #tpu.memory_space<vmem_shared>>) dst(%arg9 : memref<640xf32, #tpu.memory_space<vmem>>)
      tpu.yield
    }) : () -> ()
    %scan3A_73 = arith.constant 0 : i32
    %scan3A_74 = arith.constant 0 : i32
    %scan3A_75 = arith.constant 40 : i32
    %scan3A_76 = arith.addi %scan3A_74, %scan3A_75 : i32
    %scan3A_77 = arith.constant 1 : i32
    %scan3A_78 = scf.for %scan3A_300 = %scan3A_74 to %scan3A_76 step %scan3A_77 iter_args(%scan3A_301 = %scan3A_73) -> (i32)  : i32 {
      %mul3A_302 = arith.constant 16 : i32
      %mul3A_303 = arith.muli %scan3A_300, %mul3A_302 : i32
      %get3A = arith.index_cast %mul3A_303 : i32 to index
      %get3A_304 = tpu.vector_load %arg10[%get3A] {strides = array<i32>} : memref<640xf32, #tpu.memory_space<vmem>>, vector<16xf32>,
      %mul3A_305 = arith.constant 16 : i32
      %mul3A_306 = arith.muli %scan3A_300, %mul3A_305 : i32
      %get3A_307 = arith.index_cast %mul3A_306 : i32 to index
      %get3A_308 = tpu.vector_load %arg9[%get3A_307] {strides = array<i32>} : memref<640xf32, #tpu.memory_space<vmem>>, vector<16xf32>,
      %add3A_309 = arith.addf %get3A_304, %get3A_308 : vector<16xf32>
      %mul3A_310 = arith.constant 16 : i32
      %mul3A_311 = arith.muli %scan3A_300, %mul3A_310 : i32
      %swap3A = arith.index_cast %mul3A_311 : i32 to index
      %swap3A_312 = tpu.vector_load %arg10[%swap3A] {strides = array<i32>} : memref<640xf32, #tpu.memory_space<vmem>>, vector<16xf32>,
      tpu.vector_store %arg10[%swap3A], %add3A_309 {strides = array<i32>} : memref<640xf32, #tpu.memory_space<vmem>>, vector<16xf32>,
      %scan3A_313 = arith.constant 0 : i32
      scf.yield %scan3A_313 : i32
    }
    %scan3A_79 = arith.constant 40 : i32
    %run_scoped3A_80 = arith.constant 7 : i32
    %run_scoped3A_81 = arith.constant 0 : i32
    "tpu.region"() ({
      %run_scoped3A_300 = tpu.sem_alloc : memref<!tpu.dma_semaphore, #tpu.memory_space<semaphore_mem>>
      %dma_start3A = tpu.memref_slice %arg11[%run_scoped3A_80, %run_scoped3A_81, %mul3A_23] : memref<16x2x10240xf32, #tpu.memory_space<vmem_shared>> -> memref<1x1x640xf32, #tpu.memory_space<vmem_shared>>
      %dma_start3A_301 = tpu.memref_squeeze %dma_start3A : memref<1x1x640xf32, #tpu.memory_space<vmem_shared>> -> memref<640xf32, #tpu.memory_space<vmem_shared>>
      %dma_start3A_302 = tpu.memref_slice %arg11[%run_scoped3A_80, %run_scoped3A_81, %mul3A_23] : memref<16x2x10240xf32, #tpu.memory_space<vmem_shared>> -> memref<1x1x640xf32, #tpu.memory_space<vmem_shared>>
      %dma_start3A_303 = tpu.memref_squeeze %dma_start3A_302 : memref<1x1x640xf32, #tpu.memory_space<vmem_shared>> -> memref<640xf32, #tpu.memory_space<vmem_shared>>
      tpu.enqueue_dma source(%dma_start3A_303 : memref<640xf32, #tpu.memory_space<vmem_shared>>) target(%arg9 : memref<640xf32, #tpu.memory_space<vmem>>) target_semaphore(%run_scoped3A_300 : memref<!tpu.dma_semaphore, #tpu.memory_space<semaphore_mem>>)
      %dma_wait3A = tpu.memref_slice %arg11[%run_scoped3A_80, %run_scoped3A_81, %mul3A_23] : memref<16x2x10240xf32, #tpu.memory_space<vmem_shared>> -> memref<1x1x640xf32, #tpu.memory_space<vmem_shared>>
      %dma_wait3A_304 = tpu.memref_squeeze %dma_wait3A : memref<1x1x640xf32, #tpu.memory_space<vmem_shared>> -> memref<640xf32, #tpu.memory_space<vmem_shared>>
      %dma_wait3A_305 = tpu.memref_slice %arg11[%run_scoped3A_80, %run_scoped3A_81, %mul3A_23] : memref<16x2x10240xf32, #tpu.memory_space<vmem_shared>> -> memref<1x1x640xf32, #tpu.memory_space<vmem_shared>>
      %dma_wait3A_306 = tpu.memref_squeeze %dma_wait3A_305 : memref<1x1x640xf32, #tpu.memory_space<vmem_shared>> -> memref<640xf32, #tpu.memory_space<vmem_shared>>
      tpu.wait_dma2 semaphore(%run_scoped3A_300 : memref<!tpu.dma_semaphore, #tpu.memory_space<semaphore_mem>>) src(%dma_wait3A_306 : memref<640xf32, #tpu.memory_space<vmem_shared>>) dst(%arg9 : memref<640xf32, #tpu.memory_space<vmem>>)
      tpu.yield
    }) : () -> ()
    %scan3A_82 = arith.constant 0 : i32
    %scan3A_83 = arith.constant 0 : i32
    %scan3A_84 = arith.constant 40 : i32
    %scan3A_85 = arith.addi %scan3A_83, %scan3A_84 : i32
    %scan3A_86 = arith.constant 1 : i32
    %scan3A_87 = scf.for %scan3A_300 = %scan3A_83 to %scan3A_85 step %scan3A_86 iter_args(%scan3A_301 = %scan3A_82) -> (i32)  : i32 {
      %mul3A_302 = arith.constant 16 : i32
      %mul3A_303 = arith.muli %scan3A_300, %mul3A_302 : i32
      %get3A = arith.index_cast %mul3A_303 : i32 to index
      %get3A_304 = tpu.vector_load %arg10[%get3A] {strides = array<i32>} : memref<640xf32, #tpu.memory_space<vmem>>, vector<16xf32>,
      %mul3A_305 = arith.constant 16 : i32
      %mul3A_306 = arith.muli %scan3A_300, %mul3A_305 : i32
      %get3A_307 = arith.index_cast %mul3A_306 : i32 to index
      %get3A_308 = tpu.vector_load %arg9[%get3A_307] {strides = array<i32>} : memref<640xf32, #tpu.memory_space<vmem>>, vector<16xf32>,
      %add3A_309 = arith.addf %get3A_304, %get3A_308 : vector<16xf32>
      %mul3A_310 = arith.constant 16 : i32
      %mul3A_311 = arith.muli %scan3A_300, %mul3A_310 : i32
      %swap3A = arith.index_cast %mul3A_311 : i32 to index
      %swap3A_312 = tpu.vector_load %arg10[%swap3A] {strides = array<i32>} : memref<640xf32, #tpu.memory_space<vmem>>, vector<16xf32>,
      tpu.vector_store %arg10[%swap3A], %add3A_309 {strides = array<i32>} : memref<640xf32, #tpu.memory_space<vmem>>, vector<16xf32>,
      %scan3A_313 = arith.constant 0 : i32
      scf.yield %scan3A_313 : i32
    }
    %scan3A_88 = arith.constant 40 : i32
    %run_scoped3A_89 = arith.constant 8 : i32
    %run_scoped3A_90 = arith.constant 0 : i32
    "tpu.region"() ({
      %run_scoped3A_300 = tpu.sem_alloc : memref<!tpu.dma_semaphore, #tpu.memory_space<semaphore_mem>>
      %dma_start3A = tpu.memref_slice %arg11[%run_scoped3A_89, %run_scoped3A_90, %mul3A_23] : memref<16x2x10240xf32, #tpu.memory_space<vmem_shared>> -> memref<1x1x640xf32, #tpu.memory_space<vmem_shared>>
      %dma_start3A_301 = tpu.memref_squeeze %dma_start3A : memref<1x1x640xf32, #tpu.memory_space<vmem_shared>> -> memref<640xf32, #tpu.memory_space<vmem_shared>>
      %dma_start3A_302 = tpu.memref_slice %arg11[%run_scoped3A_89, %run_scoped3A_90, %mul3A_23] : memref<16x2x10240xf32, #tpu.memory_space<vmem_shared>> -> memref<1x1x640xf32, #tpu.memory_space<vmem_shared>>
      %dma_start3A_303 = tpu.memref_squeeze %dma_start3A_302 : memref<1x1x640xf32, #tpu.memory_space<vmem_shared>> -> memref<640xf32, #tpu.memory_space<vmem_shared>>
      tpu.enqueue_dma source(%dma_start3A_303 : memref<640xf32, #tpu.memory_space<vmem_shared>>) target(%arg9 : memref<640xf32, #tpu.memory_space<vmem>>) target_semaphore(%run_scoped3A_300 : memref<!tpu.dma_semaphore, #tpu.memory_space<semaphore_mem>>)
      %dma_wait3A = tpu.memref_slice %arg11[%run_scoped3A_89, %run_scoped3A_90, %mul3A_23] : memref<16x2x10240xf32, #tpu.memory_space<vmem_shared>> -> memref<1x1x640xf32, #tpu.memory_space<vmem_shared>>
      %dma_wait3A_304 = tpu.memref_squeeze %dma_wait3A : memref<1x1x640xf32, #tpu.memory_space<vmem_shared>> -> memref<640xf32, #tpu.memory_space<vmem_shared>>
      %dma_wait3A_305 = tpu.memref_slice %arg11[%run_scoped3A_89, %run_scoped3A_90, %mul3A_23] : memref<16x2x10240xf32, #tpu.memory_space<vmem_shared>> -> memref<1x1x640xf32, #tpu.memory_space<vmem_shared>>
      %dma_wait3A_306 = tpu.memref_squeeze %dma_wait3A_305 : memref<1x1x640xf32, #tpu.memory_space<vmem_shared>> -> memref<640xf32, #tpu.memory_space<vmem_shared>>
      tpu.wait_dma2 semaphore(%run_scoped3A_300 : memref<!tpu.dma_semaphore, #tpu.memory_space<semaphore_mem>>) src(%dma_wait3A_306 : memref<640xf32, #tpu.memory_space<vmem_shared>>) dst(%arg9 : memref<640xf32, #tpu.memory_space<vmem>>)
      tpu.yield
    }) : () -> ()
    %scan3A_91 = arith.constant 0 : i32
    %scan3A_92 = arith.constant 0 : i32
    %scan3A_93 = arith.constant 40 : i32
    %scan3A_94 = arith.addi %scan3A_92, %scan3A_93 : i32
    %scan3A_95 = arith.constant 1 : i32
    %scan3A_96 = scf.for %scan3A_300 = %scan3A_92 to %scan3A_94 step %scan3A_95 iter_args(%scan3A_301 = %scan3A_91) -> (i32)  : i32 {
      %mul3A_302 = arith.constant 16 : i32
      %mul3A_303 = arith.muli %scan3A_300, %mul3A_302 : i32
      %get3A = arith.index_cast %mul3A_303 : i32 to index
      %get3A_304 = tpu.vector_load %arg10[%get3A] {strides = array<i32>} : memref<640xf32, #tpu.memory_space<vmem>>, vector<16xf32>,
      %mul3A_305 = arith.constant 16 : i32
      %mul3A_306 = arith.muli %scan3A_300, %mul3A_305 : i32
      %get3A_307 = arith.index_cast %mul3A_306 : i32 to index
      %get3A_308 = tpu.vector_load %arg9[%get3A_307] {strides = array<i32>} : memref<640xf32, #tpu.memory_space<vmem>>, vector<16xf32>,
      %add3A_309 = arith.addf %get3A_304, %get3A_308 : vector<16xf32>
      %mul3A_310 = arith.constant 16 : i32
      %mul3A_311 = arith.muli %scan3A_300, %mul3A_310 : i32
      %swap3A = arith.index_cast %mul3A_311 : i32 to index
      %swap3A_312 = tpu.vector_load %arg10[%swap3A] {strides = array<i32>} : memref<640xf32, #tpu.memory_space<vmem>>, vector<16xf32>,
      tpu.vector_store %arg10[%swap3A], %add3A_309 {strides = array<i32>} : memref<640xf32, #tpu.memory_space<vmem>>, vector<16xf32>,
      %scan3A_313 = arith.constant 0 : i32
      scf.yield %scan3A_313 : i32
    }
    %scan3A_97 = arith.constant 40 : i32
    %run_scoped3A_98 = arith.constant 9 : i32
    %run_scoped3A_99 = arith.constant 0 : i32
    "tpu.region"() ({
      %run_scoped3A_300 = tpu.sem_alloc : memref<!tpu.dma_semaphore, #tpu.memory_space<semaphore_mem>>
      %dma_start3A = tpu.memref_slice %arg11[%run_scoped3A_98, %run_scoped3A_99, %mul3A_23] : memref<16x2x10240xf32, #tpu.memory_space<vmem_shared>> -> memref<1x1x640xf32, #tpu.memory_space<vmem_shared>>
      %dma_start3A_301 = tpu.memref_squeeze %dma_start3A : memref<1x1x640xf32, #tpu.memory_space<vmem_shared>> -> memref<640xf32, #tpu.memory_space<vmem_shared>>
      %dma_start3A_302 = tpu.memref_slice %arg11[%run_scoped3A_98, %run_scoped3A_99, %mul3A_23] : memref<16x2x10240xf32, #tpu.memory_space<vmem_shared>> -> memref<1x1x640xf32, #tpu.memory_space<vmem_shared>>
      %dma_start3A_303 = tpu.memref_squeeze %dma_start3A_302 : memref<1x1x640xf32, #tpu.memory_space<vmem_shared>> -> memref<640xf32, #tpu.memory_space<vmem_shared>>
      tpu.enqueue_dma source(%dma_start3A_303 : memref<640xf32, #tpu.memory_space<vmem_shared>>) target(%arg9 : memref<640xf32, #tpu.memory_space<vmem>>) target_semaphore(%run_scoped3A_300 : memref<!tpu.dma_semaphore, #tpu.memory_space<semaphore_mem>>)
      %dma_wait3A = tpu.memref_slice %arg11[%run_scoped3A_98, %run_scoped3A_99, %mul3A_23] : memref<16x2x10240xf32, #tpu.memory_space<vmem_shared>> -> memref<1x1x640xf32, #tpu.memory_space<vmem_shared>>
      %dma_wait3A_304 = tpu.memref_squeeze %dma_wait3A : memref<1x1x640xf32, #tpu.memory_space<vmem_shared>> -> memref<640xf32, #tpu.memory_space<vmem_shared>>
      %dma_wait3A_305 = tpu.memref_slice %arg11[%run_scoped3A_98, %run_scoped3A_99, %mul3A_23] : memref<16x2x10240xf32, #tpu.memory_space<vmem_shared>> -> memref<1x1x640xf32, #tpu.memory_space<vmem_shared>>
      %dma_wait3A_306 = tpu.memref_squeeze %dma_wait3A_305 : memref<1x1x640xf32, #tpu.memory_space<vmem_shared>> -> memref<640xf32, #tpu.memory_space<vmem_shared>>
      tpu.wait_dma2 semaphore(%run_scoped3A_300 : memref<!tpu.dma_semaphore, #tpu.memory_space<semaphore_mem>>) src(%dma_wait3A_306 : memref<640xf32, #tpu.memory_space<vmem_shared>>) dst(%arg9 : memref<640xf32, #tpu.memory_space<vmem>>)
      tpu.yield
    }) : () -> ()
    %scan3A_100 = arith.constant 0 : i32
    %scan3A_101 = arith.constant 0 : i32
    %scan3A_102 = arith.constant 40 : i32
    %scan3A_103 = arith.addi %scan3A_101, %scan3A_102 : i32
    %scan3A_104 = arith.constant 1 : i32
    %scan3A_105 = scf.for %scan3A_300 = %scan3A_101 to %scan3A_103 step %scan3A_104 iter_args(%scan3A_301 = %scan3A_100) -> (i32)  : i32 {
      %mul3A_302 = arith.constant 16 : i32
      %mul3A_303 = arith.muli %scan3A_300, %mul3A_302 : i32
      %get3A = arith.index_cast %mul3A_303 : i32 to index
      %get3A_304 = tpu.vector_load %arg10[%get3A] {strides = array<i32>} : memref<640xf32, #tpu.memory_space<vmem>>, vector<16xf32>,
      %mul3A_305 = arith.constant 16 : i32
      %mul3A_306 = arith.muli %scan3A_300, %mul3A_305 : i32
      %get3A_307 = arith.index_cast %mul3A_306 : i32 to index
      %get3A_308 = tpu.vector_load %arg9[%get3A_307] {strides = array<i32>} : memref<640xf32, #tpu.memory_space<vmem>>, vector<16xf32>,
      %add3A_309 = arith.addf %get3A_304, %get3A_308 : vector<16xf32>
      %mul3A_310 = arith.constant 16 : i32
      %mul3A_311 = arith.muli %scan3A_300, %mul3A_310 : i32
      %swap3A = arith.index_cast %mul3A_311 : i32 to index
      %swap3A_312 = tpu.vector_load %arg10[%swap3A] {strides = array<i32>} : memref<640xf32, #tpu.memory_space<vmem>>, vector<16xf32>,
      tpu.vector_store %arg10[%swap3A], %add3A_309 {strides = array<i32>} : memref<640xf32, #tpu.memory_space<vmem>>, vector<16xf32>,
      %scan3A_313 = arith.constant 0 : i32
      scf.yield %scan3A_313 : i32
    }
    %scan3A_106 = arith.constant 40 : i32
    %run_scoped3A_107 = arith.constant 10 : i32
    %run_scoped3A_108 = arith.constant 0 : i32
    "tpu.region"() ({
      %run_scoped3A_300 = tpu.sem_alloc : memref<!tpu.dma_semaphore, #tpu.memory_space<semaphore_mem>>
      %dma_start3A = tpu.memref_slice %arg11[%run_scoped3A_107, %run_scoped3A_108, %mul3A_23] : memref<16x2x10240xf32, #tpu.memory_space<vmem_shared>> -> memref<1x1x640xf32, #tpu.memory_space<vmem_shared>>
      %dma_start3A_301 = tpu.memref_squeeze %dma_start3A : memref<1x1x640xf32, #tpu.memory_space<vmem_shared>> -> memref<640xf32, #tpu.memory_space<vmem_shared>>
      %dma_start3A_302 = tpu.memref_slice %arg11[%run_scoped3A_107, %run_scoped3A_108, %mul3A_23] : memref<16x2x10240xf32, #tpu.memory_space<vmem_shared>> -> memref<1x1x640xf32, #tpu.memory_space<vmem_shared>>
      %dma_start3A_303 = tpu.memref_squeeze %dma_start3A_302 : memref<1x1x640xf32, #tpu.memory_space<vmem_shared>> -> memref<640xf32, #tpu.memory_space<vmem_shared>>
      tpu.enqueue_dma source(%dma_start3A_303 : memref<640xf32, #tpu.memory_space<vmem_shared>>) target(%arg9 : memref<640xf32, #tpu.memory_space<vmem>>) target_semaphore(%run_scoped3A_300 : memref<!tpu.dma_semaphore, #tpu.memory_space<semaphore_mem>>)
      %dma_wait3A = tpu.memref_slice %arg11[%run_scoped3A_107, %run_scoped3A_108, %mul3A_23] : memref<16x2x10240xf32, #tpu.memory_space<vmem_shared>> -> memref<1x1x640xf32, #tpu.memory_space<vmem_shared>>
      %dma_wait3A_304 = tpu.memref_squeeze %dma_wait3A : memref<1x1x640xf32, #tpu.memory_space<vmem_shared>> -> memref<640xf32, #tpu.memory_space<vmem_shared>>
      %dma_wait3A_305 = tpu.memref_slice %arg11[%run_scoped3A_107, %run_scoped3A_108, %mul3A_23] : memref<16x2x10240xf32, #tpu.memory_space<vmem_shared>> -> memref<1x1x640xf32, #tpu.memory_space<vmem_shared>>
      %dma_wait3A_306 = tpu.memref_squeeze %dma_wait3A_305 : memref<1x1x640xf32, #tpu.memory_space<vmem_shared>> -> memref<640xf32, #tpu.memory_space<vmem_shared>>
      tpu.wait_dma2 semaphore(%run_scoped3A_300 : memref<!tpu.dma_semaphore, #tpu.memory_space<semaphore_mem>>) src(%dma_wait3A_306 : memref<640xf32, #tpu.memory_space<vmem_shared>>) dst(%arg9 : memref<640xf32, #tpu.memory_space<vmem>>)
      tpu.yield
    }) : () -> ()
    %scan3A_109 = arith.constant 0 : i32
    %scan3A_110 = arith.constant 0 : i32
    %scan3A_111 = arith.constant 40 : i32
    %scan3A_112 = arith.addi %scan3A_110, %scan3A_111 : i32
    %scan3A_113 = arith.constant 1 : i32
    %scan3A_114 = scf.for %scan3A_300 = %scan3A_110 to %scan3A_112 step %scan3A_113 iter_args(%scan3A_301 = %scan3A_109) -> (i32)  : i32 {
      %mul3A_302 = arith.constant 16 : i32
      %mul3A_303 = arith.muli %scan3A_300, %mul3A_302 : i32
      %get3A = arith.index_cast %mul3A_303 : i32 to index
      %get3A_304 = tpu.vector_load %arg10[%get3A] {strides = array<i32>} : memref<640xf32, #tpu.memory_space<vmem>>, vector<16xf32>,
      %mul3A_305 = arith.constant 16 : i32
      %mul3A_306 = arith.muli %scan3A_300, %mul3A_305 : i32
      %get3A_307 = arith.index_cast %mul3A_306 : i32 to index
      %get3A_308 = tpu.vector_load %arg9[%get3A_307] {strides = array<i32>} : memref<640xf32, #tpu.memory_space<vmem>>, vector<16xf32>,
      %add3A_309 = arith.addf %get3A_304, %get3A_308 : vector<16xf32>
      %mul3A_310 = arith.constant 16 : i32
      %mul3A_311 = arith.muli %scan3A_300, %mul3A_310 : i32
      %swap3A = arith.index_cast %mul3A_311 : i32 to index
      %swap3A_312 = tpu.vector_load %arg10[%swap3A] {strides = array<i32>} : memref<640xf32, #tpu.memory_space<vmem>>, vector<16xf32>,
      tpu.vector_store %arg10[%swap3A], %add3A_309 {strides = array<i32>} : memref<640xf32, #tpu.memory_space<vmem>>, vector<16xf32>,
      %scan3A_313 = arith.constant 0 : i32
      scf.yield %scan3A_313 : i32
    }
    %scan3A_115 = arith.constant 40 : i32
    %run_scoped3A_116 = arith.constant 11 : i32
    %run_scoped3A_117 = arith.constant 0 : i32
    "tpu.region"() ({
      %run_scoped3A_300 = tpu.sem_alloc : memref<!tpu.dma_semaphore, #tpu.memory_space<semaphore_mem>>
      %dma_start3A = tpu.memref_slice %arg11[%run_scoped3A_116, %run_scoped3A_117, %mul3A_23] : memref<16x2x10240xf32, #tpu.memory_space<vmem_shared>> -> memref<1x1x640xf32, #tpu.memory_space<vmem_shared>>
      %dma_start3A_301 = tpu.memref_squeeze %dma_start3A : memref<1x1x640xf32, #tpu.memory_space<vmem_shared>> -> memref<640xf32, #tpu.memory_space<vmem_shared>>
      %dma_start3A_302 = tpu.memref_slice %arg11[%run_scoped3A_116, %run_scoped3A_117, %mul3A_23] : memref<16x2x10240xf32, #tpu.memory_space<vmem_shared>> -> memref<1x1x640xf32, #tpu.memory_space<vmem_shared>>
      %dma_start3A_303 = tpu.memref_squeeze %dma_start3A_302 : memref<1x1x640xf32, #tpu.memory_space<vmem_shared>> -> memref<640xf32, #tpu.memory_space<vmem_shared>>
      tpu.enqueue_dma source(%dma_start3A_303 : memref<640xf32, #tpu.memory_space<vmem_shared>>) target(%arg9 : memref<640xf32, #tpu.memory_space<vmem>>) target_semaphore(%run_scoped3A_300 : memref<!tpu.dma_semaphore, #tpu.memory_space<semaphore_mem>>)
      %dma_wait3A = tpu.memref_slice %arg11[%run_scoped3A_116, %run_scoped3A_117, %mul3A_23] : memref<16x2x10240xf32, #tpu.memory_space<vmem_shared>> -> memref<1x1x640xf32, #tpu.memory_space<vmem_shared>>
      %dma_wait3A_304 = tpu.memref_squeeze %dma_wait3A : memref<1x1x640xf32, #tpu.memory_space<vmem_shared>> -> memref<640xf32, #tpu.memory_space<vmem_shared>>
      %dma_wait3A_305 = tpu.memref_slice %arg11[%run_scoped3A_116, %run_scoped3A_117, %mul3A_23] : memref<16x2x10240xf32, #tpu.memory_space<vmem_shared>> -> memref<1x1x640xf32, #tpu.memory_space<vmem_shared>>
      %dma_wait3A_306 = tpu.memref_squeeze %dma_wait3A_305 : memref<1x1x640xf32, #tpu.memory_space<vmem_shared>> -> memref<640xf32, #tpu.memory_space<vmem_shared>>
      tpu.wait_dma2 semaphore(%run_scoped3A_300 : memref<!tpu.dma_semaphore, #tpu.memory_space<semaphore_mem>>) src(%dma_wait3A_306 : memref<640xf32, #tpu.memory_space<vmem_shared>>) dst(%arg9 : memref<640xf32, #tpu.memory_space<vmem>>)
      tpu.yield
    }) : () -> ()
    %scan3A_118 = arith.constant 0 : i32
    %scan3A_119 = arith.constant 0 : i32
    %scan3A_120 = arith.constant 40 : i32
    %scan3A_121 = arith.addi %scan3A_119, %scan3A_120 : i32
    %scan3A_122 = arith.constant 1 : i32
    %scan3A_123 = scf.for %scan3A_300 = %scan3A_119 to %scan3A_121 step %scan3A_122 iter_args(%scan3A_301 = %scan3A_118) -> (i32)  : i32 {
      %mul3A_302 = arith.constant 16 : i32
      %mul3A_303 = arith.muli %scan3A_300, %mul3A_302 : i32
      %get3A = arith.index_cast %mul3A_303 : i32 to index
      %get3A_304 = tpu.vector_load %arg10[%get3A] {strides = array<i32>} : memref<640xf32, #tpu.memory_space<vmem>>, vector<16xf32>,
      %mul3A_305 = arith.constant 16 : i32
      %mul3A_306 = arith.muli %scan3A_300, %mul3A_305 : i32
      %get3A_307 = arith.index_cast %mul3A_306 : i32 to index
      %get3A_308 = tpu.vector_load %arg9[%get3A_307] {strides = array<i32>} : memref<640xf32, #tpu.memory_space<vmem>>, vector<16xf32>,
      %add3A_309 = arith.addf %get3A_304, %get3A_308 : vector<16xf32>
      %mul3A_310 = arith.constant 16 : i32
      %mul3A_311 = arith.muli %scan3A_300, %mul3A_310 : i32
      %swap3A = arith.index_cast %mul3A_311 : i32 to index
      %swap3A_312 = tpu.vector_load %arg10[%swap3A] {strides = array<i32>} : memref<640xf32, #tpu.memory_space<vmem>>, vector<16xf32>,
      tpu.vector_store %arg10[%swap3A], %add3A_309 {strides = array<i32>} : memref<640xf32, #tpu.memory_space<vmem>>, vector<16xf32>,
      %scan3A_313 = arith.constant 0 : i32
      scf.yield %scan3A_313 : i32
    }
    %scan3A_124 = arith.constant 40 : i32
    %run_scoped3A_125 = arith.constant 12 : i32
    %run_scoped3A_126 = arith.constant 0 : i32
    "tpu.region"() ({
      %run_scoped3A_300 = tpu.sem_alloc : memref<!tpu.dma_semaphore, #tpu.memory_space<semaphore_mem>>
      %dma_start3A = tpu.memref_slice %arg11[%run_scoped3A_125, %run_scoped3A_126, %mul3A_23] : memref<16x2x10240xf32, #tpu.memory_space<vmem_shared>> -> memref<1x1x640xf32, #tpu.memory_space<vmem_shared>>
      %dma_start3A_301 = tpu.memref_squeeze %dma_start3A : memref<1x1x640xf32, #tpu.memory_space<vmem_shared>> -> memref<640xf32, #tpu.memory_space<vmem_shared>>
      %dma_start3A_302 = tpu.memref_slice %arg11[%run_scoped3A_125, %run_scoped3A_126, %mul3A_23] : memref<16x2x10240xf32, #tpu.memory_space<vmem_shared>> -> memref<1x1x640xf32, #tpu.memory_space<vmem_shared>>
      %dma_start3A_303 = tpu.memref_squeeze %dma_start3A_302 : memref<1x1x640xf32, #tpu.memory_space<vmem_shared>> -> memref<640xf32, #tpu.memory_space<vmem_shared>>
      tpu.enqueue_dma source(%dma_start3A_303 : memref<640xf32, #tpu.memory_space<vmem_shared>>) target(%arg9 : memref<640xf32, #tpu.memory_space<vmem>>) target_semaphore(%run_scoped3A_300 : memref<!tpu.dma_semaphore, #tpu.memory_space<semaphore_mem>>)
      %dma_wait3A = tpu.memref_slice %arg11[%run_scoped3A_125, %run_scoped3A_126, %mul3A_23] : memref<16x2x10240xf32, #tpu.memory_space<vmem_shared>> -> memref<1x1x640xf32, #tpu.memory_space<vmem_shared>>
      %dma_wait3A_304 = tpu.memref_squeeze %dma_wait3A : memref<1x1x640xf32, #tpu.memory_space<vmem_shared>> -> memref<640xf32, #tpu.memory_space<vmem_shared>>
      %dma_wait3A_305 = tpu.memref_slice %arg11[%run_scoped3A_125, %run_scoped3A_126, %mul3A_23] : memref<16x2x10240xf32, #tpu.memory_space<vmem_shared>> -> memref<1x1x640xf32, #tpu.memory_space<vmem_shared>>
      %dma_wait3A_306 = tpu.memref_squeeze %dma_wait3A_305 : memref<1x1x640xf32, #tpu.memory_space<vmem_shared>> -> memref<640xf32, #tpu.memory_space<vmem_shared>>
      tpu.wait_dma2 semaphore(%run_scoped3A_300 : memref<!tpu.dma_semaphore, #tpu.memory_space<semaphore_mem>>) src(%dma_wait3A_306 : memref<640xf32, #tpu.memory_space<vmem_shared>>) dst(%arg9 : memref<640xf32, #tpu.memory_space<vmem>>)
      tpu.yield
    }) : () -> ()
    %scan3A_127 = arith.constant 0 : i32
    %scan3A_128 = arith.constant 0 : i32
    %scan3A_129 = arith.constant 40 : i32
    %scan3A_130 = arith.addi %scan3A_128, %scan3A_129 : i32
    %scan3A_131 = arith.constant 1 : i32
    %scan3A_132 = scf.for %scan3A_300 = %scan3A_128 to %scan3A_130 step %scan3A_131 iter_args(%scan3A_301 = %scan3A_127) -> (i32)  : i32 {
      %mul3A_302 = arith.constant 16 : i32
      %mul3A_303 = arith.muli %scan3A_300, %mul3A_302 : i32
      %get3A = arith.index_cast %mul3A_303 : i32 to index
      %get3A_304 = tpu.vector_load %arg10[%get3A] {strides = array<i32>} : memref<640xf32, #tpu.memory_space<vmem>>, vector<16xf32>,
      %mul3A_305 = arith.constant 16 : i32
      %mul3A_306 = arith.muli %scan3A_300, %mul3A_305 : i32
      %get3A_307 = arith.index_cast %mul3A_306 : i32 to index
      %get3A_308 = tpu.vector_load %arg9[%get3A_307] {strides = array<i32>} : memref<640xf32, #tpu.memory_space<vmem>>, vector<16xf32>,
      %add3A_309 = arith.addf %get3A_304, %get3A_308 : vector<16xf32>
      %mul3A_310 = arith.constant 16 : i32
      %mul3A_311 = arith.muli %scan3A_300, %mul3A_310 : i32
      %swap3A = arith.index_cast %mul3A_311 : i32 to index
      %swap3A_312 = tpu.vector_load %arg10[%swap3A] {strides = array<i32>} : memref<640xf32, #tpu.memory_space<vmem>>, vector<16xf32>,
      tpu.vector_store %arg10[%swap3A], %add3A_309 {strides = array<i32>} : memref<640xf32, #tpu.memory_space<vmem>>, vector<16xf32>,
      %scan3A_313 = arith.constant 0 : i32
      scf.yield %scan3A_313 : i32
    }
    %scan3A_133 = arith.constant 40 : i32
    %run_scoped3A_134 = arith.constant 13 : i32
    %run_scoped3A_135 = arith.constant 0 : i32
    "tpu.region"() ({
      %run_scoped3A_300 = tpu.sem_alloc : memref<!tpu.dma_semaphore, #tpu.memory_space<semaphore_mem>>
      %dma_start3A = tpu.memref_slice %arg11[%run_scoped3A_134, %run_scoped3A_135, %mul3A_23] : memref<16x2x10240xf32, #tpu.memory_space<vmem_shared>> -> memref<1x1x640xf32, #tpu.memory_space<vmem_shared>>
      %dma_start3A_301 = tpu.memref_squeeze %dma_start3A : memref<1x1x640xf32, #tpu.memory_space<vmem_shared>> -> memref<640xf32, #tpu.memory_space<vmem_shared>>
      %dma_start3A_302 = tpu.memref_slice %arg11[%run_scoped3A_134, %run_scoped3A_135, %mul3A_23] : memref<16x2x10240xf32, #tpu.memory_space<vmem_shared>> -> memref<1x1x640xf32, #tpu.memory_space<vmem_shared>>
      %dma_start3A_303 = tpu.memref_squeeze %dma_start3A_302 : memref<1x1x640xf32, #tpu.memory_space<vmem_shared>> -> memref<640xf32, #tpu.memory_space<vmem_shared>>
      tpu.enqueue_dma source(%dma_start3A_303 : memref<640xf32, #tpu.memory_space<vmem_shared>>) target(%arg9 : memref<640xf32, #tpu.memory_space<vmem>>) target_semaphore(%run_scoped3A_300 : memref<!tpu.dma_semaphore, #tpu.memory_space<semaphore_mem>>)
      %dma_wait3A = tpu.memref_slice %arg11[%run_scoped3A_134, %run_scoped3A_135, %mul3A_23] : memref<16x2x10240xf32, #tpu.memory_space<vmem_shared>> -> memref<1x1x640xf32, #tpu.memory_space<vmem_shared>>
      %dma_wait3A_304 = tpu.memref_squeeze %dma_wait3A : memref<1x1x640xf32, #tpu.memory_space<vmem_shared>> -> memref<640xf32, #tpu.memory_space<vmem_shared>>
      %dma_wait3A_305 = tpu.memref_slice %arg11[%run_scoped3A_134, %run_scoped3A_135, %mul3A_23] : memref<16x2x10240xf32, #tpu.memory_space<vmem_shared>> -> memref<1x1x640xf32, #tpu.memory_space<vmem_shared>>
      %dma_wait3A_306 = tpu.memref_squeeze %dma_wait3A_305 : memref<1x1x640xf32, #tpu.memory_space<vmem_shared>> -> memref<640xf32, #tpu.memory_space<vmem_shared>>
      tpu.wait_dma2 semaphore(%run_scoped3A_300 : memref<!tpu.dma_semaphore, #tpu.memory_space<semaphore_mem>>) src(%dma_wait3A_306 : memref<640xf32, #tpu.memory_space<vmem_shared>>) dst(%arg9 : memref<640xf32, #tpu.memory_space<vmem>>)
      tpu.yield
    }) : () -> ()
    %scan3A_136 = arith.constant 0 : i32
    %scan3A_137 = arith.constant 0 : i32
    %scan3A_138 = arith.constant 40 : i32
    %scan3A_139 = arith.addi %scan3A_137, %scan3A_138 : i32
    %scan3A_140 = arith.constant 1 : i32
    %scan3A_141 = scf.for %scan3A_300 = %scan3A_137 to %scan3A_139 step %scan3A_140 iter_args(%scan3A_301 = %scan3A_136) -> (i32)  : i32 {
      %mul3A_302 = arith.constant 16 : i32
      %mul3A_303 = arith.muli %scan3A_300, %mul3A_302 : i32
      %get3A = arith.index_cast %mul3A_303 : i32 to index
      %get3A_304 = tpu.vector_load %arg10[%get3A] {strides = array<i32>} : memref<640xf32, #tpu.memory_space<vmem>>, vector<16xf32>,
      %mul3A_305 = arith.constant 16 : i32
      %mul3A_306 = arith.muli %scan3A_300, %mul3A_305 : i32
      %get3A_307 = arith.index_cast %mul3A_306 : i32 to index
      %get3A_308 = tpu.vector_load %arg9[%get3A_307] {strides = array<i32>} : memref<640xf32, #tpu.memory_space<vmem>>, vector<16xf32>,
      %add3A_309 = arith.addf %get3A_304, %get3A_308 : vector<16xf32>
      %mul3A_310 = arith.constant 16 : i32
      %mul3A_311 = arith.muli %scan3A_300, %mul3A_310 : i32
      %swap3A = arith.index_cast %mul3A_311 : i32 to index
      %swap3A_312 = tpu.vector_load %arg10[%swap3A] {strides = array<i32>} : memref<640xf32, #tpu.memory_space<vmem>>, vector<16xf32>,
      tpu.vector_store %arg10[%swap3A], %add3A_309 {strides = array<i32>} : memref<640xf32, #tpu.memory_space<vmem>>, vector<16xf32>,
      %scan3A_313 = arith.constant 0 : i32
      scf.yield %scan3A_313 : i32
    }
    %scan3A_142 = arith.constant 40 : i32
    %run_scoped3A_143 = arith.constant 14 : i32
    %run_scoped3A_144 = arith.constant 0 : i32
    "tpu.region"() ({
      %run_scoped3A_300 = tpu.sem_alloc : memref<!tpu.dma_semaphore, #tpu.memory_space<semaphore_mem>>
      %dma_start3A = tpu.memref_slice %arg11[%run_scoped3A_143, %run_scoped3A_144, %mul3A_23] : memref<16x2x10240xf32, #tpu.memory_space<vmem_shared>> -> memref<1x1x640xf32, #tpu.memory_space<vmem_shared>>
      %dma_start3A_301 = tpu.memref_squeeze %dma_start3A : memref<1x1x640xf32, #tpu.memory_space<vmem_shared>> -> memref<640xf32, #tpu.memory_space<vmem_shared>>
      %dma_start3A_302 = tpu.memref_slice %arg11[%run_scoped3A_143, %run_scoped3A_144, %mul3A_23] : memref<16x2x10240xf32, #tpu.memory_space<vmem_shared>> -> memref<1x1x640xf32, #tpu.memory_space<vmem_shared>>
      %dma_start3A_303 = tpu.memref_squeeze %dma_start3A_302 : memref<1x1x640xf32, #tpu.memory_space<vmem_shared>> -> memref<640xf32, #tpu.memory_space<vmem_shared>>
      tpu.enqueue_dma source(%dma_start3A_303 : memref<640xf32, #tpu.memory_space<vmem_shared>>) target(%arg9 : memref<640xf32, #tpu.memory_space<vmem>>) target_semaphore(%run_scoped3A_300 : memref<!tpu.dma_semaphore, #tpu.memory_space<semaphore_mem>>)
      %dma_wait3A = tpu.memref_slice %arg11[%run_scoped3A_143, %run_scoped3A_144, %mul3A_23] : memref<16x2x10240xf32, #tpu.memory_space<vmem_shared>> -> memref<1x1x640xf32, #tpu.memory_space<vmem_shared>>
      %dma_wait3A_304 = tpu.memref_squeeze %dma_wait3A : memref<1x1x640xf32, #tpu.memory_space<vmem_shared>> -> memref<640xf32, #tpu.memory_space<vmem_shared>>
      %dma_wait3A_305 = tpu.memref_slice %arg11[%run_scoped3A_143, %run_scoped3A_144, %mul3A_23] : memref<16x2x10240xf32, #tpu.memory_space<vmem_shared>> -> memref<1x1x640xf32, #tpu.memory_space<vmem_shared>>
      %dma_wait3A_306 = tpu.memref_squeeze %dma_wait3A_305 : memref<1x1x640xf32, #tpu.memory_space<vmem_shared>> -> memref<640xf32, #tpu.memory_space<vmem_shared>>
      tpu.wait_dma2 semaphore(%run_scoped3A_300 : memref<!tpu.dma_semaphore, #tpu.memory_space<semaphore_mem>>) src(%dma_wait3A_306 : memref<640xf32, #tpu.memory_space<vmem_shared>>) dst(%arg9 : memref<640xf32, #tpu.memory_space<vmem>>)
      tpu.yield
    }) : () -> ()
    %scan3A_145 = arith.constant 0 : i32
    %scan3A_146 = arith.constant 0 : i32
    %scan3A_147 = arith.constant 40 : i32
    %scan3A_148 = arith.addi %scan3A_146, %scan3A_147 : i32
    %scan3A_149 = arith.constant 1 : i32
    %scan3A_150 = scf.for %scan3A_300 = %scan3A_146 to %scan3A_148 step %scan3A_149 iter_args(%scan3A_301 = %scan3A_145) -> (i32)  : i32 {
      %mul3A_302 = arith.constant 16 : i32
      %mul3A_303 = arith.muli %scan3A_300, %mul3A_302 : i32
      %get3A = arith.index_cast %mul3A_303 : i32 to index
      %get3A_304 = tpu.vector_load %arg10[%get3A] {strides = array<i32>} : memref<640xf32, #tpu.memory_space<vmem>>, vector<16xf32>,
      %mul3A_305 = arith.constant 16 : i32
      %mul3A_306 = arith.muli %scan3A_300, %mul3A_305 : i32
      %get3A_307 = arith.index_cast %mul3A_306 : i32 to index
      %get3A_308 = tpu.vector_load %arg9[%get3A_307] {strides = array<i32>} : memref<640xf32, #tpu.memory_space<vmem>>, vector<16xf32>,
      %add3A_309 = arith.addf %get3A_304, %get3A_308 : vector<16xf32>
      %mul3A_310 = arith.constant 16 : i32
      %mul3A_311 = arith.muli %scan3A_300, %mul3A_310 : i32
      %swap3A = arith.index_cast %mul3A_311 : i32 to index
      %swap3A_312 = tpu.vector_load %arg10[%swap3A] {strides = array<i32>} : memref<640xf32, #tpu.memory_space<vmem>>, vector<16xf32>,
      tpu.vector_store %arg10[%swap3A], %add3A_309 {strides = array<i32>} : memref<640xf32, #tpu.memory_space<vmem>>, vector<16xf32>,
      %scan3A_313 = arith.constant 0 : i32
      scf.yield %scan3A_313 : i32
    }
    %scan3A_151 = arith.constant 40 : i32
    %run_scoped3A_152 = arith.constant 15 : i32
    %run_scoped3A_153 = arith.constant 0 : i32
    "tpu.region"() ({
      %run_scoped3A_300 = tpu.sem_alloc : memref<!tpu.dma_semaphore, #tpu.memory_space<semaphore_mem>>
      %dma_start3A = tpu.memref_slice %arg11[%run_scoped3A_152, %run_scoped3A_153, %mul3A_23] : memref<16x2x10240xf32, #tpu.memory_space<vmem_shared>> -> memref<1x1x640xf32, #tpu.memory_space<vmem_shared>>
      %dma_start3A_301 = tpu.memref_squeeze %dma_start3A : memref<1x1x640xf32, #tpu.memory_space<vmem_shared>> -> memref<640xf32, #tpu.memory_space<vmem_shared>>
      %dma_start3A_302 = tpu.memref_slice %arg11[%run_scoped3A_152, %run_scoped3A_153, %mul3A_23] : memref<16x2x10240xf32, #tpu.memory_space<vmem_shared>> -> memref<1x1x640xf32, #tpu.memory_space<vmem_shared>>
      %dma_start3A_303 = tpu.memref_squeeze %dma_start3A_302 : memref<1x1x640xf32, #tpu.memory_space<vmem_shared>> -> memref<640xf32, #tpu.memory_space<vmem_shared>>
      tpu.enqueue_dma source(%dma_start3A_303 : memref<640xf32, #tpu.memory_space<vmem_shared>>) target(%arg9 : memref<640xf32, #tpu.memory_space<vmem>>) target_semaphore(%run_scoped3A_300 : memref<!tpu.dma_semaphore, #tpu.memory_space<semaphore_mem>>)
      %dma_wait3A = tpu.memref_slice %arg11[%run_scoped3A_152, %run_scoped3A_153, %mul3A_23] : memref<16x2x10240xf32, #tpu.memory_space<vmem_shared>> -> memref<1x1x640xf32, #tpu.memory_space<vmem_shared>>
      %dma_wait3A_304 = tpu.memref_squeeze %dma_wait3A : memref<1x1x640xf32, #tpu.memory_space<vmem_shared>> -> memref<640xf32, #tpu.memory_space<vmem_shared>>
      %dma_wait3A_305 = tpu.memref_slice %arg11[%run_scoped3A_152, %run_scoped3A_153, %mul3A_23] : memref<16x2x10240xf32, #tpu.memory_space<vmem_shared>> -> memref<1x1x640xf32, #tpu.memory_space<vmem_shared>>
      %dma_wait3A_306 = tpu.memref_squeeze %dma_wait3A_305 : memref<1x1x640xf32, #tpu.memory_space<vmem_shared>> -> memref<640xf32, #tpu.memory_space<vmem_shared>>
      tpu.wait_dma2 semaphore(%run_scoped3A_300 : memref<!tpu.dma_semaphore, #tpu.memory_space<semaphore_mem>>) src(%dma_wait3A_306 : memref<640xf32, #tpu.memory_space<vmem_shared>>) dst(%arg9 : memref<640xf32, #tpu.memory_space<vmem>>)
      tpu.yield
    }) : () -> ()
    %scan3A_154 = arith.constant 0 : i32
    %scan3A_155 = arith.constant 0 : i32
    %scan3A_156 = arith.constant 40 : i32
    %scan3A_157 = arith.addi %scan3A_155, %scan3A_156 : i32
    %scan3A_158 = arith.constant 1 : i32
    %scan3A_159 = scf.for %scan3A_300 = %scan3A_155 to %scan3A_157 step %scan3A_158 iter_args(%scan3A_301 = %scan3A_154) -> (i32)  : i32 {
      %mul3A_302 = arith.constant 16 : i32
      %mul3A_303 = arith.muli %scan3A_300, %mul3A_302 : i32
      %get3A = arith.index_cast %mul3A_303 : i32 to index
      %get3A_304 = tpu.vector_load %arg10[%get3A] {strides = array<i32>} : memref<640xf32, #tpu.memory_space<vmem>>, vector<16xf32>,
      %mul3A_305 = arith.constant 16 : i32
      %mul3A_306 = arith.muli %scan3A_300, %mul3A_305 : i32
      %get3A_307 = arith.index_cast %mul3A_306 : i32 to index
      %get3A_308 = tpu.vector_load %arg9[%get3A_307] {strides = array<i32>} : memref<640xf32, #tpu.memory_space<vmem>>, vector<16xf32>,
      %add3A_309 = arith.addf %get3A_304, %get3A_308 : vector<16xf32>
      %mul3A_310 = arith.constant 16 : i32
      %mul3A_311 = arith.muli %scan3A_300, %mul3A_310 : i32
      %swap3A = arith.index_cast %mul3A_311 : i32 to index
      %swap3A_312 = tpu.vector_load %arg10[%swap3A] {strides = array<i32>} : memref<640xf32, #tpu.memory_space<vmem>>, vector<16xf32>,
      tpu.vector_store %arg10[%swap3A], %add3A_309 {strides = array<i32>} : memref<640xf32, #tpu.memory_space<vmem>>, vector<16xf32>,
      %scan3A_313 = arith.constant 0 : i32
      scf.yield %scan3A_313 : i32
    }
    %scan3A_160 = arith.constant 40 : i32
    %run_scoped3A_161 = arith.constant 0 : i32
    "tpu.region"() ({
      %run_scoped3A_300 = tpu.sem_alloc : memref<!tpu.dma_semaphore, #tpu.memory_space<semaphore_mem>>
      %dma_start3A = tpu.memref_slice %arg4[%arg0, %run_scoped3A_161, %mul3A_23] : memref<2x2x10240xf32, #tpu.memory_space<hbm>> -> memref<1x1x640xf32, #tpu.memory_space<hbm>>
      %dma_start3A_301 = tpu.memref_squeeze %dma_start3A : memref<1x1x640xf32, #tpu.memory_space<hbm>> -> memref<640xf32, #tpu.memory_space<hbm>>
      %dma_start3A_302 = tpu.memref_slice %arg4[%arg0, %run_scoped3A_161, %mul3A_23] : memref<2x2x10240xf32, #tpu.memory_space<hbm>> -> memref<1x1x640xf32, #tpu.memory_space<hbm>>
      %dma_start3A_303 = tpu.memref_squeeze %dma_start3A_302 : memref<1x1x640xf32, #tpu.memory_space<hbm>> -> memref<640xf32, #tpu.memory_space<hbm>>
      tpu.enqueue_dma source(%arg10 : memref<640xf32, #tpu.memory_space<vmem>>) target(%dma_start3A_303 : memref<640xf32, #tpu.memory_space<hbm>>) target_semaphore(%run_scoped3A_300 : memref<!tpu.dma_semaphore, #tpu.memory_space<semaphore_mem>>)
      %dma_wait3A = tpu.memref_slice %arg4[%arg0, %run_scoped3A_161, %mul3A_23] : memref<2x2x10240xf32, #tpu.memory_space<hbm>> -> memref<1x1x640xf32, #tpu.memory_space<hbm>>
      %dma_wait3A_304 = tpu.memref_squeeze %dma_wait3A : memref<1x1x640xf32, #tpu.memory_space<hbm>> -> memref<640xf32, #tpu.memory_space<hbm>>
      %dma_wait3A_305 = tpu.memref_slice %arg4[%arg0, %run_scoped3A_161, %mul3A_23] : memref<2x2x10240xf32, #tpu.memory_space<hbm>> -> memref<1x1x640xf32, #tpu.memory_space<hbm>>
      %dma_wait3A_306 = tpu.memref_squeeze %dma_wait3A_305 : memref<1x1x640xf32, #tpu.memory_space<hbm>> -> memref<640xf32, #tpu.memory_space<hbm>>
      tpu.wait_dma2 semaphore(%run_scoped3A_300 : memref<!tpu.dma_semaphore, #tpu.memory_space<semaphore_mem>>) src(%arg10 : memref<640xf32, #tpu.memory_space<vmem>>) dst(%dma_wait3A_306 : memref<640xf32, #tpu.memory_space<hbm>>)
      tpu.yield
    }) : () -> ()
    %run_scoped3A_162 = arith.constant 0 : i32
    %run_scoped3A_163 = arith.constant 1 : i32
    "tpu.region"() ({
      %run_scoped3A_300 = tpu.sem_alloc : memref<!tpu.dma_semaphore, #tpu.memory_space<semaphore_mem>>
      %dma_start3A = tpu.memref_slice %arg11[%run_scoped3A_162, %run_scoped3A_163, %mul3A_23] : memref<16x2x10240xf32, #tpu.memory_space<vmem_shared>> -> memref<1x1x640xf32, #tpu.memory_space<vmem_shared>>
      %dma_start3A_301 = tpu.memref_squeeze %dma_start3A : memref<1x1x640xf32, #tpu.memory_space<vmem_shared>> -> memref<640xf32, #tpu.memory_space<vmem_shared>>
      %dma_start3A_302 = tpu.memref_slice %arg11[%run_scoped3A_162, %run_scoped3A_163, %mul3A_23] : memref<16x2x10240xf32, #tpu.memory_space<vmem_shared>> -> memref<1x1x640xf32, #tpu.memory_space<vmem_shared>>
      %dma_start3A_303 = tpu.memref_squeeze %dma_start3A_302 : memref<1x1x640xf32, #tpu.memory_space<vmem_shared>> -> memref<640xf32, #tpu.memory_space<vmem_shared>>
      tpu.enqueue_dma source(%dma_start3A_303 : memref<640xf32, #tpu.memory_space<vmem_shared>>) target(%arg10 : memref<640xf32, #tpu.memory_space<vmem>>) target_semaphore(%run_scoped3A_300 : memref<!tpu.dma_semaphore, #tpu.memory_space<semaphore_mem>>)
      %dma_wait3A = tpu.memref_slice %arg11[%run_scoped3A_162, %run_scoped3A_163, %mul3A_23] : memref<16x2x10240xf32, #tpu.memory_space<vmem_shared>> -> memref<1x1x640xf32, #tpu.memory_space<vmem_shared>>
      %dma_wait3A_304 = tpu.memref_squeeze %dma_wait3A : memref<1x1x640xf32, #tpu.memory_space<vmem_shared>> -> memref<640xf32, #tpu.memory_space<vmem_shared>>
      %dma_wait3A_305 = tpu.memref_slice %arg11[%run_scoped3A_162, %run_scoped3A_163, %mul3A_23] : memref<16x2x10240xf32, #tpu.memory_space<vmem_shared>> -> memref<1x1x640xf32, #tpu.memory_space<vmem_shared>>
      %dma_wait3A_306 = tpu.memref_squeeze %dma_wait3A_305 : memref<1x1x640xf32, #tpu.memory_space<vmem_shared>> -> memref<640xf32, #tpu.memory_space<vmem_shared>>
      tpu.wait_dma2 semaphore(%run_scoped3A_300 : memref<!tpu.dma_semaphore, #tpu.memory_space<semaphore_mem>>) src(%dma_wait3A_306 : memref<640xf32, #tpu.memory_space<vmem_shared>>) dst(%arg10 : memref<640xf32, #tpu.memory_space<vmem>>)
      tpu.yield
    }) : () -> ()
    %run_scoped3A_164 = arith.constant 1 : i32
    %run_scoped3A_165 = arith.constant 1 : i32
    "tpu.region"() ({
      %run_scoped3A_300 = tpu.sem_alloc : memref<!tpu.dma_semaphore, #tpu.memory_space<semaphore_mem>>
      %dma_start3A = tpu.memref_slice %arg11[%run_scoped3A_164, %run_scoped3A_165, %mul3A_23] : memref<16x2x10240xf32, #tpu.memory_space<vmem_shared>> -> memref<1x1x640xf32, #tpu.memory_space<vmem_shared>>
      %dma_start3A_301 = tpu.memref_squeeze %dma_start3A : memref<1x1x640xf32, #tpu.memory_space<vmem_shared>> -> memref<640xf32, #tpu.memory_space<vmem_shared>>
      %dma_start3A_302 = tpu.memref_slice %arg11[%run_scoped3A_164, %run_scoped3A_165, %mul3A_23] : memref<16x2x10240xf32, #tpu.memory_space<vmem_shared>> -> memref<1x1x640xf32, #tpu.memory_space<vmem_shared>>
      %dma_start3A_303 = tpu.memref_squeeze %dma_start3A_302 : memref<1x1x640xf32, #tpu.memory_space<vmem_shared>> -> memref<640xf32, #tpu.memory_space<vmem_shared>>
      tpu.enqueue_dma source(%dma_start3A_303 : memref<640xf32, #tpu.memory_space<vmem_shared>>) target(%arg9 : memref<640xf32, #tpu.memory_space<vmem>>) target_semaphore(%run_scoped3A_300 : memref<!tpu.dma_semaphore, #tpu.memory_space<semaphore_mem>>)
      %dma_wait3A = tpu.memref_slice %arg11[%run_scoped3A_164, %run_scoped3A_165, %mul3A_23] : memref<16x2x10240xf32, #tpu.memory_space<vmem_shared>> -> memref<1x1x640xf32, #tpu.memory_space<vmem_shared>>
      %dma_wait3A_304 = tpu.memref_squeeze %dma_wait3A : memref<1x1x640xf32, #tpu.memory_space<vmem_shared>> -> memref<640xf32, #tpu.memory_space<vmem_shared>>
      %dma_wait3A_305 = tpu.memref_slice %arg11[%run_scoped3A_164, %run_scoped3A_165, %mul3A_23] : memref<16x2x10240xf32, #tpu.memory_space<vmem_shared>> -> memref<1x1x640xf32, #tpu.memory_space<vmem_shared>>
      %dma_wait3A_306 = tpu.memref_squeeze %dma_wait3A_305 : memref<1x1x640xf32, #tpu.memory_space<vmem_shared>> -> memref<640xf32, #tpu.memory_space<vmem_shared>>
      tpu.wait_dma2 semaphore(%run_scoped3A_300 : memref<!tpu.dma_semaphore, #tpu.memory_space<semaphore_mem>>) src(%dma_wait3A_306 : memref<640xf32, #tpu.memory_space<vmem_shared>>) dst(%arg9 : memref<640xf32, #tpu.memory_space<vmem>>)
      tpu.yield
    }) : () -> ()
    %scan3A_166 = arith.constant 0 : i32
    %scan3A_167 = arith.constant 0 : i32
    %scan3A_168 = arith.constant 40 : i32
    %scan3A_169 = arith.addi %scan3A_167, %scan3A_168 : i32
    %scan3A_170 = arith.constant 1 : i32
    %scan3A_171 = scf.for %scan3A_300 = %scan3A_167 to %scan3A_169 step %scan3A_170 iter_args(%scan3A_301 = %scan3A_166) -> (i32)  : i32 {
      %mul3A_302 = arith.constant 16 : i32
      %mul3A_303 = arith.muli %scan3A_300, %mul3A_302 : i32
      %get3A = arith.index_cast %mul3A_303 : i32 to index
      %get3A_304 = tpu.vector_load %arg10[%get3A] {strides = array<i32>} : memref<640xf32, #tpu.memory_space<vmem>>, vector<16xf32>,
      %mul3A_305 = arith.constant 16 : i32
      %mul3A_306 = arith.muli %scan3A_300, %mul3A_305 : i32
      %get3A_307 = arith.index_cast %mul3A_306 : i32 to index
      %get3A_308 = tpu.vector_load %arg9[%get3A_307] {strides = array<i32>} : memref<640xf32, #tpu.memory_space<vmem>>, vector<16xf32>,
      %add3A_309 = arith.addf %get3A_304, %get3A_308 : vector<16xf32>
      %mul3A_310 = arith.constant 16 : i32
      %mul3A_311 = arith.muli %scan3A_300, %mul3A_310 : i32
      %swap3A = arith.index_cast %mul3A_311 : i32 to index
      %swap3A_312 = tpu.vector_load %arg10[%swap3A] {strides = array<i32>} : memref<640xf32, #tpu.memory_space<vmem>>, vector<16xf32>,
      tpu.vector_store %arg10[%swap3A], %add3A_309 {strides = array<i32>} : memref<640xf32, #tpu.memory_space<vmem>>, vector<16xf32>,
      %scan3A_313 = arith.constant 0 : i32
      scf.yield %scan3A_313 : i32
    }
    %scan3A_172 = arith.constant 40 : i32
    %run_scoped3A_173 = arith.constant 2 : i32
    %run_scoped3A_174 = arith.constant 1 : i32
    "tpu.region"() ({
      %run_scoped3A_300 = tpu.sem_alloc : memref<!tpu.dma_semaphore, #tpu.memory_space<semaphore_mem>>
      %dma_start3A = tpu.memref_slice %arg11[%run_scoped3A_173, %run_scoped3A_174, %mul3A_23] : memref<16x2x10240xf32, #tpu.memory_space<vmem_shared>> -> memref<1x1x640xf32, #tpu.memory_space<vmem_shared>>
      %dma_start3A_301 = tpu.memref_squeeze %dma_start3A : memref<1x1x640xf32, #tpu.memory_space<vmem_shared>> -> memref<640xf32, #tpu.memory_space<vmem_shared>>
      %dma_start3A_302 = tpu.memref_slice %arg11[%run_scoped3A_173, %run_scoped3A_174, %mul3A_23] : memref<16x2x10240xf32, #tpu.memory_space<vmem_shared>> -> memref<1x1x640xf32, #tpu.memory_space<vmem_shared>>
      %dma_start3A_303 = tpu.memref_squeeze %dma_start3A_302 : memref<1x1x640xf32, #tpu.memory_space<vmem_shared>> -> memref<640xf32, #tpu.memory_space<vmem_shared>>
      tpu.enqueue_dma source(%dma_start3A_303 : memref<640xf32, #tpu.memory_space<vmem_shared>>) target(%arg9 : memref<640xf32, #tpu.memory_space<vmem>>) target_semaphore(%run_scoped3A_300 : memref<!tpu.dma_semaphore, #tpu.memory_space<semaphore_mem>>)
      %dma_wait3A = tpu.memref_slice %arg11[%run_scoped3A_173, %run_scoped3A_174, %mul3A_23] : memref<16x2x10240xf32, #tpu.memory_space<vmem_shared>> -> memref<1x1x640xf32, #tpu.memory_space<vmem_shared>>
      %dma_wait3A_304 = tpu.memref_squeeze %dma_wait3A : memref<1x1x640xf32, #tpu.memory_space<vmem_shared>> -> memref<640xf32, #tpu.memory_space<vmem_shared>>
      %dma_wait3A_305 = tpu.memref_slice %arg11[%run_scoped3A_173, %run_scoped3A_174, %mul3A_23] : memref<16x2x10240xf32, #tpu.memory_space<vmem_shared>> -> memref<1x1x640xf32, #tpu.memory_space<vmem_shared>>
      %dma_wait3A_306 = tpu.memref_squeeze %dma_wait3A_305 : memref<1x1x640xf32, #tpu.memory_space<vmem_shared>> -> memref<640xf32, #tpu.memory_space<vmem_shared>>
      tpu.wait_dma2 semaphore(%run_scoped3A_300 : memref<!tpu.dma_semaphore, #tpu.memory_space<semaphore_mem>>) src(%dma_wait3A_306 : memref<640xf32, #tpu.memory_space<vmem_shared>>) dst(%arg9 : memref<640xf32, #tpu.memory_space<vmem>>)
      tpu.yield
    }) : () -> ()
    %scan3A_175 = arith.constant 0 : i32
    %scan3A_176 = arith.constant 0 : i32
    %scan3A_177 = arith.constant 40 : i32
    %scan3A_178 = arith.addi %scan3A_176, %scan3A_177 : i32
    %scan3A_179 = arith.constant 1 : i32
    %scan3A_180 = scf.for %scan3A_300 = %scan3A_176 to %scan3A_178 step %scan3A_179 iter_args(%scan3A_301 = %scan3A_175) -> (i32)  : i32 {
      %mul3A_302 = arith.constant 16 : i32
      %mul3A_303 = arith.muli %scan3A_300, %mul3A_302 : i32
      %get3A = arith.index_cast %mul3A_303 : i32 to index
      %get3A_304 = tpu.vector_load %arg10[%get3A] {strides = array<i32>} : memref<640xf32, #tpu.memory_space<vmem>>, vector<16xf32>,
      %mul3A_305 = arith.constant 16 : i32
      %mul3A_306 = arith.muli %scan3A_300, %mul3A_305 : i32
      %get3A_307 = arith.index_cast %mul3A_306 : i32 to index
      %get3A_308 = tpu.vector_load %arg9[%get3A_307] {strides = array<i32>} : memref<640xf32, #tpu.memory_space<vmem>>, vector<16xf32>,
      %add3A_309 = arith.addf %get3A_304, %get3A_308 : vector<16xf32>
      %mul3A_310 = arith.constant 16 : i32
      %mul3A_311 = arith.muli %scan3A_300, %mul3A_310 : i32
      %swap3A = arith.index_cast %mul3A_311 : i32 to index
      %swap3A_312 = tpu.vector_load %arg10[%swap3A] {strides = array<i32>} : memref<640xf32, #tpu.memory_space<vmem>>, vector<16xf32>,
      tpu.vector_store %arg10[%swap3A], %add3A_309 {strides = array<i32>} : memref<640xf32, #tpu.memory_space<vmem>>, vector<16xf32>,
      %scan3A_313 = arith.constant 0 : i32
      scf.yield %scan3A_313 : i32
    }
    %scan3A_181 = arith.constant 40 : i32
    %run_scoped3A_182 = arith.constant 3 : i32
    %run_scoped3A_183 = arith.constant 1 : i32
    "tpu.region"() ({
      %run_scoped3A_300 = tpu.sem_alloc : memref<!tpu.dma_semaphore, #tpu.memory_space<semaphore_mem>>
      %dma_start3A = tpu.memref_slice %arg11[%run_scoped3A_182, %run_scoped3A_183, %mul3A_23] : memref<16x2x10240xf32, #tpu.memory_space<vmem_shared>> -> memref<1x1x640xf32, #tpu.memory_space<vmem_shared>>
      %dma_start3A_301 = tpu.memref_squeeze %dma_start3A : memref<1x1x640xf32, #tpu.memory_space<vmem_shared>> -> memref<640xf32, #tpu.memory_space<vmem_shared>>
      %dma_start3A_302 = tpu.memref_slice %arg11[%run_scoped3A_182, %run_scoped3A_183, %mul3A_23] : memref<16x2x10240xf32, #tpu.memory_space<vmem_shared>> -> memref<1x1x640xf32, #tpu.memory_space<vmem_shared>>
      %dma_start3A_303 = tpu.memref_squeeze %dma_start3A_302 : memref<1x1x640xf32, #tpu.memory_space<vmem_shared>> -> memref<640xf32, #tpu.memory_space<vmem_shared>>
      tpu.enqueue_dma source(%dma_start3A_303 : memref<640xf32, #tpu.memory_space<vmem_shared>>) target(%arg9 : memref<640xf32, #tpu.memory_space<vmem>>) target_semaphore(%run_scoped3A_300 : memref<!tpu.dma_semaphore, #tpu.memory_space<semaphore_mem>>)
      %dma_wait3A = tpu.memref_slice %arg11[%run_scoped3A_182, %run_scoped3A_183, %mul3A_23] : memref<16x2x10240xf32, #tpu.memory_space<vmem_shared>> -> memref<1x1x640xf32, #tpu.memory_space<vmem_shared>>
      %dma_wait3A_304 = tpu.memref_squeeze %dma_wait3A : memref<1x1x640xf32, #tpu.memory_space<vmem_shared>> -> memref<640xf32, #tpu.memory_space<vmem_shared>>
      %dma_wait3A_305 = tpu.memref_slice %arg11[%run_scoped3A_182, %run_scoped3A_183, %mul3A_23] : memref<16x2x10240xf32, #tpu.memory_space<vmem_shared>> -> memref<1x1x640xf32, #tpu.memory_space<vmem_shared>>
      %dma_wait3A_306 = tpu.memref_squeeze %dma_wait3A_305 : memref<1x1x640xf32, #tpu.memory_space<vmem_shared>> -> memref<640xf32, #tpu.memory_space<vmem_shared>>
      tpu.wait_dma2 semaphore(%run_scoped3A_300 : memref<!tpu.dma_semaphore, #tpu.memory_space<semaphore_mem>>) src(%dma_wait3A_306 : memref<640xf32, #tpu.memory_space<vmem_shared>>) dst(%arg9 : memref<640xf32, #tpu.memory_space<vmem>>)
      tpu.yield
    }) : () -> ()
    %scan3A_184 = arith.constant 0 : i32
    %scan3A_185 = arith.constant 0 : i32
    %scan3A_186 = arith.constant 40 : i32
    %scan3A_187 = arith.addi %scan3A_185, %scan3A_186 : i32
    %scan3A_188 = arith.constant 1 : i32
    %scan3A_189 = scf.for %scan3A_300 = %scan3A_185 to %scan3A_187 step %scan3A_188 iter_args(%scan3A_301 = %scan3A_184) -> (i32)  : i32 {
      %mul3A_302 = arith.constant 16 : i32
      %mul3A_303 = arith.muli %scan3A_300, %mul3A_302 : i32
      %get3A = arith.index_cast %mul3A_303 : i32 to index
      %get3A_304 = tpu.vector_load %arg10[%get3A] {strides = array<i32>} : memref<640xf32, #tpu.memory_space<vmem>>, vector<16xf32>,
      %mul3A_305 = arith.constant 16 : i32
      %mul3A_306 = arith.muli %scan3A_300, %mul3A_305 : i32
      %get3A_307 = arith.index_cast %mul3A_306 : i32 to index
      %get3A_308 = tpu.vector_load %arg9[%get3A_307] {strides = array<i32>} : memref<640xf32, #tpu.memory_space<vmem>>, vector<16xf32>,
      %add3A_309 = arith.addf %get3A_304, %get3A_308 : vector<16xf32>
      %mul3A_310 = arith.constant 16 : i32
      %mul3A_311 = arith.muli %scan3A_300, %mul3A_310 : i32
      %swap3A = arith.index_cast %mul3A_311 : i32 to index
      %swap3A_312 = tpu.vector_load %arg10[%swap3A] {strides = array<i32>} : memref<640xf32, #tpu.memory_space<vmem>>, vector<16xf32>,
      tpu.vector_store %arg10[%swap3A], %add3A_309 {strides = array<i32>} : memref<640xf32, #tpu.memory_space<vmem>>, vector<16xf32>,
      %scan3A_313 = arith.constant 0 : i32
      scf.yield %scan3A_313 : i32
    }
    %scan3A_190 = arith.constant 40 : i32
    %run_scoped3A_191 = arith.constant 4 : i32
    %run_scoped3A_192 = arith.constant 1 : i32
    "tpu.region"() ({
      %run_scoped3A_300 = tpu.sem_alloc : memref<!tpu.dma_semaphore, #tpu.memory_space<semaphore_mem>>
      %dma_start3A = tpu.memref_slice %arg11[%run_scoped3A_191, %run_scoped3A_192, %mul3A_23] : memref<16x2x10240xf32, #tpu.memory_space<vmem_shared>> -> memref<1x1x640xf32, #tpu.memory_space<vmem_shared>>
      %dma_start3A_301 = tpu.memref_squeeze %dma_start3A : memref<1x1x640xf32, #tpu.memory_space<vmem_shared>> -> memref<640xf32, #tpu.memory_space<vmem_shared>>
      %dma_start3A_302 = tpu.memref_slice %arg11[%run_scoped3A_191, %run_scoped3A_192, %mul3A_23] : memref<16x2x10240xf32, #tpu.memory_space<vmem_shared>> -> memref<1x1x640xf32, #tpu.memory_space<vmem_shared>>
      %dma_start3A_303 = tpu.memref_squeeze %dma_start3A_302 : memref<1x1x640xf32, #tpu.memory_space<vmem_shared>> -> memref<640xf32, #tpu.memory_space<vmem_shared>>
      tpu.enqueue_dma source(%dma_start3A_303 : memref<640xf32, #tpu.memory_space<vmem_shared>>) target(%arg9 : memref<640xf32, #tpu.memory_space<vmem>>) target_semaphore(%run_scoped3A_300 : memref<!tpu.dma_semaphore, #tpu.memory_space<semaphore_mem>>)
      %dma_wait3A = tpu.memref_slice %arg11[%run_scoped3A_191, %run_scoped3A_192, %mul3A_23] : memref<16x2x10240xf32, #tpu.memory_space<vmem_shared>> -> memref<1x1x640xf32, #tpu.memory_space<vmem_shared>>
      %dma_wait3A_304 = tpu.memref_squeeze %dma_wait3A : memref<1x1x640xf32, #tpu.memory_space<vmem_shared>> -> memref<640xf32, #tpu.memory_space<vmem_shared>>
      %dma_wait3A_305 = tpu.memref_slice %arg11[%run_scoped3A_191, %run_scoped3A_192, %mul3A_23] : memref<16x2x10240xf32, #tpu.memory_space<vmem_shared>> -> memref<1x1x640xf32, #tpu.memory_space<vmem_shared>>
      %dma_wait3A_306 = tpu.memref_squeeze %dma_wait3A_305 : memref<1x1x640xf32, #tpu.memory_space<vmem_shared>> -> memref<640xf32, #tpu.memory_space<vmem_shared>>
      tpu.wait_dma2 semaphore(%run_scoped3A_300 : memref<!tpu.dma_semaphore, #tpu.memory_space<semaphore_mem>>) src(%dma_wait3A_306 : memref<640xf32, #tpu.memory_space<vmem_shared>>) dst(%arg9 : memref<640xf32, #tpu.memory_space<vmem>>)
      tpu.yield
    }) : () -> ()
    %scan3A_193 = arith.constant 0 : i32
    %scan3A_194 = arith.constant 0 : i32
    %scan3A_195 = arith.constant 40 : i32
    %scan3A_196 = arith.addi %scan3A_194, %scan3A_195 : i32
    %scan3A_197 = arith.constant 1 : i32
    %scan3A_198 = scf.for %scan3A_300 = %scan3A_194 to %scan3A_196 step %scan3A_197 iter_args(%scan3A_301 = %scan3A_193) -> (i32)  : i32 {
      %mul3A_302 = arith.constant 16 : i32
      %mul3A_303 = arith.muli %scan3A_300, %mul3A_302 : i32
      %get3A = arith.index_cast %mul3A_303 : i32 to index
      %get3A_304 = tpu.vector_load %arg10[%get3A] {strides = array<i32>} : memref<640xf32, #tpu.memory_space<vmem>>, vector<16xf32>,
      %mul3A_305 = arith.constant 16 : i32
      %mul3A_306 = arith.muli %scan3A_300, %mul3A_305 : i32
      %get3A_307 = arith.index_cast %mul3A_306 : i32 to index
      %get3A_308 = tpu.vector_load %arg9[%get3A_307] {strides = array<i32>} : memref<640xf32, #tpu.memory_space<vmem>>, vector<16xf32>,
      %add3A_309 = arith.addf %get3A_304, %get3A_308 : vector<16xf32>
      %mul3A_310 = arith.constant 16 : i32
      %mul3A_311 = arith.muli %scan3A_300, %mul3A_310 : i32
      %swap3A = arith.index_cast %mul3A_311 : i32 to index
      %swap3A_312 = tpu.vector_load %arg10[%swap3A] {strides = array<i32>} : memref<640xf32, #tpu.memory_space<vmem>>, vector<16xf32>,
      tpu.vector_store %arg10[%swap3A], %add3A_309 {strides = array<i32>} : memref<640xf32, #tpu.memory_space<vmem>>, vector<16xf32>,
      %scan3A_313 = arith.constant 0 : i32
      scf.yield %scan3A_313 : i32
    }
    %scan3A_199 = arith.constant 40 : i32
    %run_scoped3A_200 = arith.constant 5 : i32
    %run_scoped3A_201 = arith.constant 1 : i32
    "tpu.region"() ({
      %run_scoped3A_300 = tpu.sem_alloc : memref<!tpu.dma_semaphore, #tpu.memory_space<semaphore_mem>>
      %dma_start3A = tpu.memref_slice %arg11[%run_scoped3A_200, %run_scoped3A_201, %mul3A_23] : memref<16x2x10240xf32, #tpu.memory_space<vmem_shared>> -> memref<1x1x640xf32, #tpu.memory_space<vmem_shared>>
      %dma_start3A_301 = tpu.memref_squeeze %dma_start3A : memref<1x1x640xf32, #tpu.memory_space<vmem_shared>> -> memref<640xf32, #tpu.memory_space<vmem_shared>>
      %dma_start3A_302 = tpu.memref_slice %arg11[%run_scoped3A_200, %run_scoped3A_201, %mul3A_23] : memref<16x2x10240xf32, #tpu.memory_space<vmem_shared>> -> memref<1x1x640xf32, #tpu.memory_space<vmem_shared>>
      %dma_start3A_303 = tpu.memref_squeeze %dma_start3A_302 : memref<1x1x640xf32, #tpu.memory_space<vmem_shared>> -> memref<640xf32, #tpu.memory_space<vmem_shared>>
      tpu.enqueue_dma source(%dma_start3A_303 : memref<640xf32, #tpu.memory_space<vmem_shared>>) target(%arg9 : memref<640xf32, #tpu.memory_space<vmem>>) target_semaphore(%run_scoped3A_300 : memref<!tpu.dma_semaphore, #tpu.memory_space<semaphore_mem>>)
      %dma_wait3A = tpu.memref_slice %arg11[%run_scoped3A_200, %run_scoped3A_201, %mul3A_23] : memref<16x2x10240xf32, #tpu.memory_space<vmem_shared>> -> memref<1x1x640xf32, #tpu.memory_space<vmem_shared>>
      %dma_wait3A_304 = tpu.memref_squeeze %dma_wait3A : memref<1x1x640xf32, #tpu.memory_space<vmem_shared>> -> memref<640xf32, #tpu.memory_space<vmem_shared>>
      %dma_wait3A_305 = tpu.memref_slice %arg11[%run_scoped3A_200, %run_scoped3A_201, %mul3A_23] : memref<16x2x10240xf32, #tpu.memory_space<vmem_shared>> -> memref<1x1x640xf32, #tpu.memory_space<vmem_shared>>
      %dma_wait3A_306 = tpu.memref_squeeze %dma_wait3A_305 : memref<1x1x640xf32, #tpu.memory_space<vmem_shared>> -> memref<640xf32, #tpu.memory_space<vmem_shared>>
      tpu.wait_dma2 semaphore(%run_scoped3A_300 : memref<!tpu.dma_semaphore, #tpu.memory_space<semaphore_mem>>) src(%dma_wait3A_306 : memref<640xf32, #tpu.memory_space<vmem_shared>>) dst(%arg9 : memref<640xf32, #tpu.memory_space<vmem>>)
      tpu.yield
    }) : () -> ()
    %scan3A_202 = arith.constant 0 : i32
    %scan3A_203 = arith.constant 0 : i32
    %scan3A_204 = arith.constant 40 : i32
    %scan3A_205 = arith.addi %scan3A_203, %scan3A_204 : i32
    %scan3A_206 = arith.constant 1 : i32
    %scan3A_207 = scf.for %scan3A_300 = %scan3A_203 to %scan3A_205 step %scan3A_206 iter_args(%scan3A_301 = %scan3A_202) -> (i32)  : i32 {
      %mul3A_302 = arith.constant 16 : i32
      %mul3A_303 = arith.muli %scan3A_300, %mul3A_302 : i32
      %get3A = arith.index_cast %mul3A_303 : i32 to index
      %get3A_304 = tpu.vector_load %arg10[%get3A] {strides = array<i32>} : memref<640xf32, #tpu.memory_space<vmem>>, vector<16xf32>,
      %mul3A_305 = arith.constant 16 : i32
      %mul3A_306 = arith.muli %scan3A_300, %mul3A_305 : i32
      %get3A_307 = arith.index_cast %mul3A_306 : i32 to index
      %get3A_308 = tpu.vector_load %arg9[%get3A_307] {strides = array<i32>} : memref<640xf32, #tpu.memory_space<vmem>>, vector<16xf32>,
      %add3A_309 = arith.addf %get3A_304, %get3A_308 : vector<16xf32>
      %mul3A_310 = arith.constant 16 : i32
      %mul3A_311 = arith.muli %scan3A_300, %mul3A_310 : i32
      %swap3A = arith.index_cast %mul3A_311 : i32 to index
      %swap3A_312 = tpu.vector_load %arg10[%swap3A] {strides = array<i32>} : memref<640xf32, #tpu.memory_space<vmem>>, vector<16xf32>,
      tpu.vector_store %arg10[%swap3A], %add3A_309 {strides = array<i32>} : memref<640xf32, #tpu.memory_space<vmem>>, vector<16xf32>,
      %scan3A_313 = arith.constant 0 : i32
      scf.yield %scan3A_313 : i32
    }
    %scan3A_208 = arith.constant 40 : i32
    %run_scoped3A_209 = arith.constant 6 : i32
    %run_scoped3A_210 = arith.constant 1 : i32
    "tpu.region"() ({
      %run_scoped3A_300 = tpu.sem_alloc : memref<!tpu.dma_semaphore, #tpu.memory_space<semaphore_mem>>
      %dma_start3A = tpu.memref_slice %arg11[%run_scoped3A_209, %run_scoped3A_210, %mul3A_23] : memref<16x2x10240xf32, #tpu.memory_space<vmem_shared>> -> memref<1x1x640xf32, #tpu.memory_space<vmem_shared>>
      %dma_start3A_301 = tpu.memref_squeeze %dma_start3A : memref<1x1x640xf32, #tpu.memory_space<vmem_shared>> -> memref<640xf32, #tpu.memory_space<vmem_shared>>
      %dma_start3A_302 = tpu.memref_slice %arg11[%run_scoped3A_209, %run_scoped3A_210, %mul3A_23] : memref<16x2x10240xf32, #tpu.memory_space<vmem_shared>> -> memref<1x1x640xf32, #tpu.memory_space<vmem_shared>>
      %dma_start3A_303 = tpu.memref_squeeze %dma_start3A_302 : memref<1x1x640xf32, #tpu.memory_space<vmem_shared>> -> memref<640xf32, #tpu.memory_space<vmem_shared>>
      tpu.enqueue_dma source(%dma_start3A_303 : memref<640xf32, #tpu.memory_space<vmem_shared>>) target(%arg9 : memref<640xf32, #tpu.memory_space<vmem>>) target_semaphore(%run_scoped3A_300 : memref<!tpu.dma_semaphore, #tpu.memory_space<semaphore_mem>>)
      %dma_wait3A = tpu.memref_slice %arg11[%run_scoped3A_209, %run_scoped3A_210, %mul3A_23] : memref<16x2x10240xf32, #tpu.memory_space<vmem_shared>> -> memref<1x1x640xf32, #tpu.memory_space<vmem_shared>>
      %dma_wait3A_304 = tpu.memref_squeeze %dma_wait3A : memref<1x1x640xf32, #tpu.memory_space<vmem_shared>> -> memref<640xf32, #tpu.memory_space<vmem_shared>>
      %dma_wait3A_305 = tpu.memref_slice %arg11[%run_scoped3A_209, %run_scoped3A_210, %mul3A_23] : memref<16x2x10240xf32, #tpu.memory_space<vmem_shared>> -> memref<1x1x640xf32, #tpu.memory_space<vmem_shared>>
      %dma_wait3A_306 = tpu.memref_squeeze %dma_wait3A_305 : memref<1x1x640xf32, #tpu.memory_space<vmem_shared>> -> memref<640xf32, #tpu.memory_space<vmem_shared>>
      tpu.wait_dma2 semaphore(%run_scoped3A_300 : memref<!tpu.dma_semaphore, #tpu.memory_space<semaphore_mem>>) src(%dma_wait3A_306 : memref<640xf32, #tpu.memory_space<vmem_shared>>) dst(%arg9 : memref<640xf32, #tpu.memory_space<vmem>>)
      tpu.yield
    }) : () -> ()
    %scan3A_211 = arith.constant 0 : i32
    %scan3A_212 = arith.constant 0 : i32
    %scan3A_213 = arith.constant 40 : i32
    %scan3A_214 = arith.addi %scan3A_212, %scan3A_213 : i32
    %scan3A_215 = arith.constant 1 : i32
    %scan3A_216 = scf.for %scan3A_300 = %scan3A_212 to %scan3A_214 step %scan3A_215 iter_args(%scan3A_301 = %scan3A_211) -> (i32)  : i32 {
      %mul3A_302 = arith.constant 16 : i32
      %mul3A_303 = arith.muli %scan3A_300, %mul3A_302 : i32
      %get3A = arith.index_cast %mul3A_303 : i32 to index
      %get3A_304 = tpu.vector_load %arg10[%get3A] {strides = array<i32>} : memref<640xf32, #tpu.memory_space<vmem>>, vector<16xf32>,
      %mul3A_305 = arith.constant 16 : i32
      %mul3A_306 = arith.muli %scan3A_300, %mul3A_305 : i32
      %get3A_307 = arith.index_cast %mul3A_306 : i32 to index
      %get3A_308 = tpu.vector_load %arg9[%get3A_307] {strides = array<i32>} : memref<640xf32, #tpu.memory_space<vmem>>, vector<16xf32>,
      %add3A_309 = arith.addf %get3A_304, %get3A_308 : vector<16xf32>
      %mul3A_310 = arith.constant 16 : i32
      %mul3A_311 = arith.muli %scan3A_300, %mul3A_310 : i32
      %swap3A = arith.index_cast %mul3A_311 : i32 to index
      %swap3A_312 = tpu.vector_load %arg10[%swap3A] {strides = array<i32>} : memref<640xf32, #tpu.memory_space<vmem>>, vector<16xf32>,
      tpu.vector_store %arg10[%swap3A], %add3A_309 {strides = array<i32>} : memref<640xf32, #tpu.memory_space<vmem>>, vector<16xf32>,
      %scan3A_313 = arith.constant 0 : i32
      scf.yield %scan3A_313 : i32
    }
    %scan3A_217 = arith.constant 40 : i32
    %run_scoped3A_218 = arith.constant 7 : i32
    %run_scoped3A_219 = arith.constant 1 : i32
    "tpu.region"() ({
      %run_scoped3A_300 = tpu.sem_alloc : memref<!tpu.dma_semaphore, #tpu.memory_space<semaphore_mem>>
      %dma_start3A = tpu.memref_slice %arg11[%run_scoped3A_218, %run_scoped3A_219, %mul3A_23] : memref<16x2x10240xf32, #tpu.memory_space<vmem_shared>> -> memref<1x1x640xf32, #tpu.memory_space<vmem_shared>>
      %dma_start3A_301 = tpu.memref_squeeze %dma_start3A : memref<1x1x640xf32, #tpu.memory_space<vmem_shared>> -> memref<640xf32, #tpu.memory_space<vmem_shared>>
      %dma_start3A_302 = tpu.memref_slice %arg11[%run_scoped3A_218, %run_scoped3A_219, %mul3A_23] : memref<16x2x10240xf32, #tpu.memory_space<vmem_shared>> -> memref<1x1x640xf32, #tpu.memory_space<vmem_shared>>
      %dma_start3A_303 = tpu.memref_squeeze %dma_start3A_302 : memref<1x1x640xf32, #tpu.memory_space<vmem_shared>> -> memref<640xf32, #tpu.memory_space<vmem_shared>>
      tpu.enqueue_dma source(%dma_start3A_303 : memref<640xf32, #tpu.memory_space<vmem_shared>>) target(%arg9 : memref<640xf32, #tpu.memory_space<vmem>>) target_semaphore(%run_scoped3A_300 : memref<!tpu.dma_semaphore, #tpu.memory_space<semaphore_mem>>)
      %dma_wait3A = tpu.memref_slice %arg11[%run_scoped3A_218, %run_scoped3A_219, %mul3A_23] : memref<16x2x10240xf32, #tpu.memory_space<vmem_shared>> -> memref<1x1x640xf32, #tpu.memory_space<vmem_shared>>
      %dma_wait3A_304 = tpu.memref_squeeze %dma_wait3A : memref<1x1x640xf32, #tpu.memory_space<vmem_shared>> -> memref<640xf32, #tpu.memory_space<vmem_shared>>
      %dma_wait3A_305 = tpu.memref_slice %arg11[%run_scoped3A_218, %run_scoped3A_219, %mul3A_23] : memref<16x2x10240xf32, #tpu.memory_space<vmem_shared>> -> memref<1x1x640xf32, #tpu.memory_space<vmem_shared>>
      %dma_wait3A_306 = tpu.memref_squeeze %dma_wait3A_305 : memref<1x1x640xf32, #tpu.memory_space<vmem_shared>> -> memref<640xf32, #tpu.memory_space<vmem_shared>>
      tpu.wait_dma2 semaphore(%run_scoped3A_300 : memref<!tpu.dma_semaphore, #tpu.memory_space<semaphore_mem>>) src(%dma_wait3A_306 : memref<640xf32, #tpu.memory_space<vmem_shared>>) dst(%arg9 : memref<640xf32, #tpu.memory_space<vmem>>)
      tpu.yield
    }) : () -> ()
    %scan3A_220 = arith.constant 0 : i32
    %scan3A_221 = arith.constant 0 : i32
    %scan3A_222 = arith.constant 40 : i32
    %scan3A_223 = arith.addi %scan3A_221, %scan3A_222 : i32
    %scan3A_224 = arith.constant 1 : i32
    %scan3A_225 = scf.for %scan3A_300 = %scan3A_221 to %scan3A_223 step %scan3A_224 iter_args(%scan3A_301 = %scan3A_220) -> (i32)  : i32 {
      %mul3A_302 = arith.constant 16 : i32
      %mul3A_303 = arith.muli %scan3A_300, %mul3A_302 : i32
      %get3A = arith.index_cast %mul3A_303 : i32 to index
      %get3A_304 = tpu.vector_load %arg10[%get3A] {strides = array<i32>} : memref<640xf32, #tpu.memory_space<vmem>>, vector<16xf32>,
      %mul3A_305 = arith.constant 16 : i32
      %mul3A_306 = arith.muli %scan3A_300, %mul3A_305 : i32
      %get3A_307 = arith.index_cast %mul3A_306 : i32 to index
      %get3A_308 = tpu.vector_load %arg9[%get3A_307] {strides = array<i32>} : memref<640xf32, #tpu.memory_space<vmem>>, vector<16xf32>,
      %add3A_309 = arith.addf %get3A_304, %get3A_308 : vector<16xf32>
      %mul3A_310 = arith.constant 16 : i32
      %mul3A_311 = arith.muli %scan3A_300, %mul3A_310 : i32
      %swap3A = arith.index_cast %mul3A_311 : i32 to index
      %swap3A_312 = tpu.vector_load %arg10[%swap3A] {strides = array<i32>} : memref<640xf32, #tpu.memory_space<vmem>>, vector<16xf32>,
      tpu.vector_store %arg10[%swap3A], %add3A_309 {strides = array<i32>} : memref<640xf32, #tpu.memory_space<vmem>>, vector<16xf32>,
      %scan3A_313 = arith.constant 0 : i32
      scf.yield %scan3A_313 : i32
    }
    %scan3A_226 = arith.constant 40 : i32
    %run_scoped3A_227 = arith.constant 8 : i32
    %run_scoped3A_228 = arith.constant 1 : i32
    "tpu.region"() ({
      %run_scoped3A_300 = tpu.sem_alloc : memref<!tpu.dma_semaphore, #tpu.memory_space<semaphore_mem>>
      %dma_start3A = tpu.memref_slice %arg11[%run_scoped3A_227, %run_scoped3A_228, %mul3A_23] : memref<16x2x10240xf32, #tpu.memory_space<vmem_shared>> -> memref<1x1x640xf32, #tpu.memory_space<vmem_shared>>
      %dma_start3A_301 = tpu.memref_squeeze %dma_start3A : memref<1x1x640xf32, #tpu.memory_space<vmem_shared>> -> memref<640xf32, #tpu.memory_space<vmem_shared>>
      %dma_start3A_302 = tpu.memref_slice %arg11[%run_scoped3A_227, %run_scoped3A_228, %mul3A_23] : memref<16x2x10240xf32, #tpu.memory_space<vmem_shared>> -> memref<1x1x640xf32, #tpu.memory_space<vmem_shared>>
      %dma_start3A_303 = tpu.memref_squeeze %dma_start3A_302 : memref<1x1x640xf32, #tpu.memory_space<vmem_shared>> -> memref<640xf32, #tpu.memory_space<vmem_shared>>
      tpu.enqueue_dma source(%dma_start3A_303 : memref<640xf32, #tpu.memory_space<vmem_shared>>) target(%arg9 : memref<640xf32, #tpu.memory_space<vmem>>) target_semaphore(%run_scoped3A_300 : memref<!tpu.dma_semaphore, #tpu.memory_space<semaphore_mem>>)
      %dma_wait3A = tpu.memref_slice %arg11[%run_scoped3A_227, %run_scoped3A_228, %mul3A_23] : memref<16x2x10240xf32, #tpu.memory_space<vmem_shared>> -> memref<1x1x640xf32, #tpu.memory_space<vmem_shared>>
      %dma_wait3A_304 = tpu.memref_squeeze %dma_wait3A : memref<1x1x640xf32, #tpu.memory_space<vmem_shared>> -> memref<640xf32, #tpu.memory_space<vmem_shared>>
      %dma_wait3A_305 = tpu.memref_slice %arg11[%run_scoped3A_227, %run_scoped3A_228, %mul3A_23] : memref<16x2x10240xf32, #tpu.memory_space<vmem_shared>> -> memref<1x1x640xf32, #tpu.memory_space<vmem_shared>>
      %dma_wait3A_306 = tpu.memref_squeeze %dma_wait3A_305 : memref<1x1x640xf32, #tpu.memory_space<vmem_shared>> -> memref<640xf32, #tpu.memory_space<vmem_shared>>
      tpu.wait_dma2 semaphore(%run_scoped3A_300 : memref<!tpu.dma_semaphore, #tpu.memory_space<semaphore_mem>>) src(%dma_wait3A_306 : memref<640xf32, #tpu.memory_space<vmem_shared>>) dst(%arg9 : memref<640xf32, #tpu.memory_space<vmem>>)
      tpu.yield
    }) : () -> ()
    %scan3A_229 = arith.constant 0 : i32
    %scan3A_230 = arith.constant 0 : i32
    %scan3A_231 = arith.constant 40 : i32
    %scan3A_232 = arith.addi %scan3A_230, %scan3A_231 : i32
    %scan3A_233 = arith.constant 1 : i32
    %scan3A_234 = scf.for %scan3A_300 = %scan3A_230 to %scan3A_232 step %scan3A_233 iter_args(%scan3A_301 = %scan3A_229) -> (i32)  : i32 {
      %mul3A_302 = arith.constant 16 : i32
      %mul3A_303 = arith.muli %scan3A_300, %mul3A_302 : i32
      %get3A = arith.index_cast %mul3A_303 : i32 to index
      %get3A_304 = tpu.vector_load %arg10[%get3A] {strides = array<i32>} : memref<640xf32, #tpu.memory_space<vmem>>, vector<16xf32>,
      %mul3A_305 = arith.constant 16 : i32
      %mul3A_306 = arith.muli %scan3A_300, %mul3A_305 : i32
      %get3A_307 = arith.index_cast %mul3A_306 : i32 to index
      %get3A_308 = tpu.vector_load %arg9[%get3A_307] {strides = array<i32>} : memref<640xf32, #tpu.memory_space<vmem>>, vector<16xf32>,
      %add3A_309 = arith.addf %get3A_304, %get3A_308 : vector<16xf32>
      %mul3A_310 = arith.constant 16 : i32
      %mul3A_311 = arith.muli %scan3A_300, %mul3A_310 : i32
      %swap3A = arith.index_cast %mul3A_311 : i32 to index
      %swap3A_312 = tpu.vector_load %arg10[%swap3A] {strides = array<i32>} : memref<640xf32, #tpu.memory_space<vmem>>, vector<16xf32>,
      tpu.vector_store %arg10[%swap3A], %add3A_309 {strides = array<i32>} : memref<640xf32, #tpu.memory_space<vmem>>, vector<16xf32>,
      %scan3A_313 = arith.constant 0 : i32
      scf.yield %scan3A_313 : i32
    }
    %scan3A_235 = arith.constant 40 : i32
    %run_scoped3A_236 = arith.constant 9 : i32
    %run_scoped3A_237 = arith.constant 1 : i32
    "tpu.region"() ({
      %run_scoped3A_300 = tpu.sem_alloc : memref<!tpu.dma_semaphore, #tpu.memory_space<semaphore_mem>>
      %dma_start3A = tpu.memref_slice %arg11[%run_scoped3A_236, %run_scoped3A_237, %mul3A_23] : memref<16x2x10240xf32, #tpu.memory_space<vmem_shared>> -> memref<1x1x640xf32, #tpu.memory_space<vmem_shared>>
      %dma_start3A_301 = tpu.memref_squeeze %dma_start3A : memref<1x1x640xf32, #tpu.memory_space<vmem_shared>> -> memref<640xf32, #tpu.memory_space<vmem_shared>>
      %dma_start3A_302 = tpu.memref_slice %arg11[%run_scoped3A_236, %run_scoped3A_237, %mul3A_23] : memref<16x2x10240xf32, #tpu.memory_space<vmem_shared>> -> memref<1x1x640xf32, #tpu.memory_space<vmem_shared>>
      %dma_start3A_303 = tpu.memref_squeeze %dma_start3A_302 : memref<1x1x640xf32, #tpu.memory_space<vmem_shared>> -> memref<640xf32, #tpu.memory_space<vmem_shared>>
      tpu.enqueue_dma source(%dma_start3A_303 : memref<640xf32, #tpu.memory_space<vmem_shared>>) target(%arg9 : memref<640xf32, #tpu.memory_space<vmem>>) target_semaphore(%run_scoped3A_300 : memref<!tpu.dma_semaphore, #tpu.memory_space<semaphore_mem>>)
      %dma_wait3A = tpu.memref_slice %arg11[%run_scoped3A_236, %run_scoped3A_237, %mul3A_23] : memref<16x2x10240xf32, #tpu.memory_space<vmem_shared>> -> memref<1x1x640xf32, #tpu.memory_space<vmem_shared>>
      %dma_wait3A_304 = tpu.memref_squeeze %dma_wait3A : memref<1x1x640xf32, #tpu.memory_space<vmem_shared>> -> memref<640xf32, #tpu.memory_space<vmem_shared>>
      %dma_wait3A_305 = tpu.memref_slice %arg11[%run_scoped3A_236, %run_scoped3A_237, %mul3A_23] : memref<16x2x10240xf32, #tpu.memory_space<vmem_shared>> -> memref<1x1x640xf32, #tpu.memory_space<vmem_shared>>
      %dma_wait3A_306 = tpu.memref_squeeze %dma_wait3A_305 : memref<1x1x640xf32, #tpu.memory_space<vmem_shared>> -> memref<640xf32, #tpu.memory_space<vmem_shared>>
      tpu.wait_dma2 semaphore(%run_scoped3A_300 : memref<!tpu.dma_semaphore, #tpu.memory_space<semaphore_mem>>) src(%dma_wait3A_306 : memref<640xf32, #tpu.memory_space<vmem_shared>>) dst(%arg9 : memref<640xf32, #tpu.memory_space<vmem>>)
      tpu.yield
    }) : () -> ()
    %scan3A_238 = arith.constant 0 : i32
    %scan3A_239 = arith.constant 0 : i32
    %scan3A_240 = arith.constant 40 : i32
    %scan3A_241 = arith.addi %scan3A_239, %scan3A_240 : i32
    %scan3A_242 = arith.constant 1 : i32
    %scan3A_243 = scf.for %scan3A_300 = %scan3A_239 to %scan3A_241 step %scan3A_242 iter_args(%scan3A_301 = %scan3A_238) -> (i32)  : i32 {
      %mul3A_302 = arith.constant 16 : i32
      %mul3A_303 = arith.muli %scan3A_300, %mul3A_302 : i32
      %get3A = arith.index_cast %mul3A_303 : i32 to index
      %get3A_304 = tpu.vector_load %arg10[%get3A] {strides = array<i32>} : memref<640xf32, #tpu.memory_space<vmem>>, vector<16xf32>,
      %mul3A_305 = arith.constant 16 : i32
      %mul3A_306 = arith.muli %scan3A_300, %mul3A_305 : i32
      %get3A_307 = arith.index_cast %mul3A_306 : i32 to index
      %get3A_308 = tpu.vector_load %arg9[%get3A_307] {strides = array<i32>} : memref<640xf32, #tpu.memory_space<vmem>>, vector<16xf32>,
      %add3A_309 = arith.addf %get3A_304, %get3A_308 : vector<16xf32>
      %mul3A_310 = arith.constant 16 : i32
      %mul3A_311 = arith.muli %scan3A_300, %mul3A_310 : i32
      %swap3A = arith.index_cast %mul3A_311 : i32 to index
      %swap3A_312 = tpu.vector_load %arg10[%swap3A] {strides = array<i32>} : memref<640xf32, #tpu.memory_space<vmem>>, vector<16xf32>,
      tpu.vector_store %arg10[%swap3A], %add3A_309 {strides = array<i32>} : memref<640xf32, #tpu.memory_space<vmem>>, vector<16xf32>,
      %scan3A_313 = arith.constant 0 : i32
      scf.yield %scan3A_313 : i32
    }
    %scan3A_244 = arith.constant 40 : i32
    %run_scoped3A_245 = arith.constant 10 : i32
    %run_scoped3A_246 = arith.constant 1 : i32
    "tpu.region"() ({
      %run_scoped3A_300 = tpu.sem_alloc : memref<!tpu.dma_semaphore, #tpu.memory_space<semaphore_mem>>
      %dma_start3A = tpu.memref_slice %arg11[%run_scoped3A_245, %run_scoped3A_246, %mul3A_23] : memref<16x2x10240xf32, #tpu.memory_space<vmem_shared>> -> memref<1x1x640xf32, #tpu.memory_space<vmem_shared>>
      %dma_start3A_301 = tpu.memref_squeeze %dma_start3A : memref<1x1x640xf32, #tpu.memory_space<vmem_shared>> -> memref<640xf32, #tpu.memory_space<vmem_shared>>
      %dma_start3A_302 = tpu.memref_slice %arg11[%run_scoped3A_245, %run_scoped3A_246, %mul3A_23] : memref<16x2x10240xf32, #tpu.memory_space<vmem_shared>> -> memref<1x1x640xf32, #tpu.memory_space<vmem_shared>>
      %dma_start3A_303 = tpu.memref_squeeze %dma_start3A_302 : memref<1x1x640xf32, #tpu.memory_space<vmem_shared>> -> memref<640xf32, #tpu.memory_space<vmem_shared>>
      tpu.enqueue_dma source(%dma_start3A_303 : memref<640xf32, #tpu.memory_space<vmem_shared>>) target(%arg9 : memref<640xf32, #tpu.memory_space<vmem>>) target_semaphore(%run_scoped3A_300 : memref<!tpu.dma_semaphore, #tpu.memory_space<semaphore_mem>>)
      %dma_wait3A = tpu.memref_slice %arg11[%run_scoped3A_245, %run_scoped3A_246, %mul3A_23] : memref<16x2x10240xf32, #tpu.memory_space<vmem_shared>> -> memref<1x1x640xf32, #tpu.memory_space<vmem_shared>>
      %dma_wait3A_304 = tpu.memref_squeeze %dma_wait3A : memref<1x1x640xf32, #tpu.memory_space<vmem_shared>> -> memref<640xf32, #tpu.memory_space<vmem_shared>>
      %dma_wait3A_305 = tpu.memref_slice %arg11[%run_scoped3A_245, %run_scoped3A_246, %mul3A_23] : memref<16x2x10240xf32, #tpu.memory_space<vmem_shared>> -> memref<1x1x640xf32, #tpu.memory_space<vmem_shared>>
      %dma_wait3A_306 = tpu.memref_squeeze %dma_wait3A_305 : memref<1x1x640xf32, #tpu.memory_space<vmem_shared>> -> memref<640xf32, #tpu.memory_space<vmem_shared>>
      tpu.wait_dma2 semaphore(%run_scoped3A_300 : memref<!tpu.dma_semaphore, #tpu.memory_space<semaphore_mem>>) src(%dma_wait3A_306 : memref<640xf32, #tpu.memory_space<vmem_shared>>) dst(%arg9 : memref<640xf32, #tpu.memory_space<vmem>>)
      tpu.yield
    }) : () -> ()
    %scan3A_247 = arith.constant 0 : i32
    %scan3A_248 = arith.constant 0 : i32
    %scan3A_249 = arith.constant 40 : i32
    %scan3A_250 = arith.addi %scan3A_248, %scan3A_249 : i32
    %scan3A_251 = arith.constant 1 : i32
    %scan3A_252 = scf.for %scan3A_300 = %scan3A_248 to %scan3A_250 step %scan3A_251 iter_args(%scan3A_301 = %scan3A_247) -> (i32)  : i32 {
      %mul3A_302 = arith.constant 16 : i32
      %mul3A_303 = arith.muli %scan3A_300, %mul3A_302 : i32
      %get3A = arith.index_cast %mul3A_303 : i32 to index
      %get3A_304 = tpu.vector_load %arg10[%get3A] {strides = array<i32>} : memref<640xf32, #tpu.memory_space<vmem>>, vector<16xf32>,
      %mul3A_305 = arith.constant 16 : i32
      %mul3A_306 = arith.muli %scan3A_300, %mul3A_305 : i32
      %get3A_307 = arith.index_cast %mul3A_306 : i32 to index
      %get3A_308 = tpu.vector_load %arg9[%get3A_307] {strides = array<i32>} : memref<640xf32, #tpu.memory_space<vmem>>, vector<16xf32>,
      %add3A_309 = arith.addf %get3A_304, %get3A_308 : vector<16xf32>
      %mul3A_310 = arith.constant 16 : i32
      %mul3A_311 = arith.muli %scan3A_300, %mul3A_310 : i32
      %swap3A = arith.index_cast %mul3A_311 : i32 to index
      %swap3A_312 = tpu.vector_load %arg10[%swap3A] {strides = array<i32>} : memref<640xf32, #tpu.memory_space<vmem>>, vector<16xf32>,
      tpu.vector_store %arg10[%swap3A], %add3A_309 {strides = array<i32>} : memref<640xf32, #tpu.memory_space<vmem>>, vector<16xf32>,
      %scan3A_313 = arith.constant 0 : i32
      scf.yield %scan3A_313 : i32
    }
    %scan3A_253 = arith.constant 40 : i32
    %run_scoped3A_254 = arith.constant 11 : i32
    %run_scoped3A_255 = arith.constant 1 : i32
    "tpu.region"() ({
      %run_scoped3A_300 = tpu.sem_alloc : memref<!tpu.dma_semaphore, #tpu.memory_space<semaphore_mem>>
      %dma_start3A = tpu.memref_slice %arg11[%run_scoped3A_254, %run_scoped3A_255, %mul3A_23] : memref<16x2x10240xf32, #tpu.memory_space<vmem_shared>> -> memref<1x1x640xf32, #tpu.memory_space<vmem_shared>>
      %dma_start3A_301 = tpu.memref_squeeze %dma_start3A : memref<1x1x640xf32, #tpu.memory_space<vmem_shared>> -> memref<640xf32, #tpu.memory_space<vmem_shared>>
      %dma_start3A_302 = tpu.memref_slice %arg11[%run_scoped3A_254, %run_scoped3A_255, %mul3A_23] : memref<16x2x10240xf32, #tpu.memory_space<vmem_shared>> -> memref<1x1x640xf32, #tpu.memory_space<vmem_shared>>
      %dma_start3A_303 = tpu.memref_squeeze %dma_start3A_302 : memref<1x1x640xf32, #tpu.memory_space<vmem_shared>> -> memref<640xf32, #tpu.memory_space<vmem_shared>>
      tpu.enqueue_dma source(%dma_start3A_303 : memref<640xf32, #tpu.memory_space<vmem_shared>>) target(%arg9 : memref<640xf32, #tpu.memory_space<vmem>>) target_semaphore(%run_scoped3A_300 : memref<!tpu.dma_semaphore, #tpu.memory_space<semaphore_mem>>)
      %dma_wait3A = tpu.memref_slice %arg11[%run_scoped3A_254, %run_scoped3A_255, %mul3A_23] : memref<16x2x10240xf32, #tpu.memory_space<vmem_shared>> -> memref<1x1x640xf32, #tpu.memory_space<vmem_shared>>
      %dma_wait3A_304 = tpu.memref_squeeze %dma_wait3A : memref<1x1x640xf32, #tpu.memory_space<vmem_shared>> -> memref<640xf32, #tpu.memory_space<vmem_shared>>
      %dma_wait3A_305 = tpu.memref_slice %arg11[%run_scoped3A_254, %run_scoped3A_255, %mul3A_23] : memref<16x2x10240xf32, #tpu.memory_space<vmem_shared>> -> memref<1x1x640xf32, #tpu.memory_space<vmem_shared>>
      %dma_wait3A_306 = tpu.memref_squeeze %dma_wait3A_305 : memref<1x1x640xf32, #tpu.memory_space<vmem_shared>> -> memref<640xf32, #tpu.memory_space<vmem_shared>>
      tpu.wait_dma2 semaphore(%run_scoped3A_300 : memref<!tpu.dma_semaphore, #tpu.memory_space<semaphore_mem>>) src(%dma_wait3A_306 : memref<640xf32, #tpu.memory_space<vmem_shared>>) dst(%arg9 : memref<640xf32, #tpu.memory_space<vmem>>)
      tpu.yield
    }) : () -> ()
    %scan3A_256 = arith.constant 0 : i32
    %scan3A_257 = arith.constant 0 : i32
    %scan3A_258 = arith.constant 40 : i32
    %scan3A_259 = arith.addi %scan3A_257, %scan3A_258 : i32
    %scan3A_260 = arith.constant 1 : i32
    %scan3A_261 = scf.for %scan3A_300 = %scan3A_257 to %scan3A_259 step %scan3A_260 iter_args(%scan3A_301 = %scan3A_256) -> (i32)  : i32 {
      %mul3A_302 = arith.constant 16 : i32
      %mul3A_303 = arith.muli %scan3A_300, %mul3A_302 : i32
      %get3A = arith.index_cast %mul3A_303 : i32 to index
      %get3A_304 = tpu.vector_load %arg10[%get3A] {strides = array<i32>} : memref<640xf32, #tpu.memory_space<vmem>>, vector<16xf32>,
      %mul3A_305 = arith.constant 16 : i32
      %mul3A_306 = arith.muli %scan3A_300, %mul3A_305 : i32
      %get3A_307 = arith.index_cast %mul3A_306 : i32 to index
      %get3A_308 = tpu.vector_load %arg9[%get3A_307] {strides = array<i32>} : memref<640xf32, #tpu.memory_space<vmem>>, vector<16xf32>,
      %add3A_309 = arith.addf %get3A_304, %get3A_308 : vector<16xf32>
      %mul3A_310 = arith.constant 16 : i32
      %mul3A_311 = arith.muli %scan3A_300, %mul3A_310 : i32
      %swap3A = arith.index_cast %mul3A_311 : i32 to index
      %swap3A_312 = tpu.vector_load %arg10[%swap3A] {strides = array<i32>} : memref<640xf32, #tpu.memory_space<vmem>>, vector<16xf32>,
      tpu.vector_store %arg10[%swap3A], %add3A_309 {strides = array<i32>} : memref<640xf32, #tpu.memory_space<vmem>>, vector<16xf32>,
      %scan3A_313 = arith.constant 0 : i32
      scf.yield %scan3A_313 : i32
    }
    %scan3A_262 = arith.constant 40 : i32
    %run_scoped3A_263 = arith.constant 12 : i32
    %run_scoped3A_264 = arith.constant 1 : i32
    "tpu.region"() ({
      %run_scoped3A_300 = tpu.sem_alloc : memref<!tpu.dma_semaphore, #tpu.memory_space<semaphore_mem>>
      %dma_start3A = tpu.memref_slice %arg11[%run_scoped3A_263, %run_scoped3A_264, %mul3A_23] : memref<16x2x10240xf32, #tpu.memory_space<vmem_shared>> -> memref<1x1x640xf32, #tpu.memory_space<vmem_shared>>
      %dma_start3A_301 = tpu.memref_squeeze %dma_start3A : memref<1x1x640xf32, #tpu.memory_space<vmem_shared>> -> memref<640xf32, #tpu.memory_space<vmem_shared>>
      %dma_start3A_302 = tpu.memref_slice %arg11[%run_scoped3A_263, %run_scoped3A_264, %mul3A_23] : memref<16x2x10240xf32, #tpu.memory_space<vmem_shared>> -> memref<1x1x640xf32, #tpu.memory_space<vmem_shared>>
      %dma_start3A_303 = tpu.memref_squeeze %dma_start3A_302 : memref<1x1x640xf32, #tpu.memory_space<vmem_shared>> -> memref<640xf32, #tpu.memory_space<vmem_shared>>
      tpu.enqueue_dma source(%dma_start3A_303 : memref<640xf32, #tpu.memory_space<vmem_shared>>) target(%arg9 : memref<640xf32, #tpu.memory_space<vmem>>) target_semaphore(%run_scoped3A_300 : memref<!tpu.dma_semaphore, #tpu.memory_space<semaphore_mem>>)
      %dma_wait3A = tpu.memref_slice %arg11[%run_scoped3A_263, %run_scoped3A_264, %mul3A_23] : memref<16x2x10240xf32, #tpu.memory_space<vmem_shared>> -> memref<1x1x640xf32, #tpu.memory_space<vmem_shared>>
      %dma_wait3A_304 = tpu.memref_squeeze %dma_wait3A : memref<1x1x640xf32, #tpu.memory_space<vmem_shared>> -> memref<640xf32, #tpu.memory_space<vmem_shared>>
      %dma_wait3A_305 = tpu.memref_slice %arg11[%run_scoped3A_263, %run_scoped3A_264, %mul3A_23] : memref<16x2x10240xf32, #tpu.memory_space<vmem_shared>> -> memref<1x1x640xf32, #tpu.memory_space<vmem_shared>>
      %dma_wait3A_306 = tpu.memref_squeeze %dma_wait3A_305 : memref<1x1x640xf32, #tpu.memory_space<vmem_shared>> -> memref<640xf32, #tpu.memory_space<vmem_shared>>
      tpu.wait_dma2 semaphore(%run_scoped3A_300 : memref<!tpu.dma_semaphore, #tpu.memory_space<semaphore_mem>>) src(%dma_wait3A_306 : memref<640xf32, #tpu.memory_space<vmem_shared>>) dst(%arg9 : memref<640xf32, #tpu.memory_space<vmem>>)
      tpu.yield
    }) : () -> ()
    %scan3A_265 = arith.constant 0 : i32
    %scan3A_266 = arith.constant 0 : i32
    %scan3A_267 = arith.constant 40 : i32
    %scan3A_268 = arith.addi %scan3A_266, %scan3A_267 : i32
    %scan3A_269 = arith.constant 1 : i32
    %scan3A_270 = scf.for %scan3A_300 = %scan3A_266 to %scan3A_268 step %scan3A_269 iter_args(%scan3A_301 = %scan3A_265) -> (i32)  : i32 {
      %mul3A_302 = arith.constant 16 : i32
      %mul3A_303 = arith.muli %scan3A_300, %mul3A_302 : i32
      %get3A = arith.index_cast %mul3A_303 : i32 to index
      %get3A_304 = tpu.vector_load %arg10[%get3A] {strides = array<i32>} : memref<640xf32, #tpu.memory_space<vmem>>, vector<16xf32>,
      %mul3A_305 = arith.constant 16 : i32
      %mul3A_306 = arith.muli %scan3A_300, %mul3A_305 : i32
      %get3A_307 = arith.index_cast %mul3A_306 : i32 to index
      %get3A_308 = tpu.vector_load %arg9[%get3A_307] {strides = array<i32>} : memref<640xf32, #tpu.memory_space<vmem>>, vector<16xf32>,
      %add3A_309 = arith.addf %get3A_304, %get3A_308 : vector<16xf32>
      %mul3A_310 = arith.constant 16 : i32
      %mul3A_311 = arith.muli %scan3A_300, %mul3A_310 : i32
      %swap3A = arith.index_cast %mul3A_311 : i32 to index
      %swap3A_312 = tpu.vector_load %arg10[%swap3A] {strides = array<i32>} : memref<640xf32, #tpu.memory_space<vmem>>, vector<16xf32>,
      tpu.vector_store %arg10[%swap3A], %add3A_309 {strides = array<i32>} : memref<640xf32, #tpu.memory_space<vmem>>, vector<16xf32>,
      %scan3A_313 = arith.constant 0 : i32
      scf.yield %scan3A_313 : i32
    }
    %scan3A_271 = arith.constant 40 : i32
    %run_scoped3A_272 = arith.constant 13 : i32
    %run_scoped3A_273 = arith.constant 1 : i32
    "tpu.region"() ({
      %run_scoped3A_300 = tpu.sem_alloc : memref<!tpu.dma_semaphore, #tpu.memory_space<semaphore_mem>>
      %dma_start3A = tpu.memref_slice %arg11[%run_scoped3A_272, %run_scoped3A_273, %mul3A_23] : memref<16x2x10240xf32, #tpu.memory_space<vmem_shared>> -> memref<1x1x640xf32, #tpu.memory_space<vmem_shared>>
      %dma_start3A_301 = tpu.memref_squeeze %dma_start3A : memref<1x1x640xf32, #tpu.memory_space<vmem_shared>> -> memref<640xf32, #tpu.memory_space<vmem_shared>>
      %dma_start3A_302 = tpu.memref_slice %arg11[%run_scoped3A_272, %run_scoped3A_273, %mul3A_23] : memref<16x2x10240xf32, #tpu.memory_space<vmem_shared>> -> memref<1x1x640xf32, #tpu.memory_space<vmem_shared>>
      %dma_start3A_303 = tpu.memref_squeeze %dma_start3A_302 : memref<1x1x640xf32, #tpu.memory_space<vmem_shared>> -> memref<640xf32, #tpu.memory_space<vmem_shared>>
      tpu.enqueue_dma source(%dma_start3A_303 : memref<640xf32, #tpu.memory_space<vmem_shared>>) target(%arg9 : memref<640xf32, #tpu.memory_space<vmem>>) target_semaphore(%run_scoped3A_300 : memref<!tpu.dma_semaphore, #tpu.memory_space<semaphore_mem>>)
      %dma_wait3A = tpu.memref_slice %arg11[%run_scoped3A_272, %run_scoped3A_273, %mul3A_23] : memref<16x2x10240xf32, #tpu.memory_space<vmem_shared>> -> memref<1x1x640xf32, #tpu.memory_space<vmem_shared>>
      %dma_wait3A_304 = tpu.memref_squeeze %dma_wait3A : memref<1x1x640xf32, #tpu.memory_space<vmem_shared>> -> memref<640xf32, #tpu.memory_space<vmem_shared>>
      %dma_wait3A_305 = tpu.memref_slice %arg11[%run_scoped3A_272, %run_scoped3A_273, %mul3A_23] : memref<16x2x10240xf32, #tpu.memory_space<vmem_shared>> -> memref<1x1x640xf32, #tpu.memory_space<vmem_shared>>
      %dma_wait3A_306 = tpu.memref_squeeze %dma_wait3A_305 : memref<1x1x640xf32, #tpu.memory_space<vmem_shared>> -> memref<640xf32, #tpu.memory_space<vmem_shared>>
      tpu.wait_dma2 semaphore(%run_scoped3A_300 : memref<!tpu.dma_semaphore, #tpu.memory_space<semaphore_mem>>) src(%dma_wait3A_306 : memref<640xf32, #tpu.memory_space<vmem_shared>>) dst(%arg9 : memref<640xf32, #tpu.memory_space<vmem>>)
      tpu.yield
    }) : () -> ()
    %scan3A_274 = arith.constant 0 : i32
    %scan3A_275 = arith.constant 0 : i32
    %scan3A_276 = arith.constant 40 : i32
    %scan3A_277 = arith.addi %scan3A_275, %scan3A_276 : i32
    %scan3A_278 = arith.constant 1 : i32
    %scan3A_279 = scf.for %scan3A_300 = %scan3A_275 to %scan3A_277 step %scan3A_278 iter_args(%scan3A_301 = %scan3A_274) -> (i32)  : i32 {
      %mul3A_302 = arith.constant 16 : i32
      %mul3A_303 = arith.muli %scan3A_300, %mul3A_302 : i32
      %get3A = arith.index_cast %mul3A_303 : i32 to index
      %get3A_304 = tpu.vector_load %arg10[%get3A] {strides = array<i32>} : memref<640xf32, #tpu.memory_space<vmem>>, vector<16xf32>,
      %mul3A_305 = arith.constant 16 : i32
      %mul3A_306 = arith.muli %scan3A_300, %mul3A_305 : i32
      %get3A_307 = arith.index_cast %mul3A_306 : i32 to index
      %get3A_308 = tpu.vector_load %arg9[%get3A_307] {strides = array<i32>} : memref<640xf32, #tpu.memory_space<vmem>>, vector<16xf32>,
      %add3A_309 = arith.addf %get3A_304, %get3A_308 : vector<16xf32>
      %mul3A_310 = arith.constant 16 : i32
      %mul3A_311 = arith.muli %scan3A_300, %mul3A_310 : i32
      %swap3A = arith.index_cast %mul3A_311 : i32 to index
      %swap3A_312 = tpu.vector_load %arg10[%swap3A] {strides = array<i32>} : memref<640xf32, #tpu.memory_space<vmem>>, vector<16xf32>,
      tpu.vector_store %arg10[%swap3A], %add3A_309 {strides = array<i32>} : memref<640xf32, #tpu.memory_space<vmem>>, vector<16xf32>,
      %scan3A_313 = arith.constant 0 : i32
      scf.yield %scan3A_313 : i32
    }
    %scan3A_280 = arith.constant 40 : i32
    %run_scoped3A_281 = arith.constant 14 : i32
    %run_scoped3A_282 = arith.constant 1 : i32
    "tpu.region"() ({
      %run_scoped3A_300 = tpu.sem_alloc : memref<!tpu.dma_semaphore, #tpu.memory_space<semaphore_mem>>
      %dma_start3A = tpu.memref_slice %arg11[%run_scoped3A_281, %run_scoped3A_282, %mul3A_23] : memref<16x2x10240xf32, #tpu.memory_space<vmem_shared>> -> memref<1x1x640xf32, #tpu.memory_space<vmem_shared>>
      %dma_start3A_301 = tpu.memref_squeeze %dma_start3A : memref<1x1x640xf32, #tpu.memory_space<vmem_shared>> -> memref<640xf32, #tpu.memory_space<vmem_shared>>
      %dma_start3A_302 = tpu.memref_slice %arg11[%run_scoped3A_281, %run_scoped3A_282, %mul3A_23] : memref<16x2x10240xf32, #tpu.memory_space<vmem_shared>> -> memref<1x1x640xf32, #tpu.memory_space<vmem_shared>>
      %dma_start3A_303 = tpu.memref_squeeze %dma_start3A_302 : memref<1x1x640xf32, #tpu.memory_space<vmem_shared>> -> memref<640xf32, #tpu.memory_space<vmem_shared>>
      tpu.enqueue_dma source(%dma_start3A_303 : memref<640xf32, #tpu.memory_space<vmem_shared>>) target(%arg9 : memref<640xf32, #tpu.memory_space<vmem>>) target_semaphore(%run_scoped3A_300 : memref<!tpu.dma_semaphore, #tpu.memory_space<semaphore_mem>>)
      %dma_wait3A = tpu.memref_slice %arg11[%run_scoped3A_281, %run_scoped3A_282, %mul3A_23] : memref<16x2x10240xf32, #tpu.memory_space<vmem_shared>> -> memref<1x1x640xf32, #tpu.memory_space<vmem_shared>>
      %dma_wait3A_304 = tpu.memref_squeeze %dma_wait3A : memref<1x1x640xf32, #tpu.memory_space<vmem_shared>> -> memref<640xf32, #tpu.memory_space<vmem_shared>>
      %dma_wait3A_305 = tpu.memref_slice %arg11[%run_scoped3A_281, %run_scoped3A_282, %mul3A_23] : memref<16x2x10240xf32, #tpu.memory_space<vmem_shared>> -> memref<1x1x640xf32, #tpu.memory_space<vmem_shared>>
      %dma_wait3A_306 = tpu.memref_squeeze %dma_wait3A_305 : memref<1x1x640xf32, #tpu.memory_space<vmem_shared>> -> memref<640xf32, #tpu.memory_space<vmem_shared>>
      tpu.wait_dma2 semaphore(%run_scoped3A_300 : memref<!tpu.dma_semaphore, #tpu.memory_space<semaphore_mem>>) src(%dma_wait3A_306 : memref<640xf32, #tpu.memory_space<vmem_shared>>) dst(%arg9 : memref<640xf32, #tpu.memory_space<vmem>>)
      tpu.yield
    }) : () -> ()
    %scan3A_283 = arith.constant 0 : i32
    %scan3A_284 = arith.constant 0 : i32
    %scan3A_285 = arith.constant 40 : i32
    %scan3A_286 = arith.addi %scan3A_284, %scan3A_285 : i32
    %scan3A_287 = arith.constant 1 : i32
    %scan3A_288 = scf.for %scan3A_300 = %scan3A_284 to %scan3A_286 step %scan3A_287 iter_args(%scan3A_301 = %scan3A_283) -> (i32)  : i32 {
      %mul3A_302 = arith.constant 16 : i32
      %mul3A_303 = arith.muli %scan3A_300, %mul3A_302 : i32
      %get3A = arith.index_cast %mul3A_303 : i32 to index
      %get3A_304 = tpu.vector_load %arg10[%get3A] {strides = array<i32>} : memref<640xf32, #tpu.memory_space<vmem>>, vector<16xf32>,
      %mul3A_305 = arith.constant 16 : i32
      %mul3A_306 = arith.muli %scan3A_300, %mul3A_305 : i32
      %get3A_307 = arith.index_cast %mul3A_306 : i32 to index
      %get3A_308 = tpu.vector_load %arg9[%get3A_307] {strides = array<i32>} : memref<640xf32, #tpu.memory_space<vmem>>, vector<16xf32>,
      %add3A_309 = arith.addf %get3A_304, %get3A_308 : vector<16xf32>
      %mul3A_310 = arith.constant 16 : i32
      %mul3A_311 = arith.muli %scan3A_300, %mul3A_310 : i32
      %swap3A = arith.index_cast %mul3A_311 : i32 to index
      %swap3A_312 = tpu.vector_load %arg10[%swap3A] {strides = array<i32>} : memref<640xf32, #tpu.memory_space<vmem>>, vector<16xf32>,
      tpu.vector_store %arg10[%swap3A], %add3A_309 {strides = array<i32>} : memref<640xf32, #tpu.memory_space<vmem>>, vector<16xf32>,
      %scan3A_313 = arith.constant 0 : i32
      scf.yield %scan3A_313 : i32
    }
    %scan3A_289 = arith.constant 40 : i32
    %run_scoped3A_290 = arith.constant 15 : i32
    %run_scoped3A_291 = arith.constant 1 : i32
    "tpu.region"() ({
      %run_scoped3A_300 = tpu.sem_alloc : memref<!tpu.dma_semaphore, #tpu.memory_space<semaphore_mem>>
      %dma_start3A = tpu.memref_slice %arg11[%run_scoped3A_290, %run_scoped3A_291, %mul3A_23] : memref<16x2x10240xf32, #tpu.memory_space<vmem_shared>> -> memref<1x1x640xf32, #tpu.memory_space<vmem_shared>>
      %dma_start3A_301 = tpu.memref_squeeze %dma_start3A : memref<1x1x640xf32, #tpu.memory_space<vmem_shared>> -> memref<640xf32, #tpu.memory_space<vmem_shared>>
      %dma_start3A_302 = tpu.memref_slice %arg11[%run_scoped3A_290, %run_scoped3A_291, %mul3A_23] : memref<16x2x10240xf32, #tpu.memory_space<vmem_shared>> -> memref<1x1x640xf32, #tpu.memory_space<vmem_shared>>
      %dma_start3A_303 = tpu.memref_squeeze %dma_start3A_302 : memref<1x1x640xf32, #tpu.memory_space<vmem_shared>> -> memref<640xf32, #tpu.memory_space<vmem_shared>>
      tpu.enqueue_dma source(%dma_start3A_303 : memref<640xf32, #tpu.memory_space<vmem_shared>>) target(%arg9 : memref<640xf32, #tpu.memory_space<vmem>>) target_semaphore(%run_scoped3A_300 : memref<!tpu.dma_semaphore, #tpu.memory_space<semaphore_mem>>)
      %dma_wait3A = tpu.memref_slice %arg11[%run_scoped3A_290, %run_scoped3A_291, %mul3A_23] : memref<16x2x10240xf32, #tpu.memory_space<vmem_shared>> -> memref<1x1x640xf32, #tpu.memory_space<vmem_shared>>
      %dma_wait3A_304 = tpu.memref_squeeze %dma_wait3A : memref<1x1x640xf32, #tpu.memory_space<vmem_shared>> -> memref<640xf32, #tpu.memory_space<vmem_shared>>
      %dma_wait3A_305 = tpu.memref_slice %arg11[%run_scoped3A_290, %run_scoped3A_291, %mul3A_23] : memref<16x2x10240xf32, #tpu.memory_space<vmem_shared>> -> memref<1x1x640xf32, #tpu.memory_space<vmem_shared>>
      %dma_wait3A_306 = tpu.memref_squeeze %dma_wait3A_305 : memref<1x1x640xf32, #tpu.memory_space<vmem_shared>> -> memref<640xf32, #tpu.memory_space<vmem_shared>>
      tpu.wait_dma2 semaphore(%run_scoped3A_300 : memref<!tpu.dma_semaphore, #tpu.memory_space<semaphore_mem>>) src(%dma_wait3A_306 : memref<640xf32, #tpu.memory_space<vmem_shared>>) dst(%arg9 : memref<640xf32, #tpu.memory_space<vmem>>)
      tpu.yield
    }) : () -> ()
    %scan3A_292 = arith.constant 0 : i32
    %scan3A_293 = arith.constant 0 : i32
    %scan3A_294 = arith.constant 40 : i32
    %scan3A_295 = arith.addi %scan3A_293, %scan3A_294 : i32
    %scan3A_296 = arith.constant 1 : i32
    %scan3A_297 = scf.for %scan3A_300 = %scan3A_293 to %scan3A_295 step %scan3A_296 iter_args(%scan3A_301 = %scan3A_292) -> (i32)  : i32 {
      %mul3A_302 = arith.constant 16 : i32
      %mul3A_303 = arith.muli %scan3A_300, %mul3A_302 : i32
      %get3A = arith.index_cast %mul3A_303 : i32 to index
      %get3A_304 = tpu.vector_load %arg10[%get3A] {strides = array<i32>} : memref<640xf32, #tpu.memory_space<vmem>>, vector<16xf32>,
      %mul3A_305 = arith.constant 16 : i32
      %mul3A_306 = arith.muli %scan3A_300, %mul3A_305 : i32
      %get3A_307 = arith.index_cast %mul3A_306 : i32 to index
      %get3A_308 = tpu.vector_load %arg9[%get3A_307] {strides = array<i32>} : memref<640xf32, #tpu.memory_space<vmem>>, vector<16xf32>,
      %add3A_309 = arith.addf %get3A_304, %get3A_308 : vector<16xf32>
      %mul3A_310 = arith.constant 16 : i32
      %mul3A_311 = arith.muli %scan3A_300, %mul3A_310 : i32
      %swap3A = arith.index_cast %mul3A_311 : i32 to index
      %swap3A_312 = tpu.vector_load %arg10[%swap3A] {strides = array<i32>} : memref<640xf32, #tpu.memory_space<vmem>>, vector<16xf32>,
      tpu.vector_store %arg10[%swap3A], %add3A_309 {strides = array<i32>} : memref<640xf32, #tpu.memory_space<vmem>>, vector<16xf32>,
      %scan3A_313 = arith.constant 0 : i32
      scf.yield %scan3A_313 : i32
    }
    %scan3A_298 = arith.constant 40 : i32
    %run_scoped3A_299 = arith.constant 1 : i32
    "tpu.region"() ({
      %run_scoped3A_300 = tpu.sem_alloc : memref<!tpu.dma_semaphore, #tpu.memory_space<semaphore_mem>>
      %dma_start3A = tpu.memref_slice %arg4[%arg0, %run_scoped3A_299, %mul3A_23] : memref<2x2x10240xf32, #tpu.memory_space<hbm>> -> memref<1x1x640xf32, #tpu.memory_space<hbm>>
      %dma_start3A_301 = tpu.memref_squeeze %dma_start3A : memref<1x1x640xf32, #tpu.memory_space<hbm>> -> memref<640xf32, #tpu.memory_space<hbm>>
      %dma_start3A_302 = tpu.memref_slice %arg4[%arg0, %run_scoped3A_299, %mul3A_23] : memref<2x2x10240xf32, #tpu.memory_space<hbm>> -> memref<1x1x640xf32, #tpu.memory_space<hbm>>
      %dma_start3A_303 = tpu.memref_squeeze %dma_start3A_302 : memref<1x1x640xf32, #tpu.memory_space<hbm>> -> memref<640xf32, #tpu.memory_space<hbm>>
      tpu.enqueue_dma source(%arg10 : memref<640xf32, #tpu.memory_space<vmem>>) target(%dma_start3A_303 : memref<640xf32, #tpu.memory_space<hbm>>) target_semaphore(%run_scoped3A_300 : memref<!tpu.dma_semaphore, #tpu.memory_space<semaphore_mem>>)
      %dma_wait3A = tpu.memref_slice %arg4[%arg0, %run_scoped3A_299, %mul3A_23] : memref<2x2x10240xf32, #tpu.memory_space<hbm>> -> memref<1x1x640xf32, #tpu.memory_space<hbm>>
      %dma_wait3A_304 = tpu.memref_squeeze %dma_wait3A : memref<1x1x640xf32, #tpu.memory_space<hbm>> -> memref<640xf32, #tpu.memory_space<hbm>>
      %dma_wait3A_305 = tpu.memref_slice %arg4[%arg0, %run_scoped3A_299, %mul3A_23] : memref<2x2x10240xf32, #tpu.memory_space<hbm>> -> memref<1x1x640xf32, #tpu.memory_space<hbm>>
      %dma_wait3A_306 = tpu.memref_squeeze %dma_wait3A_305 : memref<1x1x640xf32, #tpu.memory_space<hbm>> -> memref<640xf32, #tpu.memory_space<hbm>>
      tpu.wait_dma2 semaphore(%run_scoped3A_300 : memref<!tpu.dma_semaphore, #tpu.memory_space<semaphore_mem>>) src(%arg10 : memref<640xf32, #tpu.memory_space<vmem>>) dst(%dma_wait3A_306 : memref<640xf32, #tpu.memory_space<hbm>>)
      tpu.yield
    }) : () -> ()
    return
  }
}

module attributes {stable_mosaic.version = 14 : i64} {
  func.func @_mm_body(%arg0: i32, %arg1: memref<2000x128xf32, #tpu.memory_space<vmem>>, %arg2: memref<128x128xf32, #tpu.memory_space<vmem>>, %arg3: memref<1x128xf32, #tpu.memory_space<vmem>>, %arg4: memref<2x2000x1xf32, #tpu.memory_space<vmem>>, %arg5: memref<2x2000x128xf32, #tpu.memory_space<vmem>>) attributes {dimension_semantics = [#tpu.dimension_semantics<arbitrary>], iteration_bounds = array<i64: 5>, scalar_prefetch = 0 : i64, scratch_operands = 0 : i64, tpu.core_type = #tpu.core_type<tc>, window_params = [{transform_indices = @transform_0, window_bounds = array<i64: 2000, 128>}, {pipeline_mode = #tpu.pipeline_mode<synchronous>, transform_indices = @transform_1, window_bounds = array<i64: 128, 128>}, {pipeline_mode = #tpu.pipeline_mode<synchronous>, transform_indices = @transform_2, window_bounds = array<i64: 1, 128>}, {transform_indices = @transform_3, window_bounds = array<i64: 2, 2000, 1>}, {transform_indices = @transform_4, window_bounds = array<i64: 2, 2000, 128>}]} {
    %get3A = arith.constant 0 : index
    %get3A_0 = arith.constant 0 : index
    %get3A_1 = vector.load %arg1[%get3A, %get3A_0] : memref<2000x128xf32, #tpu.memory_space<vmem>>, vector<2000x128xf32>
    %get3A_2 = arith.constant 0 : index
    %get3A_3 = arith.constant 0 : index
    %get3A_4 = vector.load %arg2[%get3A_2, %get3A_3] : memref<128x128xf32, #tpu.memory_space<vmem>>, vector<128x128xf32>
    %dot_general3A = arith.constant dense<0.000000e+00> : vector<2000x128xf32>
    %dot_general3A_5 = tpu.matmul %get3A_1, %get3A_4, %dot_general3A {dimension_numbers = #tpu.dot_dimension_numbers<[1], [0], [0], [1], [0, 0, 1, 1], [], []>, transpose_lhs_hint = false} : vector<2000x128xf32>, vector<128x128xf32>, vector<2000x128xf32> -> vector<2000x128xf32>
    %get3A_6 = arith.constant 0 : index
    %get3A_7 = arith.constant 0 : index
    %get3A_8 = vector.load %arg3[%get3A_6, %get3A_7] : memref<1x128xf32, #tpu.memory_space<vmem>>, vector<1x128xf32>
    %add3A = vector.broadcast %get3A_8 : vector<1x128xf32> to vector<2000x128xf32>
    %add3A_9 = arith.addf %dot_general3A_5, %add3A : vector<2000x128xf32>
    %get3A_10 = arith.constant 0 : index
    %get3A_11 = arith.constant 0 : index
    %get3A_12 = arith.constant 0 : index
    %get3A_13 = vector.load %arg4[%get3A_10, %get3A_11, %get3A_12] : memref<2x2000x1xf32, #tpu.memory_space<vmem>>, vector<1x2000x1xf32>
    %get3A_14 = vector.shape_cast %get3A_13 : vector<1x2000x1xf32> to vector<2000x1xf32>
    %get3A_15 = arith.constant 1 : index
    %get3A_16 = arith.constant 0 : index
    %get3A_17 = arith.constant 0 : index
    %get3A_18 = vector.load %arg4[%get3A_15, %get3A_16, %get3A_17] : memref<2x2000x1xf32, #tpu.memory_space<vmem>>, vector<1x2000x1xf32>
    %get3A_19 = vector.shape_cast %get3A_18 : vector<1x2000x1xf32> to vector<2000x1xf32>
    %add3A_20 = arith.addf %get3A_14, %get3A_19 : vector<2000x1xf32>
    %max3A = arith.constant 1.000000e+00 : f32
    %max3A_21 = vector.broadcast %max3A : f32 to vector<2000x1xf32>
    %max3A_22 = arith.maximumf %add3A_20, %max3A_21 : vector<2000x1xf32>
    %rsqrt3A = math.rsqrt %max3A_22 : vector<2000x1xf32>
    %mul3A = vector.broadcast %rsqrt3A : vector<2000x1xf32> to vector<2000x128xf32>
    %mul3A_23 = arith.mulf %add3A_9, %mul3A : vector<2000x128xf32>
    %swap3A = arith.constant 0 : index
    %swap3A_24 = arith.constant 0 : index
    %swap3A_25 = arith.constant 0 : index
    %swap3A_26 = vector.load %arg5[%swap3A, %swap3A_24, %swap3A_25] : memref<2x2000x128xf32, #tpu.memory_space<vmem>>, vector<1x2000x128xf32>
    %swap3A_27 = vector.shape_cast %swap3A_26 : vector<1x2000x128xf32> to vector<2000x128xf32>
    %swap3A_28 = vector.shape_cast %mul3A_23 : vector<2000x128xf32> to vector<1x2000x128xf32>
    tpu.vector_store %arg5[%swap3A, %swap3A_24, %swap3A_25], %swap3A_28 {strides = array<i32>} : memref<2x2000x128xf32, #tpu.memory_space<vmem>>, vector<1x2000x128xf32>,
    %swap3A_29 = arith.constant 1 : index
    %swap3A_30 = arith.constant 0 : index
    %swap3A_31 = arith.constant 0 : index
    %swap3A_32 = vector.load %arg5[%swap3A_29, %swap3A_30, %swap3A_31] : memref<2x2000x128xf32, #tpu.memory_space<vmem>>, vector<1x2000x128xf32>
    %swap3A_33 = vector.shape_cast %swap3A_32 : vector<1x2000x128xf32> to vector<2000x128xf32>
    %swap3A_34 = vector.shape_cast %mul3A_23 : vector<2000x128xf32> to vector<1x2000x128xf32>
    tpu.vector_store %arg5[%swap3A_29, %swap3A_30, %swap3A_31], %swap3A_34 {strides = array<i32>} : memref<2x2000x128xf32, #tpu.memory_space<vmem>>, vector<1x2000x128xf32>,
    return
  }
  func.func @transform_0(%arg0: i32) -> (i32, i32) {
    %c0_i32 = arith.constant 0 : i32
    %c0_i32_0 = arith.constant 0 : i32
    return %arg0, %c0_i32 : i32, i32
  }
  func.func @transform_1(%arg0: i32) -> (i32, i32) {
    %c0_i32 = arith.constant 0 : i32
    %c0_i32_0 = arith.constant 0 : i32
    %c0_i32_1 = arith.constant 0 : i32
    return %c0_i32, %c0_i32_0 : i32, i32
  }
  func.func @transform_2(%arg0: i32) -> (i32, i32) {
    %c0_i32 = arith.constant 0 : i32
    %c0_i32_0 = arith.constant 0 : i32
    %c0_i32_1 = arith.constant 0 : i32
    return %c0_i32, %c0_i32_0 : i32, i32
  }
  func.func @transform_3(%arg0: i32) -> (i32, i32, i32) {
    %c0_i32 = arith.constant 0 : i32
    %c0_i32_0 = arith.constant 0 : i32
    %c0_i32_1 = arith.constant 0 : i32
    return %c0_i32, %arg0, %c0_i32_0 : i32, i32, i32
  }
  func.func @transform_4(%arg0: i32) -> (i32, i32, i32) {
    %c0_i32 = arith.constant 0 : i32
    %c0_i32_0 = arith.constant 0 : i32
    %c0_i32_1 = arith.constant 0 : i32
    return %c0_i32, %arg0, %c0_i32_0 : i32, i32, i32
  }
}

module attributes {stable_mosaic.version = 14 : i64} {
  func.func @_comb_body(%arg0: i32, %arg1: memref<2x2000x128xf32, #tpu.memory_space<vmem>>, %arg2: memref<2x2000x1xf32, #tpu.memory_space<vmem>>, %arg3: memref<2000x128xf32, #tpu.memory_space<vmem>>) attributes {dimension_semantics = [#tpu.dimension_semantics<arbitrary>], iteration_bounds = array<i64: 5>, scalar_prefetch = 0 : i64, scratch_operands = 0 : i64, tpu.core_type = #tpu.core_type<tc>, window_params = [{transform_indices = @transform_0, window_bounds = array<i64: 2, 2000, 128>}, {transform_indices = @transform_1, window_bounds = array<i64: 2, 2000, 1>}, {transform_indices = @transform_2, window_bounds = array<i64: 2000, 128>}]} {
    %get3A = arith.constant 0 : index
    %get3A_0 = arith.constant 0 : index
    %get3A_1 = arith.constant 0 : index
    %get3A_2 = vector.load %arg1[%get3A, %get3A_0, %get3A_1] : memref<2x2000x128xf32, #tpu.memory_space<vmem>>, vector<1x2000x128xf32>
    %get3A_3 = vector.shape_cast %get3A_2 : vector<1x2000x128xf32> to vector<2000x128xf32>
    %get3A_4 = arith.constant 1 : index
    %get3A_5 = arith.constant 0 : index
    %get3A_6 = arith.constant 0 : index
    %get3A_7 = vector.load %arg1[%get3A_4, %get3A_5, %get3A_6] : memref<2x2000x128xf32, #tpu.memory_space<vmem>>, vector<1x2000x128xf32>
    %get3A_8 = vector.shape_cast %get3A_7 : vector<1x2000x128xf32> to vector<2000x128xf32>
    %add3A = arith.addf %get3A_3, %get3A_8 : vector<2000x128xf32>
    %get3A_9 = arith.constant 0 : index
    %get3A_10 = arith.constant 0 : index
    %get3A_11 = arith.constant 0 : index
    %get3A_12 = vector.load %arg2[%get3A_9, %get3A_10, %get3A_11] : memref<2x2000x1xf32, #tpu.memory_space<vmem>>, vector<1x2000x1xf32>
    %get3A_13 = vector.shape_cast %get3A_12 : vector<1x2000x1xf32> to vector<2000x1xf32>
    %get3A_14 = arith.constant 1 : index
    %get3A_15 = arith.constant 0 : index
    %get3A_16 = arith.constant 0 : index
    %get3A_17 = vector.load %arg2[%get3A_14, %get3A_15, %get3A_16] : memref<2x2000x1xf32, #tpu.memory_space<vmem>>, vector<1x2000x1xf32>
    %get3A_18 = vector.shape_cast %get3A_17 : vector<1x2000x1xf32> to vector<2000x1xf32>
    %add3A_19 = arith.addf %get3A_13, %get3A_18 : vector<2000x1xf32>
    %max3A = arith.constant 1.000000e+00 : f32
    %max3A_20 = vector.broadcast %max3A : f32 to vector<2000x1xf32>
    %max3A_21 = arith.maximumf %add3A_19, %max3A_20 : vector<2000x1xf32>
    %rsqrt3A = math.rsqrt %max3A_21 : vector<2000x1xf32>
    %mul3A = vector.broadcast %rsqrt3A : vector<2000x1xf32> to vector<2000x128xf32>
    %mul3A_22 = arith.mulf %add3A, %mul3A : vector<2000x128xf32>
    %swap3A = arith.constant 0 : index
    %swap3A_23 = arith.constant 0 : index
    %swap3A_24 = vector.load %arg3[%swap3A, %swap3A_23] : memref<2000x128xf32, #tpu.memory_space<vmem>>, vector<2000x128xf32>
    tpu.vector_store %arg3[%swap3A, %swap3A_23], %mul3A_22 {strides = array<i32>} : memref<2000x128xf32, #tpu.memory_space<vmem>>, vector<2000x128xf32>,
    return
  }
  func.func @transform_0(%arg0: i32) -> (i32, i32, i32) {
    %c0_i32 = arith.constant 0 : i32
    %c0_i32_0 = arith.constant 0 : i32
    %c0_i32_1 = arith.constant 0 : i32
    return %c0_i32, %arg0, %c0_i32_0 : i32, i32, i32
  }
  func.func @transform_1(%arg0: i32) -> (i32, i32, i32) {
    %c0_i32 = arith.constant 0 : i32
    %c0_i32_0 = arith.constant 0 : i32
    %c0_i32_1 = arith.constant 0 : i32
    return %c0_i32, %arg0, %c0_i32_0 : i32, i32, i32
  }
  func.func @transform_2(%arg0: i32) -> (i32, i32) {
    %c0_i32 = arith.constant 0 : i32
    %c0_i32_0 = arith.constant 0 : i32
    return %arg0, %c0_i32 : i32, i32
  }
}

</mosaic_0001>

<sc_bundles>
// kernel: kernel.6.cloned.1.call-start
scs
__scs_entry_jumppad:
0x0: {  	(pc) =	sbr.rel $0x88, $3  }
0x1: {  	(tag) =	ssettag $0x0;
	lr =	simm.s32 $0x1  }
0x2: {  	[smem:$0x3F9C] =	sst lr;
	_ =	strace $0xD0000000  }
0x3: {  	_ = 	snop  }
0x4: {  	_ = 	snop  }
0x5: {  	_ = 	snop  }
0x6: {  	_ = 	snop  }
0x7: {  	_ = 	snop  }
__scs_overlays_trampoline_lowered:
0x8: {  	[smem:$0x3FAB] =	sst s0  }
0x9: {  	[smem:$0x3FAC] =	sst s1  }
0xa: {  	[smem:$0x3FAD] =	sst s2  }
0xb: {  	[smem:$0x3FAE] =	sst s3  }
0xc: {  	[smem:$0x3FAF] =	sst s4  }
0xd: {  	[smem:$0x3FB0] =	sst s5  }
0xe: {  	[smem:$0x3FB1] =	sst s6  }
0xf: {  	[smem:$0x3FB2] =	sst s7  }
0x10: {  	[smem:$0x3FB3] =	sst s8  }
0x11: {  	[smem:$0x3FB4] =	sst s9;
	s0 =	simm.s32 @!p0 $0x0  }
0x12: {  	s1 =	sld [smem:$0x3F9A];
	s0 =	simm.s32 @p0 $0x1  }
0x13: {  	[smem:$0x3FB5] =	sst s0;
	s0 =	simm.s32 @!p1 $0x0  }
0x14: {  	s2 =	sld [smem:$0x3F99];
	s0 =	simm.s32 @p1 $0x1  }
0x15: {  	[smem:$0x3FB6] =	sst s0;
	s0 =	simm.s32 @!p2 $0x0  }
0x16: {  	s3 =	sld [smem:$0x3FDB];
	s0 =	simm.s32 @p2 $0x1  }
0x17: {  	s4 =	simm.s32 $0x1BF5;
	[smem:$0x3FB8] =	sst s0  }
0x18: {  	s0 =	sld [smem:$0x3F9B];
	_ =	swait.ge [sflag:s4], $0x0  }
0x19: {  	s7 =	sld [smem:$0x3F9C]  }
0x1a: {  	s8 =	sadd.s32 $0xFFFFE003, lr  }
0x1b: {  	s9 =	sadd.s32 $0xFFFFFEF7, lr;
	s5 =	simm.s32 $0xFFFFFFFF;
	p2 =	slt.u32 s8, $0xFFFFF086  }
0x1c: {  	p1 =	slt.u32 s9, $0xF7A;
	s5 =	simm.s32 @!p2 $0x0  }
0x1d: {  	s5 =	simm.s32 @p1 $0x1;
	p0 =	seq.s32 s7, s2  }
0x1e: {  	s7 =	smul.u32 @!p0 $0xF7A, s2;
	p2 =	seq.s32 @!p0 s5, $0x0  }
0x1f: {  	s9 =	smul.u32 $0xF7A, s1;
	s8 =	simm.s32 @!p0 $0x1BF5;
	p2 =	por !p2, p0  }
0x20: {  	[sflag:s8] =	ssyncset.s32 @!p0 $0xFFFFF086;
	s6 =	sadd.s32 @!p0 s3, s7;
	s7 =	simm.s32 @!p0 $0x108  }
0x21: {  	s3 =	sadd.s32 s3, s9;
	s6 =	sadd.s32 @!p0 $0x88, s6;
	s7 =	simm.s32 @p2 $0x1082  }
0x22: {  	[simem:s7], [sflag:s8] =	dma.local @!p0 [hbm:s6], $0xF7A  }
0x23: {  	s9 =	sor.u32 $0xD0000000, s2;
	s6 =	simm.s32 $0x108;
	_ =	swait.ge @!p0 [sflag:s8], $0x0  }
0x24: {  	s3 =	sadd.s32 $0x88, s3;
	s6 =	simm.s32 @!p1 $0x1082;
	[sflag:s4] =	ssyncset.s32 $0xFFFFF086  }
0x25: {  	[simem:s6], [sflag:s4] =	dma.local [hbm:s3], $0xF7A  }
0x26: {  	[smem:$0x3F9C] =	sst s1;
	(tag) =	ssettag s2;
	_ =	strace s9  }
0x27: {  	s1 =	sld [smem:$0x3FAC]  }
0x28: {  	s2 =	sld [smem:$0x3FAD]  }
0x29: {  	s4 =	sld [smem:$0x3FAF]  }
0x2a: {  	p0 =	seq.s32 s5, $0x0;
	s5 =	sld [smem:$0x3FB0]  }
0x2b: {  	s6 =	sld [smem:$0x3FB1]  }
0x2c: {  	s7 =	sld [smem:$0x3FB2]  }
0x2d: {  	s3 =	simm.s32 $0x108;
	s8 =	sld [smem:$0x3FB3]  }
0x2e: {  	s3 =	simm.s32 @!p0 $0x1082;
	s9 =	sld [smem:$0x3FB4]  }
0x2f: {  	lr =	sadd.s32 s0, s3;
	s0 =	sld [smem:$0x3FAB]  }
0x30: {  	s3 =	sld [smem:$0x3FAE]  }
0x31: {  	[smem:$0x3FB7] =	sst s10  }
0x32: {  	s10 =	sld [smem:$0x3FB5];
	_ =	sdelay $0x3  }
0x33: {  	p0 =	seq.s32 s10, $0x1;
	s10 =	sld [smem:$0x3FB7];
	_ =	sdelay $0x3  }
0x34: {  	[smem:$0x3FB7] =	sst s10  }
0x35: {  	s10 =	sld [smem:$0x3FB6];
	_ =	sdelay $0x3  }
0x36: {  	p1 =	seq.s32 s10, $0x1;
	s10 =	sld [smem:$0x3FB7];
	_ =	sdelay $0x3  }
0x37: {  	[smem:$0x3FB7] =	sst s10  }
0x38: {  	s10 =	sld [smem:$0x3FB8]  }
0x39: {  	_ = 	snop;
	(pc) =	sbr.ind lr, $3  }
0x3a: {  	_ = 	snop  }
0x3b: {  	_ = 	snop  }
0x3c: {  	p2 =	seq.s32 s10, $0x1;
	s10 =	sld [smem:$0x3FB7]  }
0x3d: {  	_ =	shalt  }
0x3e: {  	_ =	shalt  }
0x3f: {  	_ =	shalt  }
0x40: {  	_ =	shalt  }
0x41: {  	_ =	shalt  }
0x42: {  	_ =	shalt  }
0x43: {  	_ =	shalt  }
0x44: {  	_ =	shalt  }
0x45: {  	_ =	shalt  }
0x46: {  	_ =	shalt  }
0x47: {  	_ =	shalt  }
0x48: {  	_ =	shalt  }
0x49: {  	_ =	shalt  }
0x4a: {  	_ =	shalt  }
0x4b: {  	_ =	shalt  }
0x4c: {  	_ =	shalt  }
0x4d: {  	_ =	shalt  }
0x4e: {  	_ =	shalt  }
0x4f: {  	_ =	shalt  }
0x50: {  	_ =	shalt  }
0x51: {  	_ =	shalt  }
0x52: {  	_ =	shalt  }
0x53: {  	_ =	shalt  }
0x54: {  	_ =	shalt  }
0x55: {  	_ =	shalt  }
0x56: {  	_ =	shalt  }
0x57: {  	_ =	shalt  }
0x58: {  	_ =	shalt  }
0x59: {  	_ =	shalt  }
0x5a: {  	_ =	shalt  }
0x5b: {  	_ =	shalt  }
0x5c: {  	_ =	shalt  }
0x5d: {  	_ =	shalt  }
0x5e: {  	_ =	shalt  }
0x5f: {  	_ =	shalt  }
0x60: {  	_ =	shalt  }
0x61: {  	_ =	shalt  }
0x62: {  	_ =	shalt  }
0x63: {  	_ =	shalt  }
0x64: {  	_ =	shalt  }
0x65: {  	_ =	shalt  }
0x66: {  	_ =	shalt  }
0x67: {  	_ =	shalt  }
0x68: {  	_ =	shalt  }
0x69: {  	_ =	shalt  }
0x6a: {  	_ =	shalt  }
0x6b: {  	_ =	shalt  }
0x6c: {  	_ =	shalt  }
0x6d: {  	_ =	shalt  }
0x6e: {  	_ =	shalt  }
0x6f: {  	_ =	shalt  }
0x70: {  	_ =	shalt  }
0x71: {  	_ =	shalt  }
0x72: {  	_ =	shalt  }
0x73: {  	_ =	shalt  }
0x74: {  	_ =	shalt  }
0x75: {  	_ =	shalt  }
0x76: {  	_ =	shalt  }
0x77: {  	_ =	shalt  }
0x78: {  	_ =	shalt  }
0x79: {  	_ =	shalt  }
0x7a: {  	_ =	shalt  }
0x7b: {  	_ =	shalt  }
0x7c: {  	_ =	shalt  }
0x7d: {  	_ =	shalt  }
0x7e: {  	_ =	shalt  }
0x7f: {  	_ =	shalt  }
0x80: {  	_ =	shalt  }
0x81: {  	_ =	shalt  }
0x82: {  	_ =	shalt  }
0x83: {  	_ =	shalt  }
0x84: {  	_ =	shalt  }
0x85: {  	_ =	shalt  }
0x86: {  	_ =	shalt  }
0x87: {  	_ =	shalt  }
.Lfunc_end0:
.L_simem_size_0:
called_computation_lowered:
.L_overlay_start_0:
0x88: {  	s2 =	sld [smem:$0x3FD9]  }
0x89: {  	s3 =	sld [smem:$0x3FFE];
	_ =	sdelay $0x1  }
0x8a: {  	s1 =	srdreg.scid  }
0x8b: {  	s0 =	sand.u32 $0x1, s1  }
0x8c: {  	s17 =	sshll.u32 s0, $0xA;
	s2 =	sadd.s32 s3, s2  }
0x8d: {  	s2 =	sadd.s32 s2, s17  }
0x8e: {  	[smem:$0x3FC3] =	sst s2  }
0x8f: {  	_ = 	snop  }
0x90: {  	s2 =	sld [smem:$0x3FC8]  }
0x91: {  	s18 =	sld [smem:$0x3FC7];
	(tm) =	ssettm $0x1  }
0x92: {  	s4 =	sld [smem:$0x3FFB];
	_ =	sdelay $0x3  }
0x93: {  	_ =	strace s4  }
0x94: {  	s4 =	sld [smem:$0x3FFC];
	_ =	sdelay $0x3  }
0x95: {  	_ =	strace s4  }
0x96: {  	s4 =	sld [smem:$0x3FFD];
	_ =	sdelay $0x3  }
0x97: {  	_ =	strace s4  }
0x98: {  	_ =	strace $0x8FFFFFFF  }
0x99: {  	s19 =	sld [smem:$0x3FDB];
	_ =	sdelay $0x1  }
0x9a: {  	s5 =	simm.s32 $_scs_section_size  }
0x9b: {  	s6 =	simm.s32 $_size__tile_overlayer_lowered;
	s7 =	simm.s32 $_tile_overlayer_lowered  }
0x9c: {  	s22 =	simm.s32 $0x1BFF;
	s21 =	sshll.u32 s7, $0x1;
	s4 =	sadd.s32 s5, s19  }
0x9d: {  	s8 =	simm.s32 $0x0;
	s20 =	sshll.u32 s6, $0x1;
	s6 =	sadd.s32 s21, s4  }
0x9e: {  	[timem:s8], [sflag:s22] =	dma.local [hbm:s6], s20  }
0x9f: {  	_ =	swait.ge [sflag:s22], s20  }
0xa0: {  	s5 =	ssub.s32 $0x0, s20;
	[sflag:s22] =	ssyncset.done $0x0  }
0xa1: {  	[sflag:s22] =	ssyncadd.s32 s5;
	_ =	sdelay $0x1  }
0xa2: {  	s23 =	simm.s32 $0x1B8B  }
0xa3: {  	_ =	swait.ge [sflag:s23], $0x1  }
0xa4: {  	[sflag:s23] =	ssyncset.done $0x0  }
0xa5: {  	s25 =	simm.s32 $0x1B8E;
	s24 =	sld [smem:$0x3FFE];
	[sflag:s23] =	ssyncadd.s32 $0xFFFFFFFF  }
0xa6: {  	s26 =	simm.s32 $execute0_lowered;
	[smem:$0x3FD2] =	sst s25  }
0xa7: {  	s6 =	sshll.u32 s26, $0x1;
	_ =	strace $0x80000046;
	[dreg:$0x1] =	wrdreg $0xFFFFFFFF  }
0xa8: {  	s28 =	simm.s32 $_size_execute0_lowered;
	s4 =	sadd.s32 s4, s6;
	[dreg:$0x0] =	wrdreg $0x0  }
0xa9: {  	s6 =	sshll.u32 s28, $0x1;
	[dreg:$0x2] =	wrdreg s4  }
0xaa: {  	[dreg:$0x3] =	wrdreg s6  }
0xab: {  	[dreg:$0x4] =	wrdreg $0xC0  }
0xac: {  	_ =	task [dreg:s8], $0x5FFFF  }
0xad: {  	[dreg:$0x1] =	wrdreg $0xFFFFFFFF  }
0xae: {  	[dreg:$0x0] =	wrdreg $0x60  }
0xaf: {  	[dreg:$0x2] =	wrdreg s2  }
0xb0: {  	[dreg:$0x3] =	wrdreg s18  }
0xb1: {  	[dreg:$0x4] =	wrdreg s24  }
0xb2: {  	[dreg:$0x5] =	wrdreg $0xA4000  }
0xb3: {  	[dreg:$0x6] =	wrdreg $0x9  }
0xb4: {  	_ =	task.clear_ibuf [dreg:s8], $0x7FFFF;
	_ =	strace $0x90000046  }
0xb5: {  	s29 =	simm.s32 $0x9;
	_ =	strace $0x80000048  }
0xb6: {  	_ =	swait.ge [sflag:s29], $0x1  }
0xb7: {  	[sflag:s29] =	ssyncadd.s32 $0xFFFFFFFF  }
0xb8: {  	_ =	strace $0x90000048  }
0xb9: {  	_ =	sfence  }
0xba: {  	s30 =	sld [smem:$0x0];
	_ =	sdelay $0x2  }
0xbb: {  	s31 =	sshll.u32 s1, $0xD;
	s1 =	sshrl.u32 s1, $0x2  }
0xbc: {  	s3 =	sand.u32 $0x4000, s31;
	s1 =	sadd.s32 s1, s30  }
0xbd: {  	s0 =	sor.u32 s3, s0;
	s1 =	sshll.u32 s1, $0x11  }
0xbe: {  	s0 =	sor.u32 s1, s0  }
0xbf: {  	s0 =	sadd.s32 $0x8F2B, s0  }
0xc0: {  	[sflag:s0] =	ssyncadd.remote.s32 $0x1  }
0xc1: {  	_ =	sfence.sel $0xFFFF  }
0xc2: {  	[dreg:$0x0] =	wrdreg $0xFFFFFFFF;
	(pc) =	sbr.abs _section_cstart, $3  }
0xc3: {  	[dreg:$0x1] =	wrdreg $0xFFFFFFFF  }
0xc4: {  	_ =	task.clear_ibuf [dreg:s8], $0x2FFFF;
	_ =	strace $0x9FFFFFFF  }
0xc5: {  	(tm) =	ssettm $0x7FFFFFFF  }
tec
execute0_lowered:
.L_overlay_start_1:
0x0: {  	(tag) =	ssettag $0x1  }
0x1: {  	s0 =	rddreg [dreg:$0x0]  }
0x2: {  	s1 =	rddreg [dreg:$0x1]  }
0x3: {  	s2 =	rddreg [dreg:$0x2];
	s3 =	srdreg.scid  }
0x4: {  	s8 =	stileid.u32;
	s5 =	rddreg [dreg:$0x3]  }
0x5: {  	s7 =	simm.s32 $0x0;
	s3 =	sand.u32 $0x1, s3;
	s6 =	smul.u32 $0x500, s8  }
0x6: {  	[smem:$0x7FF] =	sst s7;
	s4 =	smul.u32 $0x5000, s3;
	s26 =	sshll.u32 s3, $0x4  }
0x7: {  	s3 =	ssub.s32 $0x2, s3;
	s7 =	sor.u32 s8, s26;
	s8 =	smul.u32 $0x14000, s8  }
0x8: {  	s9 =	sshrl.u32 s3, $0x1;
	s4 =	sadd.s32 s6, s4;
	s7 =	smul.u32 $0x4E2, s7  }
0x9: {  	_ =	strace $0x80000047;
	s3 =	ssub.s32 s3, s9;
	s4 =	sshrl.u32 s4, $0x3  }
0xa: {  	s8 =	sshrl.u32 s8, $0x2;
	s2 =	sadd.s32 s4, s2;
	s0 =	sadd.s32 s0, s7  }
0xb: {  	s4 =	sadd.s32 s8, s5;
	s9 =	sadd.s32 s1, s7;
	[dreg:$0x5] =	wrdreg s0  }
0xc: {  	s5 =	sadd.s32 s6, s5;
	[dreg:$0x6] =	wrdreg s9;
	s10 =	sadd.s32 $0x80, s4  }
0xd: {  	s11 =	sadd.s32 $0x5000, s5;
	[dreg:$0x7] =	wrdreg s10  }
0xe: {  	s12 =	sadd.s32 $0xA000, s5;
	[dreg:$0x8] =	wrdreg s11  }
0xf: {  	s13 =	sadd.s32 $0xF000, s5;
	[dreg:$0x9] =	wrdreg s12  }
0x10: {  	s14 =	sadd.s32 $0x14000, s5;
	[dreg:$0xa] =	wrdreg s13  }
0x11: {  	s15 =	sadd.s32 $0x19000, s5;
	[dreg:$0xb] =	wrdreg s14  }
0x12: {  	s16 =	sadd.s32 $0x1E000, s5;
	[dreg:$0xc] =	wrdreg s15  }
0x13: {  	s17 =	sadd.s32 $0x23000, s5;
	[dreg:$0xd] =	wrdreg s16  }
0x14: {  	s18 =	sadd.s32 $0x28000, s5;
	s19 =	sadd.s32 $0x2D000, s5;
	[dreg:$0xe] =	wrdreg s17  }
0x15: {  	s20 =	sadd.s32 $0x32000, s5;
	s21 =	sadd.s32 $0x37000, s5;
	[dreg:$0xf] =	wrdreg s18  }
0x16: {  	s22 =	sadd.s32 $0x3C000, s5;
	s23 =	sadd.s32 $0x41000, s5;
	[dreg:$0x10] =	wrdreg s19  }
0x17: {  	s24 =	sadd.s32 $0x46000, s5;
	s25 =	sadd.s32 $0x4B000, s5;
	[dreg:$0x11] =	wrdreg s20  }
0x18: {  	s26 =	sadd.s32 $0x1400, s2;
	s28 =	sadd.s32 $0x5080, s5;
	[dreg:$0x12] =	wrdreg s21  }
0x19: {  	s29 =	sadd.s32 $0xA080, s5;
	s30 =	sadd.s32 $0xF080, s5;
	[dreg:$0x13] =	wrdreg s22  }
0x1a: {  	s31 =	sadd.s32 $0x14080, s5;
	s1 =	sadd.s32 $0x19080, s5;
	[dreg:$0x14] =	wrdreg s23  }
0x1b: {  	s0 =	sadd.s32 $0x1E080, s5;
	s6 =	sadd.s32 $0x2D080, s5;
	[dreg:$0x15] =	wrdreg s24  }
0x1c: {  	s7 =	sadd.s32 $0x32080, s5;
	s8 =	sadd.s32 $0x37080, s5;
	[dreg:$0x16] =	wrdreg s25  }
0x1d: {  	s9 =	sadd.s32 $0x3C080, s5;
	[dreg:$0x17] =	wrdreg s26;
	s24 =	sadd.s32 $0x1410, s2  }
0x1e: {  	s25 =	smax.u32 s3, $0x1;
	s26 =	sadd.s32 $0x80, s5;
	s2 =	sadd.s32 $0x23080, s5  }
0x1f: {  	s3 =	sadd.s32 $0x28080, s5;
	s10 =	sadd.s32 $0x41080, s5;
	s11 =	sadd.s32 $0x46080, s5  }
0x20: {  	s12 =	sadd.s32 $0x4B080, s5;
	s13 =	simm.s32 $0x1;
	s14 =	simm.s32 $0x4F00  }
0x21: {  	s15 =	simm.s32 $0x7700;
	s16 =	simm.s32 $0x80;
	s17 =	simm.s32 $0x100  }
0x22: {  	v0 =	vimm.f32 $0.0e+00;
	v1 =	vimm.f32 $1.000000000e+00;
	s18 =	simm.s32 $0xA180;
	s19 =	simm.s32 $0x9F00;
	s20 =	simm.s32 $0x0  }
.LBB2_1:
0x23: {  	s21 =	simm.s32 $0x0;
	s22 =	rddreg [dreg:$0x5]  }
0x24: {  	[tilespmem:s21], [sflag:$0x1] =	stream.linear.gather [hbm4b:s22+s21], $0x2710, $0x38;
	[tilespmem:$0xF400] =	vst v63  }
0x25: {  	_ =	swait.ge [sflag:s13], $0x2710  }
0x26: {  	[sflag:s13] =	ssyncset.done $0x0  }
0x27: {  	s23 =	simm.s32 $0x2780;
	s22 =	rddreg [dreg:$0x6];
	[sflag:s13] =	ssyncadd.s32 $0xFFFFD8F0  }
0x28: {  	[tilespmem:s23], [sflag:$0x1] =	stream.linear.gather [hbm4b:s22+s21], $0x2710, $0x38;
	[tilespmem:$0xF400] =	vst v63  }
0x29: {  	_ =	swait.ge [sflag:s13], $0x2710  }
0x2a: {  	[sflag:s13] =	ssyncset.done $0x0  }
0x2b: {  	s21 =	simm.s32 $0x0;
	[sflag:s13] =	ssyncadd.s32 $0xFFFFD8F0  }
.LBB2_2:
0x2c: {  	p0 =	sne.s32 s21, $0x9FC0  }
.Ltmp0:
0x2d: {  	_ = 	snop;
	(pc) =	sbr.rel @p0 .LBB2_2-.Ltmp0, $4  }
0x2e: {  	_ = 	snop  }
0x2f: {  	s22 =	sshra.s32 s21, $0x2  }
0x30: {  	[tilespmem:s22+$0x4F00] =	vst v0  }
0x31: {  	s21 =	sadd.s32 $0x40, s21;
	[tilespmem:s22+$0x7700] =	vst v0  }
0x32: {  	s22 =	simm.s32 $0x0;
	s21 =	simm.s32 $0x40  }
.LBB2_4:
0x33: {  	p0 =	sne.s32 s21, $0x9C00;
	v2 =	vld [tilespmem:s22+$0x0];
	_ =	sdelay $0x7  }
0x34: {  	[tilespmem:v2+s14+$0x0] =	vst.idx.add.f32.msk $0xffff, v1  }
0x35: {  	v2 =	vld [tilespmem:s22+$0x2780];
	_ =	sdelay $0x3  }
.Ltmp1:
0x36: {  	(pc) =	sbr.rel @p0 .LBB2_4-.Ltmp1, $2  }
0x37: {  	_ =	sdelay $0x2  }
0x38: {  	s22 =	sshra.s32 s21, $0x2;
	s21 =	sadd.s32 $0x40, s21;
	[tilespmem:v2+s15+$0x0] =	vst.idx.add.f32.msk $0xffff, v1  }
0x39: {  	v2 =	vld [tilespmem:s22+$0x0];
	_ =	sdelay $0x7  }
0x3a: {  	[tilespmem:v2+s14+$0x0] =	vst.idx.add.f32.msk $0xffff, v1  }
0x3b: {  	v2 =	vld [tilespmem:s22+$0x2780];
	_ =	sdelay $0x7  }
0x3c: {  	[tilespmem:v2+s15+$0x0] =	vst.idx.add.f32.msk $0xffff, v1  }
0x3d: {  	[spmem:s4] =	stream.strided.scatter [tilespmem:s14], [sflag:$0x1], $0x2800, s17, s16, $0x38;
	[tilespmem:$0xF400] =	vst v63  }
0x3e: {  	_ =	swait.ge [sflag:s13], $0x2800  }
0x3f: {  	[sflag:s13] =	ssyncset.done $0x0  }
0x40: {  	s21 =	rddreg [dreg:$0x7];
	[sflag:s13] =	ssyncadd.s32 $0xFFFFD800  }
0x41: {  	[spmem:s21] =	stream.strided.scatter [tilespmem:s15], [sflag:$0x1], $0x2800, s17, s16, $0x38;
	[tilespmem:$0xF400] =	vst v63  }
0x42: {  	_ =	swait.ge [sflag:s13], $0x2800  }
0x43: {  	[sflag:s13] =	ssyncset.done $0x0  }
0x44: {  	[sflag:s13] =	ssyncadd.s32 $0xFFFFD800  }
0x45: {  	[bflag:$0x0] =	sbarrier.arrive $0xFFFF  }
0x46: {  	[tilespmem:s18], [sflag:$0x1] =	stream.strided.gather [spmem:s5], $0x280, s17, s16, $0x38;
	[tilespmem:$0xF400] =	vst v63  }
0x47: {  	_ =	swait.ge [sflag:s13], $0x280  }
0x48: {  	[sflag:s13] =	ssyncset.done $0x0  }
0x49: {  	s23 =	rddreg [dreg:$0x8];
	[sflag:s13] =	ssyncadd.s32 $0xFFFFFD80  }
0x4a: {  	[tilespmem:s19], [sflag:$0x1] =	stream.strided.gather [spmem:s23], $0x280, s17, s16, $0x38;
	[tilespmem:$0xF400] =	vst v63  }
0x4b: {  	_ =	swait.ge [sflag:s13], $0x280  }
0x4c: {  	[sflag:s13] =	ssyncset.done $0x0  }
0x4d: {  	s21 =	simm.s32 $0x0;
	[sflag:s13] =	ssyncadd.s32 $0xFFFFFD80  }
0x4e: {  	s22 =	simm.s32 $0x40;
	v2 =	vld [tilespmem:s21+$0x9F00]  }
.LBB2_6:
0x4f: {  	p0 =	sne.s32 s22, $0x9C0;
	v3 =	vld [tilespmem:s21+$0xA180];
	_ =	sdelay $0x2  }
.Ltmp2:
0x50: {  	(pc) =	sbr.rel @p0 .LBB2_6-.Ltmp2, $4  }
0x51: {  	_ = 	snop  }
0x52: {  	v3 =	vadd.f32 v2, v3  }
0x53: {  	s23 =	sshra.s32 s22, $0x2  }
0x54: {  	s22 =	sadd.s32 $0x40, s22;
	v2 =	vld [tilespmem:s23+$0x9F00];
	[tilespmem:s21+$0xA180] =	vst v3;
	s21 =	smov.u32 s23  }
0x55: {  	v3 =	vld [tilespmem:s21+$0xA180];
	_ =	sdelay $0x4  }
0x56: {  	v2 =	vadd.f32 v2, v3;
	_ =	sdelay $0x1  }
0x57: {  	s23 =	rddreg [dreg:$0x9];
	[tilespmem:s21+$0xA180] =	vst v2  }
0x58: {  	[tilespmem:s19], [sflag:$0x1] =	stream.strided.gather [spmem:s23], $0x280, s17, s16, $0x38;
	[tilespmem:$0xF400] =	vst v63  }
0x59: {  	_ =	swait.ge [sflag:s13], $0x280  }
0x5a: {  	[sflag:s13] =	ssyncset.done $0x0  }
0x5b: {  	s21 =	simm.s32 $0x0;
	[sflag:s13] =	ssyncadd.s32 $0xFFFFFD80  }
0x5c: {  	s22 =	simm.s32 $0x40;
	v2 =	vld [tilespmem:s21+$0x9F00]  }
.LBB2_8:
0x5d: {  	p0 =	sne.s32 s22, $0x9C0;
	v3 =	vld [tilespmem:s21+$0xA180];
	_ =	sdelay $0x2  }
.Ltmp3:
0x5e: {  	(pc) =	sbr.rel @p0 .LBB2_8-.Ltmp3, $4  }
0x5f: {  	_ = 	snop  }
0x60: {  	v3 =	vadd.f32 v2, v3  }
0x61: {  	s23 =	sshra.s32 s22, $0x2  }
0x62: {  	s22 =	sadd.s32 $0x40, s22;
	v2 =	vld [tilespmem:s23+$0x9F00];
	[tilespmem:s21+$0xA180] =	vst v3;
	s21 =	smov.u32 s23  }
0x63: {  	v3 =	vld [tilespmem:s21+$0xA180];
	_ =	sdelay $0x4  }
0x64: {  	v2 =	vadd.f32 v2, v3;
	_ =	sdelay $0x1  }
0x65: {  	s23 =	rddreg [dreg:$0xa];
	[tilespmem:s21+$0xA180] =	vst v2  }
0x66: {  	[tilespmem:s19], [sflag:$0x1] =	stream.strided.gather [spmem:s23], $0x280, s17, s16, $0x38;
	[tilespmem:$0xF400] =	vst v63  }
0x67: {  	_ =	swait.ge [sflag:s13], $0x280  }
0x68: {  	[sflag:s13] =	ssyncset.done $0x0  }
0x69: {  	s21 =	simm.s32 $0x0;
	[sflag:s13] =	ssyncadd.s32 $0xFFFFFD80  }
0x6a: {  	s22 =	simm.s32 $0x40;
	v2 =	vld [tilespmem:s21+$0x9F00]  }
.LBB2_10:
0x6b: {  	p0 =	sne.s32 s22, $0x9C0;
	v3 =	vld [tilespmem:s21+$0xA180];
	_ =	sdelay $0x2  }
.Ltmp4:
0x6c: {  	(pc) =	sbr.rel @p0 .LBB2_10-.Ltmp4, $4  }
0x6d: {  	_ = 	snop  }
0x6e: {  	v3 =	vadd.f32 v2, v3  }
0x6f: {  	s23 =	sshra.s32 s22, $0x2  }
0x70: {  	s22 =	sadd.s32 $0x40, s22;
	v2 =	vld [tilespmem:s23+$0x9F00];
	[tilespmem:s21+$0xA180] =	vst v3;
	s21 =	smov.u32 s23  }
0x71: {  	v3 =	vld [tilespmem:s21+$0xA180];
	_ =	sdelay $0x4  }
0x72: {  	v2 =	vadd.f32 v2, v3;
	_ =	sdelay $0x1  }
0x73: {  	s23 =	rddreg [dreg:$0xb];
	[tilespmem:s21+$0xA180] =	vst v2  }
0x74: {  	[tilespmem:s19], [sflag:$0x1] =	stream.strided.gather [spmem:s23], $0x280, s17, s16, $0x38;
	[tilespmem:$0xF400] =	vst v63  }
0x75: {  	_ =	swait.ge [sflag:s13], $0x280  }
0x76: {  	[sflag:s13] =	ssyncset.done $0x0  }
0x77: {  	s21 =	simm.s32 $0x0;
	[sflag:s13] =	ssyncadd.s32 $0xFFFFFD80  }
0x78: {  	s22 =	simm.s32 $0x40;
	v2 =	vld [tilespmem:s21+$0x9F00]  }
.LBB2_12:
0x79: {  	p0 =	sne.s32 s22, $0x9C0;
	v3 =	vld [tilespmem:s21+$0xA180];
	_ =	sdelay $0x2  }
.Ltmp5:
0x7a: {  	(pc) =	sbr.rel @p0 .LBB2_12-.Ltmp5, $4  }
0x7b: {  	_ = 	snop  }
0x7c: {  	v3 =	vadd.f32 v2, v3  }
0x7d: {  	s23 =	sshra.s32 s22, $0x2  }
0x7e: {  	s22 =	sadd.s32 $0x40, s22;
	v2 =	vld [tilespmem:s23+$0x9F00];
	[tilespmem:s21+$0xA180] =	vst v3;
	s21 =	smov.u32 s23  }
0x7f: {  	v3 =	vld [tilespmem:s21+$0xA180];
	_ =	sdelay $0x4  }
0x80: {  	v2 =	vadd.f32 v2, v3;
	_ =	sdelay $0x1  }
0x81: {  	s23 =	rddreg [dreg:$0xc];
	[tilespmem:s21+$0xA180] =	vst v2  }
0x82: {  	[tilespmem:s19], [sflag:$0x1] =	stream.strided.gather [spmem:s23], $0x280, s17, s16, $0x38;
	[tilespmem:$0xF400] =	vst v63  }
0x83: {  	_ =	swait.ge [sflag:s13], $0x280  }
0x84: {  	[sflag:s13] =	ssyncset.done $0x0  }
0x85: {  	s21 =	simm.s32 $0x0;
	[sflag:s13] =	ssyncadd.s32 $0xFFFFFD80  }
0x86: {  	s22 =	simm.s32 $0x40;
	v2 =	vld [tilespmem:s21+$0x9F00]  }
.LBB2_14:
0x87: {  	p0 =	sne.s32 s22, $0x9C0;
	v3 =	vld [tilespmem:s21+$0xA180];
	_ =	sdelay $0x2  }
.Ltmp6:
0x88: {  	(pc) =	sbr.rel @p0 .LBB2_14-.Ltmp6, $4  }
0x89: {  	_ = 	snop  }
0x8a: {  	v3 =	vadd.f32 v2, v3  }
0x8b: {  	s23 =	sshra.s32 s22, $0x2  }
0x8c: {  	s22 =	sadd.s32 $0x40, s22;
	v2 =	vld [tilespmem:s23+$0x9F00];
	[tilespmem:s21+$0xA180] =	vst v3;
	s21 =	smov.u32 s23  }
0x8d: {  	v3 =	vld [tilespmem:s21+$0xA180];
	_ =	sdelay $0x4  }
0x8e: {  	v2 =	vadd.f32 v2, v3;
	_ =	sdelay $0x1  }
0x8f: {  	s23 =	rddreg [dreg:$0xd];
	[tilespmem:s21+$0xA180] =	vst v2  }
0x90: {  	[tilespmem:s19], [sflag:$0x1] =	stream.strided.gather [spmem:s23], $0x280, s17, s16, $0x38;
	[tilespmem:$0xF400] =	vst v63  }
0x91: {  	_ =	swait.ge [sflag:s13], $0x280  }
0x92: {  	[sflag:s13] =	ssyncset.done $0x0  }
0x93: {  	s21 =	simm.s32 $0x0;
	[sflag:s13] =	ssyncadd.s32 $0xFFFFFD80  }
0x94: {  	s22 =	simm.s32 $0x40;
	v2 =	vld [tilespmem:s21+$0x9F00]  }
.LBB2_16:
0x95: {  	p0 =	sne.s32 s22, $0x9C0;
	v3 =	vld [tilespmem:s21+$0xA180];
	_ =	sdelay $0x2  }
.Ltmp7:
0x96: {  	(pc) =	sbr.rel @p0 .LBB2_16-.Ltmp7, $4  }
0x97: {  	_ = 	snop  }
0x98: {  	v3 =	vadd.f32 v2, v3  }
0x99: {  	s23 =	sshra.s32 s22, $0x2  }
0x9a: {  	s22 =	sadd.s32 $0x40, s22;
	v2 =	vld [tilespmem:s23+$0x9F00];
	[tilespmem:s21+$0xA180] =	vst v3;
	s21 =	smov.u32 s23  }
0x9b: {  	v3 =	vld [tilespmem:s21+$0xA180];
	_ =	sdelay $0x4  }
0x9c: {  	v2 =	vadd.f32 v2, v3;
	_ =	sdelay $0x1  }
0x9d: {  	s23 =	rddreg [dreg:$0xe];
	[tilespmem:s21+$0xA180] =	vst v2  }
0x9e: {  	[tilespmem:s19], [sflag:$0x1] =	stream.strided.gather [spmem:s23], $0x280, s17, s16, $0x38;
	[tilespmem:$0xF400] =	vst v63  }
0x9f: {  	_ =	swait.ge [sflag:s13], $0x280  }
0xa0: {  	[sflag:s13] =	ssyncset.done $0x0  }
0xa1: {  	s21 =	simm.s32 $0x0;
	[sflag:s13] =	ssyncadd.s32 $0xFFFFFD80  }
0xa2: {  	s22 =	simm.s32 $0x40;
	v2 =	vld [tilespmem:s21+$0x9F00]  }
.LBB2_18:
0xa3: {  	p0 =	sne.s32 s22, $0x9C0;
	v3 =	vld [tilespmem:s21+$0xA180];
	_ =	sdelay $0x2  }
.Ltmp8:
0xa4: {  	(pc) =	sbr.rel @p0 .LBB2_18-.Ltmp8, $4  }
0xa5: {  	_ = 	snop  }
0xa6: {  	v3 =	vadd.f32 v2, v3  }
0xa7: {  	s23 =	sshra.s32 s22, $0x2  }
0xa8: {  	s22 =	sadd.s32 $0x40, s22;
	v2 =	vld [tilespmem:s23+$0x9F00];
	[tilespmem:s21+$0xA180] =	vst v3;
	s21 =	smov.u32 s23  }
0xa9: {  	v3 =	vld [tilespmem:s21+$0xA180];
	_ =	sdelay $0x4  }
0xaa: {  	v2 =	vadd.f32 v2, v3;
	_ =	sdelay $0x1  }
0xab: {  	s23 =	rddreg [dreg:$0xf];
	[tilespmem:s21+$0xA180] =	vst v2  }
0xac: {  	[tilespmem:s19], [sflag:$0x1] =	stream.strided.gather [spmem:s23], $0x280, s17, s16, $0x38;
	[tilespmem:$0xF400] =	vst v63  }
0xad: {  	_ =	swait.ge [sflag:s13], $0x280  }
0xae: {  	[sflag:s13] =	ssyncset.done $0x0  }
0xaf: {  	s21 =	simm.s32 $0x0;
	[sflag:s13] =	ssyncadd.s32 $0xFFFFFD80  }
0xb0: {  	s22 =	simm.s32 $0x40;
	v2 =	vld [tilespmem:s21+$0x9F00]  }
.LBB2_20:
0xb1: {  	p0 =	sne.s32 s22, $0x9C0;
	v3 =	vld [tilespmem:s21+$0xA180];
	_ =	sdelay $0x2  }
.Ltmp9:
0xb2: {  	(pc) =	sbr.rel @p0 .LBB2_20-.Ltmp9, $4  }
0xb3: {  	_ = 	snop  }
0xb4: {  	v3 =	vadd.f32 v2, v3  }
0xb5: {  	s23 =	sshra.s32 s22, $0x2  }
0xb6: {  	s22 =	sadd.s32 $0x40, s22;
	v2 =	vld [tilespmem:s23+$0x9F00];
	[tilespmem:s21+$0xA180] =	vst v3;
	s21 =	smov.u32 s23  }
0xb7: {  	v3 =	vld [tilespmem:s21+$0xA180];
	_ =	sdelay $0x4  }
0xb8: {  	v2 =	vadd.f32 v2, v3;
	_ =	sdelay $0x1  }
0xb9: {  	s23 =	rddreg [dreg:$0x10];
	[tilespmem:s21+$0xA180] =	vst v2  }
0xba: {  	[tilespmem:s19], [sflag:$0x1] =	stream.strided.gather [spmem:s23], $0x280, s17, s16, $0x38;
	[tilespmem:$0xF400] =	vst v63  }
0xbb: {  	_ =	swait.ge [sflag:s13], $0x280  }
0xbc: {  	[sflag:s13] =	ssyncset.done $0x0  }
0xbd: {  	s21 =	simm.s32 $0x0;
	[sflag:s13] =	ssyncadd.s32 $0xFFFFFD80  }
0xbe: {  	s22 =	simm.s32 $0x40;
	v2 =	vld [tilespmem:s21+$0x9F00]  }
.LBB2_22:
0xbf: {  	p0 =	sne.s32 s22, $0x9C0;
	v3 =	vld [tilespmem:s21+$0xA180];
	_ =	sdelay $0x2  }
.Ltmp10:
0xc0: {  	(pc) =	sbr.rel @p0 .LBB2_22-.Ltmp10, $4  }
0xc1: {  	_ = 	snop  }
0xc2: {  	v3 =	vadd.f32 v2, v3  }
0xc3: {  	s23 =	sshra.s32 s22, $0x2  }
0xc4: {  	s22 =	sadd.s32 $0x40, s22;
	v2 =	vld [tilespmem:s23+$0x9F00];
	[tilespmem:s21+$0xA180] =	vst v3;
	s21 =	smov.u32 s23  }
0xc5: {  	v3 =	vld [tilespmem:s21+$0xA180];
	_ =	sdelay $0x4  }
0xc6: {  	v2 =	vadd.f32 v2, v3;
	_ =	sdelay $0x1  }
0xc7: {  	s23 =	rddreg [dreg:$0x11];
	[tilespmem:s21+$0xA180] =	vst v2  }
0xc8: {  	[tilespmem:s19], [sflag:$0x1] =	stream.strided.gather [spmem:s23], $0x280, s17, s16, $0x38;
	[tilespmem:$0xF400] =	vst v63  }
0xc9: {  	_ =	swait.ge [sflag:s13], $0x280  }
0xca: {  	[sflag:s13] =	ssyncset.done $0x0  }
0xcb: {  	s21 =	simm.s32 $0x0;
	[sflag:s13] =	ssyncadd.s32 $0xFFFFFD80  }
0xcc: {  	s22 =	simm.s32 $0x40;
	v2 =	vld [tilespmem:s21+$0x9F00]  }
.LBB2_24:
0xcd: {  	p0 =	sne.s32 s22, $0x9C0;
	v3 =	vld [tilespmem:s21+$0xA180];
	_ =	sdelay $0x2  }
.Ltmp11:
0xce: {  	(pc) =	sbr.rel @p0 .LBB2_24-.Ltmp11, $4  }
0xcf: {  	_ = 	snop  }
0xd0: {  	v3 =	vadd.f32 v2, v3  }
0xd1: {  	s23 =	sshra.s32 s22, $0x2  }
0xd2: {  	s22 =	sadd.s32 $0x40, s22;
	v2 =	vld [tilespmem:s23+$0x9F00];
	[tilespmem:s21+$0xA180] =	vst v3;
	s21 =	smov.u32 s23  }
0xd3: {  	v3 =	vld [tilespmem:s21+$0xA180];
	_ =	sdelay $0x4  }
0xd4: {  	v2 =	vadd.f32 v2, v3;
	_ =	sdelay $0x1  }
0xd5: {  	s23 =	rddreg [dreg:$0x12];
	[tilespmem:s21+$0xA180] =	vst v2  }
0xd6: {  	[tilespmem:s19], [sflag:$0x1] =	stream.strided.gather [spmem:s23], $0x280, s17, s16, $0x38;
	[tilespmem:$0xF400] =	vst v63  }
0xd7: {  	_ =	swait.ge [sflag:s13], $0x280  }
0xd8: {  	[sflag:s13] =	ssyncset.done $0x0  }
0xd9: {  	s21 =	simm.s32 $0x0;
	[sflag:s13] =	ssyncadd.s32 $0xFFFFFD80  }
0xda: {  	s22 =	simm.s32 $0x40;
	v2 =	vld [tilespmem:s21+$0x9F00]  }
.LBB2_26:
0xdb: {  	p0 =	sne.s32 s22, $0x9C0;
	v3 =	vld [tilespmem:s21+$0xA180];
	_ =	sdelay $0x2  }
.Ltmp12:
0xdc: {  	(pc) =	sbr.rel @p0 .LBB2_26-.Ltmp12, $4  }
0xdd: {  	_ = 	snop  }
0xde: {  	v3 =	vadd.f32 v2, v3  }
0xdf: {  	s23 =	sshra.s32 s22, $0x2  }
0xe0: {  	s22 =	sadd.s32 $0x40, s22;
	v2 =	vld [tilespmem:s23+$0x9F00];
	[tilespmem:s21+$0xA180] =	vst v3;
	s21 =	smov.u32 s23  }
0xe1: {  	v3 =	vld [tilespmem:s21+$0xA180];
	_ =	sdelay $0x4  }
0xe2: {  	v2 =	vadd.f32 v2, v3;
	_ =	sdelay $0x1  }
0xe3: {  	s23 =	rddreg [dreg:$0x13];
	[tilespmem:s21+$0xA180] =	vst v2  }
0xe4: {  	[tilespmem:s19], [sflag:$0x1] =	stream.strided.gather [spmem:s23], $0x280, s17, s16, $0x38;
	[tilespmem:$0xF400] =	vst v63  }
0xe5: {  	_ =	swait.ge [sflag:s13], $0x280  }
0xe6: {  	[sflag:s13] =	ssyncset.done $0x0  }
0xe7: {  	s21 =	simm.s32 $0x0;
	[sflag:s13] =	ssyncadd.s32 $0xFFFFFD80  }
0xe8: {  	s22 =	simm.s32 $0x40;
	v2 =	vld [tilespmem:s21+$0x9F00]  }
.LBB2_28:
0xe9: {  	p0 =	sne.s32 s22, $0x9C0;
	v3 =	vld [tilespmem:s21+$0xA180];
	_ =	sdelay $0x2  }
.Ltmp13:
0xea: {  	(pc) =	sbr.rel @p0 .LBB2_28-.Ltmp13, $4  }
0xeb: {  	_ = 	snop  }
0xec: {  	v3 =	vadd.f32 v2, v3  }
0xed: {  	s23 =	sshra.s32 s22, $0x2  }
0xee: {  	s22 =	sadd.s32 $0x40, s22;
	v2 =	vld [tilespmem:s23+$0x9F00];
	[tilespmem:s21+$0xA180] =	vst v3;
	s21 =	smov.u32 s23  }
0xef: {  	v3 =	vld [tilespmem:s21+$0xA180];
	_ =	sdelay $0x4  }
0xf0: {  	v2 =	vadd.f32 v2, v3;
	_ =	sdelay $0x1  }
0xf1: {  	s23 =	rddreg [dreg:$0x14];
	[tilespmem:s21+$0xA180] =	vst v2  }
0xf2: {  	[tilespmem:s19], [sflag:$0x1] =	stream.strided.gather [spmem:s23], $0x280, s17, s16, $0x38;
	[tilespmem:$0xF400] =	vst v63  }
0xf3: {  	_ =	swait.ge [sflag:s13], $0x280  }
0xf4: {  	[sflag:s13] =	ssyncset.done $0x0  }
0xf5: {  	s21 =	simm.s32 $0x0;
	[sflag:s13] =	ssyncadd.s32 $0xFFFFFD80  }
0xf6: {  	s22 =	simm.s32 $0x40;
	v2 =	vld [tilespmem:s21+$0x9F00]  }
.LBB2_30:
0xf7: {  	p0 =	sne.s32 s22, $0x9C0;
	v3 =	vld [tilespmem:s21+$0xA180];
	_ =	sdelay $0x2  }
.Ltmp14:
0xf8: {  	(pc) =	sbr.rel @p0 .LBB2_30-.Ltmp14, $4  }
0xf9: {  	_ = 	snop  }
0xfa: {  	v3 =	vadd.f32 v2, v3  }
0xfb: {  	s23 =	sshra.s32 s22, $0x2  }
0xfc: {  	s22 =	sadd.s32 $0x40, s22;
	v2 =	vld [tilespmem:s23+$0x9F00];
	[tilespmem:s21+$0xA180] =	vst v3;
	s21 =	smov.u32 s23  }
0xfd: {  	v3 =	vld [tilespmem:s21+$0xA180];
	_ =	sdelay $0x4  }
0xfe: {  	v2 =	vadd.f32 v2, v3;
	_ =	sdelay $0x1  }
0xff: {  	s23 =	rddreg [dreg:$0x15];
	[tilespmem:s21+$0xA180] =	vst v2  }
0x100: {  	[tilespmem:s19], [sflag:$0x1] =	stream.strided.gather [spmem:s23], $0x280, s17, s16, $0x38;
	[tilespmem:$0xF400] =	vst v63  }
0x101: {  	_ =	swait.ge [sflag:s13], $0x280  }
0x102: {  	[sflag:s13] =	ssyncset.done $0x0  }
0x103: {  	s21 =	simm.s32 $0x0;
	[sflag:s13] =	ssyncadd.s32 $0xFFFFFD80  }
0x104: {  	s22 =	simm.s32 $0x40;
	v2 =	vld [tilespmem:s21+$0x9F00]  }
.LBB2_32:
0x105: {  	p0 =	sne.s32 s22, $0x9C0;
	v3 =	vld [tilespmem:s21+$0xA180];
	_ =	sdelay $0x2  }
.Ltmp15:
0x106: {  	(pc) =	sbr.rel @p0 .LBB2_32-.Ltmp15, $4  }
0x107: {  	_ = 	snop  }
0x108: {  	v3 =	vadd.f32 v2, v3  }
0x109: {  	s23 =	sshra.s32 s22, $0x2  }
0x10a: {  	s22 =	sadd.s32 $0x40, s22;
	v2 =	vld [tilespmem:s23+$0x9F00];
	[tilespmem:s21+$0xA180] =	vst v3;
	s21 =	smov.u32 s23  }
0x10b: {  	v3 =	vld [tilespmem:s21+$0xA180];
	_ =	sdelay $0x4  }
0x10c: {  	v2 =	vadd.f32 v2, v3;
	_ =	sdelay $0x1  }
0x10d: {  	s23 =	rddreg [dreg:$0x16];
	[tilespmem:s21+$0xA180] =	vst v2  }
0x10e: {  	[tilespmem:s19], [sflag:$0x1] =	stream.strided.gather [spmem:s23], $0x280, s17, s16, $0x38;
	[tilespmem:$0xF400] =	vst v63  }
0x10f: {  	_ =	swait.ge [sflag:s13], $0x280  }
0x110: {  	[sflag:s13] =	ssyncset.done $0x0  }
0x111: {  	s21 =	simm.s32 $0x0;
	[sflag:s13] =	ssyncadd.s32 $0xFFFFFD80  }
0x112: {  	s22 =	simm.s32 $0x40;
	v2 =	vld [tilespmem:s21+$0x9F00]  }
.LBB2_34:
0x113: {  	p0 =	sne.s32 s22, $0x9C0;
	v3 =	vld [tilespmem:s21+$0xA180];
	_ =	sdelay $0x2  }
.Ltmp16:
0x114: {  	(pc) =	sbr.rel @p0 .LBB2_34-.Ltmp16, $4  }
0x115: {  	_ = 	snop  }
0x116: {  	v3 =	vadd.f32 v2, v3  }
0x117: {  	s23 =	sshra.s32 s22, $0x2  }
0x118: {  	s22 =	sadd.s32 $0x40, s22;
	v2 =	vld [tilespmem:s23+$0x9F00];
	[tilespmem:s21+$0xA180] =	vst v3;
	s21 =	smov.u32 s23  }
0x119: {  	v3 =	vld [tilespmem:s21+$0xA180];
	_ =	sdelay $0x4  }
0x11a: {  	v2 =	vadd.f32 v2, v3;
	_ =	sdelay $0x1  }
0x11b: {  	s23 =	rddreg [dreg:$0x17];
	[tilespmem:s21+$0xA180] =	vst v2  }
0x11c: {  	[hbm4b:s23+s16] =	stream.strided.scatter [tilespmem:s18], [sflag:$0x1], $0x280, s17, s16, $0x38;
	[tilespmem:$0xF400] =	vst v63  }
0x11d: {  	_ =	swait.ge [sflag:s13], $0x280  }
0x11e: {  	[sflag:s13] =	ssyncset.done $0x0  }
0x11f: {  	[sflag:s13] =	ssyncadd.s32 $0xFFFFFD80  }
0x120: {  	[tilespmem:s18], [sflag:$0x1] =	stream.strided.gather [spmem:s26], $0x280, s17, s16, $0x38;
	[tilespmem:$0xF400] =	vst v63  }
0x121: {  	_ =	swait.ge [sflag:s13], $0x280  }
0x122: {  	[sflag:s13] =	ssyncset.done $0x0  }
0x123: {  	[sflag:s13] =	ssyncadd.s32 $0xFFFFFD80  }
0x124: {  	[tilespmem:s19], [sflag:$0x1] =	stream.strided.gather [spmem:s28], $0x280, s17, s16, $0x38;
	[tilespmem:$0xF400] =	vst v63  }
0x125: {  	_ =	swait.ge [sflag:s13], $0x280  }
0x126: {  	[sflag:s13] =	ssyncset.done $0x0  }
0x127: {  	s21 =	simm.s32 $0x0;
	[sflag:s13] =	ssyncadd.s32 $0xFFFFFD80  }
0x128: {  	s22 =	simm.s32 $0x40;
	v2 =	vld [tilespmem:s21+$0x9F00]  }
.LBB2_36:
0x129: {  	p0 =	sne.s32 s22, $0x9C0;
	v3 =	vld [tilespmem:s21+$0xA180];
	_ =	sdelay $0x2  }
.Ltmp17:
0x12a: {  	(pc) =	sbr.rel @p0 .LBB2_36-.Ltmp17, $4  }
0x12b: {  	_ = 	snop  }
0x12c: {  	v3 =	vadd.f32 v2, v3  }
0x12d: {  	s23 =	sshra.s32 s22, $0x2  }
0x12e: {  	s22 =	sadd.s32 $0x40, s22;
	v2 =	vld [tilespmem:s23+$0x9F00];
	[tilespmem:s21+$0xA180] =	vst v3;
	s21 =	smov.u32 s23  }
0x12f: {  	v3 =	vld [tilespmem:s21+$0xA180];
	_ =	sdelay $0x4  }
0x130: {  	v2 =	vadd.f32 v2, v3;
	_ =	sdelay $0x1  }
0x131: {  	[tilespmem:s21+$0xA180] =	vst v2  }
0x132: {  	[tilespmem:s19], [sflag:$0x1] =	stream.strided.gather [spmem:s29], $0x280, s17, s16, $0x38;
	[tilespmem:$0xF400] =	vst v63  }
0x133: {  	_ =	swait.ge [sflag:s13], $0x280  }
0x134: {  	[sflag:s13] =	ssyncset.done $0x0  }
0x135: {  	s21 =	simm.s32 $0x0;
	[sflag:s13] =	ssyncadd.s32 $0xFFFFFD80  }
0x136: {  	s22 =	simm.s32 $0x40;
	v2 =	vld [tilespmem:s21+$0x9F00]  }
.LBB2_38:
0x137: {  	p0 =	sne.s32 s22, $0x9C0;
	v3 =	vld [tilespmem:s21+$0xA180];
	_ =	sdelay $0x2  }
.Ltmp18:
0x138: {  	(pc) =	sbr.rel @p0 .LBB2_38-.Ltmp18, $4  }
0x139: {  	_ = 	snop  }
0x13a: {  	v3 =	vadd.f32 v2, v3  }
0x13b: {  	s23 =	sshra.s32 s22, $0x2  }
0x13c: {  	s22 =	sadd.s32 $0x40, s22;
	v2 =	vld [tilespmem:s23+$0x9F00];
	[tilespmem:s21+$0xA180] =	vst v3;
	s21 =	smov.u32 s23  }
0x13d: {  	v3 =	vld [tilespmem:s21+$0xA180];
	_ =	sdelay $0x4  }
0x13e: {  	v2 =	vadd.f32 v2, v3;
	_ =	sdelay $0x1  }
0x13f: {  	[tilespmem:s21+$0xA180] =	vst v2  }
0x140: {  	[tilespmem:s19], [sflag:$0x1] =	stream.strided.gather [spmem:s30], $0x280, s17, s16, $0x38;
	[tilespmem:$0xF400] =	vst v63  }
0x141: {  	_ =	swait.ge [sflag:s13], $0x280  }
0x142: {  	[sflag:s13] =	ssyncset.done $0x0  }
0x143: {  	s21 =	simm.s32 $0x0;
	[sflag:s13] =	ssyncadd.s32 $0xFFFFFD80  }
0x144: {  	s22 =	simm.s32 $0x40;
	v2 =	vld [tilespmem:s21+$0x9F00]  }
.LBB2_40:
0x145: {  	p0 =	sne.s32 s22, $0x9C0;
	v3 =	vld [tilespmem:s21+$0xA180];
	_ =	sdelay $0x2  }
.Ltmp19:
0x146: {  	(pc) =	sbr.rel @p0 .LBB2_40-.Ltmp19, $4  }
0x147: {  	_ = 	snop  }
0x148: {  	v3 =	vadd.f32 v2, v3  }
0x149: {  	s23 =	sshra.s32 s22, $0x2  }
0x14a: {  	s22 =	sadd.s32 $0x40, s22;
	v2 =	vld [tilespmem:s23+$0x9F00];
	[tilespmem:s21+$0xA180] =	vst v3;
	s21 =	smov.u32 s23  }
0x14b: {  	v3 =	vld [tilespmem:s21+$0xA180];
	_ =	sdelay $0x4  }
0x14c: {  	v2 =	vadd.f32 v2, v3;
	_ =	sdelay $0x1  }
0x14d: {  	[tilespmem:s21+$0xA180] =	vst v2  }
0x14e: {  	[tilespmem:s19], [sflag:$0x1] =	stream.strided.gather [spmem:s31], $0x280, s17, s16, $0x38;
	[tilespmem:$0xF400] =	vst v63  }
0x14f: {  	_ =	swait.ge [sflag:s13], $0x280  }
0x150: {  	[sflag:s13] =	ssyncset.done $0x0  }
0x151: {  	s21 =	simm.s32 $0x0;
	[sflag:s13] =	ssyncadd.s32 $0xFFFFFD80  }
0x152: {  	s22 =	simm.s32 $0x40;
	v2 =	vld [tilespmem:s21+$0x9F00]  }
.LBB2_42:
0x153: {  	p0 =	sne.s32 s22, $0x9C0;
	v3 =	vld [tilespmem:s21+$0xA180];
	_ =	sdelay $0x2  }
.Ltmp20:
0x154: {  	(pc) =	sbr.rel @p0 .LBB2_42-.Ltmp20, $4  }
0x155: {  	_ = 	snop  }
0x156: {  	v3 =	vadd.f32 v2, v3  }
0x157: {  	s23 =	sshra.s32 s22, $0x2  }
0x158: {  	s22 =	sadd.s32 $0x40, s22;
	v2 =	vld [tilespmem:s23+$0x9F00];
	[tilespmem:s21+$0xA180] =	vst v3;
	s21 =	smov.u32 s23  }
0x159: {  	v3 =	vld [tilespmem:s21+$0xA180];
	_ =	sdelay $0x4  }
0x15a: {  	v2 =	vadd.f32 v2, v3;
	_ =	sdelay $0x1  }
0x15b: {  	[tilespmem:s21+$0xA180] =	vst v2  }
0x15c: {  	[tilespmem:s19], [sflag:$0x1] =	stream.strided.gather [spmem:s1], $0x280, s17, s16, $0x38;
	[tilespmem:$0xF400] =	vst v63  }
0x15d: {  	_ =	swait.ge [sflag:s13], $0x280  }
0x15e: {  	[sflag:s13] =	ssyncset.done $0x0  }
0x15f: {  	s21 =	simm.s32 $0x0;
	[sflag:s13] =	ssyncadd.s32 $0xFFFFFD80  }
0x160: {  	s22 =	simm.s32 $0x40;
	v2 =	vld [tilespmem:s21+$0x9F00]  }
.LBB2_44:
0x161: {  	p0 =	sne.s32 s22, $0x9C0;
	v3 =	vld [tilespmem:s21+$0xA180];
	_ =	sdelay $0x2  }
.Ltmp21:
0x162: {  	(pc) =	sbr.rel @p0 .LBB2_44-.Ltmp21, $4  }
0x163: {  	_ = 	snop  }
0x164: {  	v3 =	vadd.f32 v2, v3  }
0x165: {  	s23 =	sshra.s32 s22, $0x2  }
0x166: {  	s22 =	sadd.s32 $0x40, s22;
	v2 =	vld [tilespmem:s23+$0x9F00];
	[tilespmem:s21+$0xA180] =	vst v3;
	s21 =	smov.u32 s23  }
0x167: {  	v3 =	vld [tilespmem:s21+$0xA180];
	_ =	sdelay $0x4  }
0x168: {  	v2 =	vadd.f32 v2, v3;
	_ =	sdelay $0x1  }
0x169: {  	[tilespmem:s21+$0xA180] =	vst v2  }
0x16a: {  	[tilespmem:s19], [sflag:$0x1] =	stream.strided.gather [spmem:s0], $0x280, s17, s16, $0x38;
	[tilespmem:$0xF400] =	vst v63  }
0x16b: {  	_ =	swait.ge [sflag:s13], $0x280  }
0x16c: {  	[sflag:s13] =	ssyncset.done $0x0  }
0x16d: {  	s21 =	simm.s32 $0x0;
	[sflag:s13] =	ssyncadd.s32 $0xFFFFFD80  }
0x16e: {  	s22 =	simm.s32 $0x40;
	v2 =	vld [tilespmem:s21+$0x9F00]  }
.LBB2_46:
0x16f: {  	p0 =	sne.s32 s22, $0x9C0;
	v3 =	vld [tilespmem:s21+$0xA180];
	_ =	sdelay $0x2  }
.Ltmp22:
0x170: {  	(pc) =	sbr.rel @p0 .LBB2_46-.Ltmp22, $4  }
0x171: {  	_ = 	snop  }
0x172: {  	v3 =	vadd.f32 v2, v3  }
0x173: {  	s23 =	sshra.s32 s22, $0x2  }
0x174: {  	s22 =	sadd.s32 $0x40, s22;
	v2 =	vld [tilespmem:s23+$0x9F00];
	[tilespmem:s21+$0xA180] =	vst v3;
	s21 =	smov.u32 s23  }
0x175: {  	v3 =	vld [tilespmem:s21+$0xA180];
	_ =	sdelay $0x4  }
0x176: {  	v2 =	vadd.f32 v2, v3;
	_ =	sdelay $0x1  }
0x177: {  	[tilespmem:s21+$0xA180] =	vst v2  }
0x178: {  	[tilespmem:s19], [sflag:$0x1] =	stream.strided.gather [spmem:s2], $0x280, s17, s16, $0x38;
	[tilespmem:$0xF400] =	vst v63  }
0x179: {  	_ =	swait.ge [sflag:s13], $0x280  }
0x17a: {  	[sflag:s13] =	ssyncset.done $0x0  }
0x17b: {  	s21 =	simm.s32 $0x0;
	[sflag:s13] =	ssyncadd.s32 $0xFFFFFD80  }
0x17c: {  	s22 =	simm.s32 $0x40;
	v2 =	vld [tilespmem:s21+$0x9F00]  }
.LBB2_48:
0x17d: {  	p0 =	sne.s32 s22, $0x9C0;
	v3 =	vld [tilespmem:s21+$0xA180];
	_ =	sdelay $0x2  }
.Ltmp23:
0x17e: {  	(pc) =	sbr.rel @p0 .LBB2_48-.Ltmp23, $4  }
0x17f: {  	_ = 	snop  }
0x180: {  	v3 =	vadd.f32 v2, v3  }
0x181: {  	s23 =	sshra.s32 s22, $0x2  }
0x182: {  	s22 =	sadd.s32 $0x40, s22;
	v2 =	vld [tilespmem:s23+$0x9F00];
	[tilespmem:s21+$0xA180] =	vst v3;
	s21 =	smov.u32 s23  }
0x183: {  	v3 =	vld [tilespmem:s21+$0xA180];
	_ =	sdelay $0x4  }
0x184: {  	v2 =	vadd.f32 v2, v3;
	_ =	sdelay $0x1  }
0x185: {  	[tilespmem:s21+$0xA180] =	vst v2  }
0x186: {  	[tilespmem:s19], [sflag:$0x1] =	stream.strided.gather [spmem:s3], $0x280, s17, s16, $0x38;
	[tilespmem:$0xF400] =	vst v63  }
0x187: {  	_ =	swait.ge [sflag:s13], $0x280  }
0x188: {  	[sflag:s13] =	ssyncset.done $0x0  }
0x189: {  	s21 =	simm.s32 $0x0;
	[sflag:s13] =	ssyncadd.s32 $0xFFFFFD80  }
0x18a: {  	s22 =	simm.s32 $0x40;
	v2 =	vld [tilespmem:s21+$0x9F00]  }
.LBB2_50:
0x18b: {  	p0 =	sne.s32 s22, $0x9C0;
	v3 =	vld [tilespmem:s21+$0xA180];
	_ =	sdelay $0x2  }
.Ltmp24:
0x18c: {  	(pc) =	sbr.rel @p0 .LBB2_50-.Ltmp24, $4  }
0x18d: {  	_ = 	snop  }
0x18e: {  	v3 =	vadd.f32 v2, v3  }
0x18f: {  	s23 =	sshra.s32 s22, $0x2  }
0x190: {  	s22 =	sadd.s32 $0x40, s22;
	v2 =	vld [tilespmem:s23+$0x9F00];
	[tilespmem:s21+$0xA180] =	vst v3;
	s21 =	smov.u32 s23  }
0x191: {  	v3 =	vld [tilespmem:s21+$0xA180];
	_ =	sdelay $0x4  }
0x192: {  	v2 =	vadd.f32 v2, v3;
	_ =	sdelay $0x1  }
0x193: {  	[tilespmem:s21+$0xA180] =	vst v2  }
0x194: {  	[tilespmem:s19], [sflag:$0x1] =	stream.strided.gather [spmem:s6], $0x280, s17, s16, $0x38;
	[tilespmem:$0xF400] =	vst v63  }
0x195: {  	_ =	swait.ge [sflag:s13], $0x280  }
0x196: {  	[sflag:s13] =	ssyncset.done $0x0  }
0x197: {  	s21 =	simm.s32 $0x0;
	[sflag:s13] =	ssyncadd.s32 $0xFFFFFD80  }
0x198: {  	s22 =	simm.s32 $0x40;
	v2 =	vld [tilespmem:s21+$0x9F00]  }
.LBB2_52:
0x199: {  	p0 =	sne.s32 s22, $0x9C0;
	v3 =	vld [tilespmem:s21+$0xA180];
	_ =	sdelay $0x2  }
.Ltmp25:
0x19a: {  	(pc) =	sbr.rel @p0 .LBB2_52-.Ltmp25, $4  }
0x19b: {  	_ = 	snop  }
0x19c: {  	v3 =	vadd.f32 v2, v3  }
0x19d: {  	s23 =	sshra.s32 s22, $0x2  }
0x19e: {  	s22 =	sadd.s32 $0x40, s22;
	v2 =	vld [tilespmem:s23+$0x9F00];
	[tilespmem:s21+$0xA180] =	vst v3;
	s21 =	smov.u32 s23  }
0x19f: {  	v3 =	vld [tilespmem:s21+$0xA180];
	_ =	sdelay $0x4  }
0x1a0: {  	v2 =	vadd.f32 v2, v3;
	_ =	sdelay $0x1  }
0x1a1: {  	[tilespmem:s21+$0xA180] =	vst v2  }
0x1a2: {  	[tilespmem:s19], [sflag:$0x1] =	stream.strided.gather [spmem:s7], $0x280, s17, s16, $0x38;
	[tilespmem:$0xF400] =	vst v63  }
0x1a3: {  	_ =	swait.ge [sflag:s13], $0x280  }
0x1a4: {  	[sflag:s13] =	ssyncset.done $0x0  }
0x1a5: {  	s21 =	simm.s32 $0x0;
	[sflag:s13] =	ssyncadd.s32 $0xFFFFFD80  }
0x1a6: {  	s22 =	simm.s32 $0x40;
	v2 =	vld [tilespmem:s21+$0x9F00]  }
.LBB2_54:
0x1a7: {  	p0 =	sne.s32 s22, $0x9C0;
	v3 =	vld [tilespmem:s21+$0xA180];
	_ =	sdelay $0x2  }
.Ltmp26:
0x1a8: {  	(pc) =	sbr.rel @p0 .LBB2_54-.Ltmp26, $4  }
0x1a9: {  	_ = 	snop  }
0x1aa: {  	v3 =	vadd.f32 v2, v3  }
0x1ab: {  	s23 =	sshra.s32 s22, $0x2  }
0x1ac: {  	s22 =	sadd.s32 $0x40, s22;
	v2 =	vld [tilespmem:s23+$0x9F00];
	[tilespmem:s21+$0xA180] =	vst v3;
	s21 =	smov.u32 s23  }
0x1ad: {  	v3 =	vld [tilespmem:s21+$0xA180];
	_ =	sdelay $0x4  }
0x1ae: {  	v2 =	vadd.f32 v2, v3;
	_ =	sdelay $0x1  }
0x1af: {  	[tilespmem:s21+$0xA180] =	vst v2  }
0x1b0: {  	[tilespmem:s19], [sflag:$0x1] =	stream.strided.gather [spmem:s8], $0x280, s17, s16, $0x38;
	[tilespmem:$0xF400] =	vst v63  }
0x1b1: {  	_ =	swait.ge [sflag:s13], $0x280  }
0x1b2: {  	[sflag:s13] =	ssyncset.done $0x0  }
0x1b3: {  	s21 =	simm.s32 $0x0;
	[sflag:s13] =	ssyncadd.s32 $0xFFFFFD80  }
0x1b4: {  	s22 =	simm.s32 $0x40;
	v2 =	vld [tilespmem:s21+$0x9F00]  }
.LBB2_56:
0x1b5: {  	p0 =	sne.s32 s22, $0x9C0;
	v3 =	vld [tilespmem:s21+$0xA180];
	_ =	sdelay $0x2  }
.Ltmp27:
0x1b6: {  	(pc) =	sbr.rel @p0 .LBB2_56-.Ltmp27, $4  }
0x1b7: {  	_ = 	snop  }
0x1b8: {  	v3 =	vadd.f32 v2, v3  }
0x1b9: {  	s23 =	sshra.s32 s22, $0x2  }
0x1ba: {  	s22 =	sadd.s32 $0x40, s22;
	v2 =	vld [tilespmem:s23+$0x9F00];
	[tilespmem:s21+$0xA180] =	vst v3;
	s21 =	smov.u32 s23  }
0x1bb: {  	v3 =	vld [tilespmem:s21+$0xA180];
	_ =	sdelay $0x4  }
0x1bc: {  	v2 =	vadd.f32 v2, v3;
	_ =	sdelay $0x1  }
0x1bd: {  	[tilespmem:s21+$0xA180] =	vst v2  }
0x1be: {  	[tilespmem:s19], [sflag:$0x1] =	stream.strided.gather [spmem:s9], $0x280, s17, s16, $0x38;
	[tilespmem:$0xF400] =	vst v63  }
0x1bf: {  	_ =	swait.ge [sflag:s13], $0x280  }
0x1c0: {  	[sflag:s13] =	ssyncset.done $0x0  }
0x1c1: {  	s21 =	simm.s32 $0x0;
	[sflag:s13] =	ssyncadd.s32 $0xFFFFFD80  }
0x1c2: {  	s22 =	simm.s32 $0x40;
	v2 =	vld [tilespmem:s21+$0x9F00]  }
.LBB2_58:
0x1c3: {  	p0 =	sne.s32 s22, $0x9C0;
	v3 =	vld [tilespmem:s21+$0xA180];
	_ =	sdelay $0x2  }
.Ltmp28:
0x1c4: {  	(pc) =	sbr.rel @p0 .LBB2_58-.Ltmp28, $4  }
0x1c5: {  	_ = 	snop  }
0x1c6: {  	v3 =	vadd.f32 v2, v3  }
0x1c7: {  	s23 =	sshra.s32 s22, $0x2  }
0x1c8: {  	s22 =	sadd.s32 $0x40, s22;
	v2 =	vld [tilespmem:s23+$0x9F00];
	[tilespmem:s21+$0xA180] =	vst v3;
	s21 =	smov.u32 s23  }
0x1c9: {  	v3 =	vld [tilespmem:s21+$0xA180];
	_ =	sdelay $0x4  }
0x1ca: {  	v2 =	vadd.f32 v2, v3;
	_ =	sdelay $0x1  }
0x1cb: {  	[tilespmem:s21+$0xA180] =	vst v2  }
0x1cc: {  	[tilespmem:s19], [sflag:$0x1] =	stream.strided.gather [spmem:s10], $0x280, s17, s16, $0x38;
	[tilespmem:$0xF400] =	vst v63  }
0x1cd: {  	_ =	swait.ge [sflag:s13], $0x280  }
0x1ce: {  	[sflag:s13] =	ssyncset.done $0x0  }
0x1cf: {  	s21 =	simm.s32 $0x0;
	[sflag:s13] =	ssyncadd.s32 $0xFFFFFD80  }
0x1d0: {  	s22 =	simm.s32 $0x40;
	v2 =	vld [tilespmem:s21+$0x9F00]  }
.LBB2_60:
0x1d1: {  	p0 =	sne.s32 s22, $0x9C0;
	v3 =	vld [tilespmem:s21+$0xA180];
	_ =	sdelay $0x2  }
.Ltmp29:
0x1d2: {  	(pc) =	sbr.rel @p0 .LBB2_60-.Ltmp29, $4  }
0x1d3: {  	_ = 	snop  }
0x1d4: {  	v3 =	vadd.f32 v2, v3  }
0x1d5: {  	s23 =	sshra.s32 s22, $0x2  }
0x1d6: {  	s22 =	sadd.s32 $0x40, s22;
	v2 =	vld [tilespmem:s23+$0x9F00];
	[tilespmem:s21+$0xA180] =	vst v3;
	s21 =	smov.u32 s23  }
0x1d7: {  	v3 =	vld [tilespmem:s21+$0xA180];
	_ =	sdelay $0x4  }
0x1d8: {  	v2 =	vadd.f32 v2, v3;
	_ =	sdelay $0x1  }
0x1d9: {  	[tilespmem:s21+$0xA180] =	vst v2  }
0x1da: {  	[tilespmem:s19], [sflag:$0x1] =	stream.strided.gather [spmem:s11], $0x280, s17, s16, $0x38;
	[tilespmem:$0xF400] =	vst v63  }
0x1db: {  	_ =	swait.ge [sflag:s13], $0x280  }
0x1dc: {  	[sflag:s13] =	ssyncset.done $0x0  }
0x1dd: {  	s21 =	simm.s32 $0x0;
	[sflag:s13] =	ssyncadd.s32 $0xFFFFFD80  }
0x1de: {  	s22 =	simm.s32 $0x40;
	v2 =	vld [tilespmem:s21+$0x9F00]  }
.LBB2_62:
0x1df: {  	p0 =	sne.s32 s22, $0x9C0;
	v3 =	vld [tilespmem:s21+$0xA180];
	_ =	sdelay $0x2  }
.Ltmp30:
0x1e0: {  	(pc) =	sbr.rel @p0 .LBB2_62-.Ltmp30, $4  }
0x1e1: {  	_ = 	snop  }
0x1e2: {  	v3 =	vadd.f32 v2, v3  }
0x1e3: {  	s23 =	sshra.s32 s22, $0x2  }
0x1e4: {  	s22 =	sadd.s32 $0x40, s22;
	v2 =	vld [tilespmem:s23+$0x9F00];
	[tilespmem:s21+$0xA180] =	vst v3;
	s21 =	smov.u32 s23  }
0x1e5: {  	v3 =	vld [tilespmem:s21+$0xA180];
	_ =	sdelay $0x4  }
0x1e6: {  	v2 =	vadd.f32 v2, v3;
	_ =	sdelay $0x1  }
0x1e7: {  	[tilespmem:s21+$0xA180] =	vst v2  }
0x1e8: {  	[tilespmem:s19], [sflag:$0x1] =	stream.strided.gather [spmem:s12], $0x280, s17, s16, $0x38;
	[tilespmem:$0xF400] =	vst v63  }
0x1e9: {  	_ =	swait.ge [sflag:s13], $0x280  }
0x1ea: {  	[sflag:s13] =	ssyncset.done $0x0  }
0x1eb: {  	s21 =	simm.s32 $0x0;
	[sflag:s13] =	ssyncadd.s32 $0xFFFFFD80  }
0x1ec: {  	s22 =	simm.s32 $0x40;
	v2 =	vld [tilespmem:s21+$0x9F00]  }
.LBB2_64:
0x1ed: {  	p0 =	sne.s32 s22, $0x9C0;
	v3 =	vld [tilespmem:s21+$0xA180];
	_ =	sdelay $0x2  }
.Ltmp31:
0x1ee: {  	(pc) =	sbr.rel @p0 .LBB2_64-.Ltmp31, $4  }
0x1ef: {  	_ = 	snop  }
0x1f0: {  	v3 =	vadd.f32 v2, v3  }
0x1f1: {  	s23 =	sshra.s32 s22, $0x2  }
0x1f2: {  	s22 =	sadd.s32 $0x40, s22;
	v2 =	vld [tilespmem:s23+$0x9F00];
	[tilespmem:s21+$0xA180] =	vst v3;
	s21 =	smov.u32 s23  }
0x1f3: {  	v3 =	vld [tilespmem:s21+$0xA180];
	_ =	sdelay $0x4  }
0x1f4: {  	s20 =	sadd.s32 $0x1, s20;
	v2 =	vadd.f32 v2, v3  }
0x1f5: {  	p0 =	sne.s32 s20, s25  }
.Ltmp32:
0x1f6: {  	[tilespmem:s21+$0xA180] =	vst v2;
	(pc) =	sbr.rel @p0 .LBB2_1-.Ltmp32, $4  }
0x1f7: {  	[hbm4b:s24+s16] =	stream.strided.scatter [tilespmem:s18], [sflag:$0x1], $0x280, s17, s16, $0x38;
	[tilespmem:$0xF400] =	vst v63  }
0x1f8: {  	_ =	swait.ge [sflag:s13], $0x280  }
0x1f9: {  	[sflag:s13] =	ssyncset.done $0x0  }
0x1fa: {  	[sflag:s13] =	ssyncadd.s32 $0xFFFFFD80  }
0x1fb: {  	_ =	sfence.sel $0x180000  }
0x1fc: {  	[bflag:$0x0] =	sbarrier.arrive $0xFFFF  }
0x1fd: {  	_ =	strace $0x90000047  }
0x1fe: {  	s0 =	stileid.u32;
	[bflag:$0x2] =	sbarrier.arrive $0xFFFF  }
0x1ff: {  	p0 =	sne.s32 s0, $0x0;
	s0 =	rddreg [dreg:$0x4]  }
0x200: {  	s0 =	sadd.s32 @!p0 $0x100000, s0  }
0x201: {  	[sflag:s0] =	ssyncadd.tile.s32 @!p0 $0x1;
	_ =	shalt  }
.Lfunc_end2:
_tile_overlayer_lowered:
.L_overlay_start_2:
0x202: {  	(tag) =	ssettag $0x2  }
0x203: {  	s0 =	rddreg [dreg:$0x0];
	s2 =	stileid.u32  }
0x204: {  	s1 =	rddreg [dreg:$0x1];
	p0 =	sne.s32 s2, $0x0  }
0x205: {  	s3 =	rddreg [dreg:$0x2];
	[bflag:$0x3] =	sbarrier.arrive $0xFFFF;
	s2 =	simm.s32 @!p0 $0x1C01  }
0x206: {  	[timem:s3], [sflag:s2] =	dma.local @!p0 [hbm:s0], s1  }
0x207: {  	s0 =	simm.s32 @!p0 $0x1  }
0x208: {  	_ =	swait.ge @!p0 [sflag:s0], s1  }
0x209: {  	s1 =	ssub.s32 @!p0 $0x0, s1;
	[sflag:s0] =	ssyncset.done @!p0 $0x0  }
0x20a: {  	[sflag:s0] =	ssyncadd.s32 @!p0 s1  }
0x20b: {  	[bflag:$0x3] =	sbarrier.arrive $0xFFFF  }
0x20c: {  	_ =	shalt  }

// kernel: kernel.9.cloned.1.call-start
scs
__scs_entry_jumppad:
0x0: {  	(pc) =	sbr.rel $0x88, $3  }
0x1: {  	(tag) =	ssettag $0x0;
	lr =	simm.s32 $0x1  }
0x2: {  	[smem:$0x3F9C] =	sst lr;
	_ =	strace $0xD0000000  }
0x3: {  	_ = 	snop  }
0x4: {  	_ = 	snop  }
0x5: {  	_ = 	snop  }
0x6: {  	_ = 	snop  }
0x7: {  	_ = 	snop  }
__scs_overlays_trampoline_lowered:
0x8: {  	[smem:$0x3FAB] =	sst s0  }
0x9: {  	[smem:$0x3FAC] =	sst s1  }
0xa: {  	[smem:$0x3FAD] =	sst s2  }
0xb: {  	[smem:$0x3FAE] =	sst s3  }
0xc: {  	[smem:$0x3FAF] =	sst s4  }
0xd: {  	[smem:$0x3FB0] =	sst s5  }
0xe: {  	[smem:$0x3FB1] =	sst s6  }
0xf: {  	[smem:$0x3FB2] =	sst s7  }
0x10: {  	[smem:$0x3FB3] =	sst s8  }
0x11: {  	[smem:$0x3FB4] =	sst s9;
	s0 =	simm.s32 @!p0 $0x0  }
0x12: {  	s1 =	sld [smem:$0x3F9A];
	s0 =	simm.s32 @p0 $0x1  }
0x13: {  	[smem:$0x3FB5] =	sst s0;
	s0 =	simm.s32 @!p1 $0x0  }
0x14: {  	s2 =	sld [smem:$0x3F99];
	s0 =	simm.s32 @p1 $0x1  }
0x15: {  	[smem:$0x3FB6] =	sst s0;
	s0 =	simm.s32 @!p2 $0x0  }
0x16: {  	s3 =	sld [smem:$0x3FDB];
	s0 =	simm.s32 @p2 $0x1  }
0x17: {  	s4 =	simm.s32 $0x1BF5;
	[smem:$0x3FB8] =	sst s0  }
0x18: {  	s0 =	sld [smem:$0x3F9B];
	_ =	swait.ge [sflag:s4], $0x0  }
0x19: {  	s7 =	sld [smem:$0x3F9C]  }
0x1a: {  	s8 =	sadd.s32 $0xFFFFE003, lr  }
0x1b: {  	s9 =	sadd.s32 $0xFFFFFEF7, lr;
	s5 =	simm.s32 $0xFFFFFFFF;
	p2 =	slt.u32 s8, $0xFFFFF086  }
0x1c: {  	p1 =	slt.u32 s9, $0xF7A;
	s5 =	simm.s32 @!p2 $0x0  }
0x1d: {  	s5 =	simm.s32 @p1 $0x1;
	p0 =	seq.s32 s7, s2  }
0x1e: {  	s7 =	smul.u32 @!p0 $0xF7A, s2;
	p2 =	seq.s32 @!p0 s5, $0x0  }
0x1f: {  	s9 =	smul.u32 $0xF7A, s1;
	s8 =	simm.s32 @!p0 $0x1BF5;
	p2 =	por !p2, p0  }
0x20: {  	[sflag:s8] =	ssyncset.s32 @!p0 $0xFFFFF086;
	s6 =	sadd.s32 @!p0 s3, s7;
	s7 =	simm.s32 @!p0 $0x108  }
0x21: {  	s3 =	sadd.s32 s3, s9;
	s6 =	sadd.s32 @!p0 $0x88, s6;
	s7 =	simm.s32 @p2 $0x1082  }
0x22: {  	[simem:s7], [sflag:s8] =	dma.local @!p0 [hbm:s6], $0xF7A  }
0x23: {  	s9 =	sor.u32 $0xD0000000, s2;
	s6 =	simm.s32 $0x108;
	_ =	swait.ge @!p0 [sflag:s8], $0x0  }
0x24: {  	s3 =	sadd.s32 $0x88, s3;
	s6 =	simm.s32 @!p1 $0x1082;
	[sflag:s4] =	ssyncset.s32 $0xFFFFF086  }
0x25: {  	[simem:s6], [sflag:s4] =	dma.local [hbm:s3], $0xF7A  }
0x26: {  	[smem:$0x3F9C] =	sst s1;
	(tag) =	ssettag s2;
	_ =	strace s9  }
0x27: {  	s1 =	sld [smem:$0x3FAC]  }
0x28: {  	s2 =	sld [smem:$0x3FAD]  }
0x29: {  	s4 =	sld [smem:$0x3FAF]  }
0x2a: {  	p0 =	seq.s32 s5, $0x0;
	s5 =	sld [smem:$0x3FB0]  }
0x2b: {  	s6 =	sld [smem:$0x3FB1]  }
0x2c: {  	s7 =	sld [smem:$0x3FB2]  }
0x2d: {  	s3 =	simm.s32 $0x108;
	s8 =	sld [smem:$0x3FB3]  }
0x2e: {  	s3 =	simm.s32 @!p0 $0x1082;
	s9 =	sld [smem:$0x3FB4]  }
0x2f: {  	lr =	sadd.s32 s0, s3;
	s0 =	sld [smem:$0x3FAB]  }
0x30: {  	s3 =	sld [smem:$0x3FAE]  }
0x31: {  	[smem:$0x3FB7] =	sst s10  }
0x32: {  	s10 =	sld [smem:$0x3FB5];
	_ =	sdelay $0x3  }
0x33: {  	p0 =	seq.s32 s10, $0x1;
	s10 =	sld [smem:$0x3FB7];
	_ =	sdelay $0x3  }
0x34: {  	[smem:$0x3FB7] =	sst s10  }
0x35: {  	s10 =	sld [smem:$0x3FB6];
	_ =	sdelay $0x3  }
0x36: {  	p1 =	seq.s32 s10, $0x1;
	s10 =	sld [smem:$0x3FB7];
	_ =	sdelay $0x3  }
0x37: {  	[smem:$0x3FB7] =	sst s10  }
0x38: {  	s10 =	sld [smem:$0x3FB8]  }
0x39: {  	_ = 	snop;
	(pc) =	sbr.ind lr, $3  }
0x3a: {  	_ = 	snop  }
0x3b: {  	_ = 	snop  }
0x3c: {  	p2 =	seq.s32 s10, $0x1;
	s10 =	sld [smem:$0x3FB7]  }
0x3d: {  	_ =	shalt  }
0x3e: {  	_ =	shalt  }
0x3f: {  	_ =	shalt  }
0x40: {  	_ =	shalt  }
0x41: {  	_ =	shalt  }
0x42: {  	_ =	shalt  }
0x43: {  	_ =	shalt  }
0x44: {  	_ =	shalt  }
0x45: {  	_ =	shalt  }
0x46: {  	_ =	shalt  }
0x47: {  	_ =	shalt  }
0x48: {  	_ =	shalt  }
0x49: {  	_ =	shalt  }
0x4a: {  	_ =	shalt  }
0x4b: {  	_ =	shalt  }
0x4c: {  	_ =	shalt  }
0x4d: {  	_ =	shalt  }
0x4e: {  	_ =	shalt  }
0x4f: {  	_ =	shalt  }
0x50: {  	_ =	shalt  }
0x51: {  	_ =	shalt  }
0x52: {  	_ =	shalt  }
0x53: {  	_ =	shalt  }
0x54: {  	_ =	shalt  }
0x55: {  	_ =	shalt  }
0x56: {  	_ =	shalt  }
0x57: {  	_ =	shalt  }
0x58: {  	_ =	shalt  }
0x59: {  	_ =	shalt  }
0x5a: {  	_ =	shalt  }
0x5b: {  	_ =	shalt  }
0x5c: {  	_ =	shalt  }
0x5d: {  	_ =	shalt  }
0x5e: {  	_ =	shalt  }
0x5f: {  	_ =	shalt  }
0x60: {  	_ =	shalt  }
0x61: {  	_ =	shalt  }
0x62: {  	_ =	shalt  }
0x63: {  	_ =	shalt  }
0x64: {  	_ =	shalt  }
0x65: {  	_ =	shalt  }
0x66: {  	_ =	shalt  }
0x67: {  	_ =	shalt  }
0x68: {  	_ =	shalt  }
0x69: {  	_ =	shalt  }
0x6a: {  	_ =	shalt  }
0x6b: {  	_ =	shalt  }
0x6c: {  	_ =	shalt  }
0x6d: {  	_ =	shalt  }
0x6e: {  	_ =	shalt  }
0x6f: {  	_ =	shalt  }
0x70: {  	_ =	shalt  }
0x71: {  	_ =	shalt  }
0x72: {  	_ =	shalt  }
0x73: {  	_ =	shalt  }
0x74: {  	_ =	shalt  }
0x75: {  	_ =	shalt  }
0x76: {  	_ =	shalt  }
0x77: {  	_ =	shalt  }
0x78: {  	_ =	shalt  }
0x79: {  	_ =	shalt  }
0x7a: {  	_ =	shalt  }
0x7b: {  	_ =	shalt  }
0x7c: {  	_ =	shalt  }
0x7d: {  	_ =	shalt  }
0x7e: {  	_ =	shalt  }
0x7f: {  	_ =	shalt  }
0x80: {  	_ =	shalt  }
0x81: {  	_ =	shalt  }
0x82: {  	_ =	shalt  }
0x83: {  	_ =	shalt  }
0x84: {  	_ =	shalt  }
0x85: {  	_ =	shalt  }
0x86: {  	_ =	shalt  }
0x87: {  	_ =	shalt  }
.Lfunc_end0:
.L_simem_size_0:
called_computation.1_lowered:
.L_overlay_start_0:
0x88: {  	s2 =	sld [smem:$0x3FD9]  }
0x89: {  	s3 =	sld [smem:$0x3FFE];
	_ =	sdelay $0x1  }
0x8a: {  	s1 =	srdreg.scid  }
0x8b: {  	s0 =	sand.u32 $0x1, s1  }
0x8c: {  	s17 =	sshll.u32 s0, $0xA;
	s2 =	sadd.s32 s3, s2  }
0x8d: {  	s2 =	sadd.s32 s2, s17  }
0x8e: {  	[smem:$0x3FC3] =	sst s2  }
0x8f: {  	_ = 	snop  }
0x90: {  	s2 =	sld [smem:$0x3FD0];
	(tm) =	ssettm $0x1  }
0x91: {  	s18 =	sld [smem:$0x3FFB];
	_ =	sdelay $0x3  }
0x92: {  	_ =	strace s18  }
0x93: {  	s3 =	sld [smem:$0x3FFC];
	_ =	sdelay $0x3  }
0x94: {  	_ =	strace s3  }
0x95: {  	s3 =	sld [smem:$0x3FFD];
	_ =	sdelay $0x3  }
0x96: {  	_ =	strace s3  }
0x97: {  	_ =	strace $0x8FFFFFFF  }
0x98: {  	s19 =	sld [smem:$0x3FDB];
	_ =	sdelay $0x1  }
0x99: {  	s4 =	simm.s32 $_scs_section_size  }
0x9a: {  	s5 =	simm.s32 $_size__tile_overlayer_lowered;
	s6 =	simm.s32 $_tile_overlayer_lowered  }
0x9b: {  	s22 =	simm.s32 $0x1BFF;
	s21 =	sshll.u32 s6, $0x1;
	s3 =	sadd.s32 s4, s19  }
0x9c: {  	s7 =	simm.s32 $0x0;
	s20 =	sshll.u32 s5, $0x1;
	s5 =	sadd.s32 s21, s3  }
0x9d: {  	[timem:s7], [sflag:s22] =	dma.local [hbm:s5], s20  }
0x9e: {  	_ =	swait.ge [sflag:s22], s20  }
0x9f: {  	s4 =	ssub.s32 $0x0, s20;
	[sflag:s22] =	ssyncset.done $0x0  }
0xa0: {  	[sflag:s22] =	ssyncadd.s32 s4;
	_ =	sdelay $0x1  }
0xa1: {  	s23 =	simm.s32 $0x1B8B  }
0xa2: {  	_ =	swait.ge [sflag:s23], $0x1  }
0xa3: {  	[sflag:s23] =	ssyncset.done $0x0  }
0xa4: {  	s25 =	simm.s32 $0x1B8E;
	s24 =	sld [smem:$0x3FFE];
	[sflag:s23] =	ssyncadd.s32 $0xFFFFFFFF  }
0xa5: {  	s26 =	simm.s32 $execute0_lowered;
	[smem:$0x3FD2] =	sst s25  }
0xa6: {  	s5 =	sshll.u32 s26, $0x1;
	_ =	strace $0x80000049;
	[dreg:$0x1] =	wrdreg $0xFFFFFFFF  }
0xa7: {  	s28 =	simm.s32 $_size_execute0_lowered;
	s3 =	sadd.s32 s3, s5;
	[dreg:$0x0] =	wrdreg $0x0  }
0xa8: {  	s5 =	sshll.u32 s28, $0x1;
	[dreg:$0x2] =	wrdreg s3  }
0xa9: {  	[dreg:$0x3] =	wrdreg s5  }
0xaa: {  	[dreg:$0x4] =	wrdreg $0xC0  }
0xab: {  	_ =	task [dreg:s7], $0x5FFFF  }
0xac: {  	[dreg:$0x1] =	wrdreg $0xFFFFFFFF  }
0xad: {  	[dreg:$0x0] =	wrdreg $0x60  }
0xae: {  	[dreg:$0x2] =	wrdreg s24  }
0xaf: {  	[dreg:$0x3] =	wrdreg s2  }
0xb0: {  	[dreg:$0x4] =	wrdreg $0xA8000  }
0xb1: {  	[dreg:$0x5] =	wrdreg $0x9  }
0xb2: {  	_ =	task.clear_ibuf [dreg:s7], $0x6FFFF;
	_ =	strace $0x90000049  }
0xb3: {  	s29 =	simm.s32 $0x9;
	_ =	strace $0x8000004B  }
0xb4: {  	_ =	swait.ge [sflag:s29], $0x1  }
0xb5: {  	[sflag:s29] =	ssyncadd.s32 $0xFFFFFFFF  }
0xb6: {  	_ =	strace $0x9000004B  }
0xb7: {  	_ =	sfence  }
0xb8: {  	s30 =	sld [smem:$0x0];
	_ =	sdelay $0x2  }
0xb9: {  	s31 =	sshll.u32 s1, $0xD;
	s1 =	sshrl.u32 s1, $0x2  }
0xba: {  	s3 =	sand.u32 $0x4000, s31;
	s1 =	sadd.s32 s1, s30  }
0xbb: {  	s0 =	sor.u32 s3, s0;
	s1 =	sshll.u32 s1, $0x11  }
0xbc: {  	s0 =	sor.u32 s1, s0  }
0xbd: {  	s0 =	sadd.s32 $0x8F2B, s0  }
0xbe: {  	[sflag:s0] =	ssyncadd.remote.s32 $0x1  }
0xbf: {  	_ =	sfence.sel $0xFFFF  }
0xc0: {  	[dreg:$0x0] =	wrdreg $0xFFFFFFFF;
	(pc) =	sbr.abs _section_cstart, $3  }
0xc1: {  	[dreg:$0x1] =	wrdreg $0xFFFFFFFF  }
0xc2: {  	_ =	task.clear_ibuf [dreg:s7], $0x2FFFF;
	_ =	strace $0x9FFFFFFF  }
0xc3: {  	(tm) =	ssettm $0x7FFFFFFF  }
tec
execute0_lowered:
.L_overlay_start_1:
0x0: {  	(tag) =	ssettag $0x1  }
0x1: {  	s4 =	rddreg [dreg:$0x0]  }
0x2: {  	s12 =	rddreg [dreg:$0x1];
	s0 =	srdreg.scid  }
0x3: {  	s1 =	rddreg [dreg:$0x2];
	s3 =	simm.s32 $0x0;
	s2 =	stileid.u32  }
0x4: {  	s17 =	simm.s32 $0x3;
	s18 =	simm.s32 $0x1400;
	s19 =	simm.s32 $0x80  }
0x5: {  	s20 =	simm.s32 $0x1;
	s21 =	simm.s32 $0x6800;
	s22 =	simm.s32 $0x2  }
0x6: {  	s23 =	simm.s32 $0x1380;
	s24 =	simm.s32 $0x2700;
	s8 =	smul.u32 $0x14000, s2  }
0x7: {  	s25 =	simm.s32 $0x2780;
	s5 =	sand.u32 $0x1, s0;
	s31 =	smul.u32 $0x50000, s2  }
0x8: {  	s26 =	simm.s32 $0x0;
	s0 =	rddreg [dreg:$0x3];
	s6 =	smul.u32 $0x27100, s5  }
0x9: {  	[smem:$0x7FF] =	sst s3;
	s13 =	sadd.s32 $0x2800, s4;
	s7 =	smul.u32 $0x140000, s5  }
0xa: {  	_ =	strace $0x8000004A;
	s30 =	sshll.u32 s5, $0x4;
	s5 =	ssub.s32 $0x2, s5  }
0xb: {  	s9 =	sshrl.u32 s5, $0x1;
	s11 =	sadd.s32 s6, s4;
	s29 =	sadd.s32 s8, s7  }
0xc: {  	s7 =	sor.u32 s2, s30;
	s8 =	sshrl.u32 s31, $0x2;
	s15 =	ssub.s32 s5, s9  }
0xd: {  	s6 =	sshrl.u32 s29, $0x3;
	s7 =	smul.u32 $0x2800, s7;
	s11 =	sadd.s32 $0xC800, s11  }
0xe: {  	s15 =	smax.u32 s15, $0x1;
	s14 =	sadd.s32 s6, s4;
	s4 =	sadd.s32 s8, s1  }
0xf: {  	s5 =	sadd.s32 $0x4000, s4;
	s6 =	sadd.s32 $0x8000, s4;
	s16 =	sshrl.u32 s7, $0x3  }
0x10: {  	s7 =	sadd.s32 $0xC000, s4;
	s8 =	sadd.s32 $0x10000, s4;
	s14 =	sadd.s32 $0x5AA00, s14  }
0x11: {  	s9 =	sadd.s32 s12, s16;
	s10 =	sadd.s32 s13, s16;
	s16 =	sadd.s32 $0x280, s16  }
0x12: {  	v0 =	vimm.f32 $0.0e+00;
	s12 =	sadd.s32 s12, s16;
	s13 =	sadd.s32 s13, s16;
	s16 =	simm.s32 $0x2800  }
.LBB2_1:
0x13: {  	s28 =	sand.u32 $0xFE00, s3  }
0x14: {  	s29 =	sand.u32 $0x70, s3;
	s30 =	sshrl.u32 s28, $0x2  }
0x15: {  	s28 =	simm.s32 $0x40;
	s30 =	sor.u32 s29, s30;
	s29 =	simm.s32 $0x0  }
.LBB2_2:
0x16: {  	p0 =	sne.s32 s28, $0xFFC0  }
0x17: {  	[tilespmem:s30+$0x2800] =	vst v0;
	s29 =	sadd.s32 $0x10, s29;
	s30 =	smov.u32 s28;
	s28 =	sadd.s32 $0x40, s28  }
.Ltmp0:
0x18: {  	(pc) =	sbr.rel @p0 .LBB2_2-.Ltmp0, $4  }
0x19: {  	_ = 	snop  }
0x1a: {  	s30 =	sand.u32 $0xFE00, s30  }
0x1b: {  	s31 =	sand.u32 $0x70, s29;
	s30 =	sshrl.u32 s30, $0x2  }
0x1c: {  	s30 =	sor.u32 s31, s30  }
0x1d: {  	[tilespmem:s30+$0x2800] =	vst v0  }
0x1e: {  	[spmem:s4] =	stream.linear.scatter [tilespmem:s16], [sflag:$0x3], $0x4000, $0x38;
	[tilespmem:$0x1E800] =	vst v63  }
0x1f: {  	_ =	swait.ge [sflag:s17], $0x4000  }
0x20: {  	[sflag:s17] =	ssyncset.done $0x0  }
0x21: {  	[sflag:s17] =	ssyncadd.s32 $0xFFFFC000  }
0x22: {  	[spmem:s5] =	stream.linear.scatter [tilespmem:s16], [sflag:$0x3], $0x4000, $0x38;
	[tilespmem:$0x1E800] =	vst v63  }
0x23: {  	_ =	swait.ge [sflag:s17], $0x4000  }
0x24: {  	[sflag:s17] =	ssyncset.done $0x0  }
0x25: {  	[sflag:s17] =	ssyncadd.s32 $0xFFFFC000  }
0x26: {  	[spmem:s6] =	stream.linear.scatter [tilespmem:s16], [sflag:$0x3], $0x4000, $0x38;
	[tilespmem:$0x1E800] =	vst v63  }
0x27: {  	_ =	swait.ge [sflag:s17], $0x4000  }
0x28: {  	[sflag:s17] =	ssyncset.done $0x0  }
0x29: {  	[sflag:s17] =	ssyncadd.s32 $0xFFFFC000  }
0x2a: {  	[spmem:s7] =	stream.linear.scatter [tilespmem:s16], [sflag:$0x3], $0x4000, $0x38;
	[tilespmem:$0x1E800] =	vst v63  }
0x2b: {  	_ =	swait.ge [sflag:s17], $0x4000  }
0x2c: {  	[sflag:s17] =	ssyncset.done $0x0  }
0x2d: {  	[sflag:s17] =	ssyncadd.s32 $0xFFFFC000  }
0x2e: {  	[spmem:s8] =	stream.linear.scatter [tilespmem:s16], [sflag:$0x3], $0x4000, $0x38;
	[tilespmem:$0x1E800] =	vst v63  }
0x2f: {  	_ =	swait.ge [sflag:s17], $0x4000  }
0x30: {  	[sflag:s17] =	ssyncset.done $0x0  }
0x31: {  	[sflag:s17] =	ssyncadd.s32 $0xFFFFC000  }
0x32: {  	s28 =	simm.s32 $0x0;
	[bflag:$0x0] =	sbarrier.arrive $0xFFFF  }
0x33: {  	[tilespmem:s28], [sflag:$0x3] =	stream.linear.gather [hbm4b:s9+s28], $0x1400, $0x38;
	[tilespmem:$0x1E800] =	vst v63  }
0x34: {  	_ =	swait.ge [sflag:s17], $0x1400  }
0x35: {  	[sflag:s17] =	ssyncset.done $0x0  }
0x36: {  	[sflag:s17] =	ssyncadd.s32 $0xFFFFEC00  }
0x37: {  	[tilespmem:s18], [sflag:$0x3] =	stream.linear.gather [hbm4b:s10+s28], $0x1400, $0x38;
	[tilespmem:$0x1E800] =	vst v63  }
0x38: {  	_ =	swait.ge [sflag:s17], $0x1400  }
0x39: {  	[sflag:s17] =	ssyncset.done $0x0  }
0x3a: {  	[sflag:s17] =	ssyncadd.s32 $0xFFFFEC00  }
0x3b: {  	[tilespmem:s16], [sflag:$0x1] =	stream.indirect.gather [hbm4b:s11+s19], $0x80, s28, s19, $0xb8;
	[tilespmem:$0x1E800] =	vst v63  }
0x3c: {  	_ =	swait.ge [sflag:s20], $0x4000  }
0x3d: {  	[sflag:s20] =	ssyncset.done $0x0  }
0x3e: {  	s28 =	simm.s32 $0x80;
	[sflag:s20] =	ssyncadd.s32 $0xFFFFC000  }
0x3f: {  	[tilespmem:s21], [sflag:$0x2] =	stream.indirect.gather [hbm4b:s11+s19], $0x80, s28, s19, $0xb8;
	[tilespmem:$0x1E800] =	vst v63  }
0x40: {  	s28 =	simm.s32 $0x1400  }
0x41: {  	[spmem:s1] =	stream.indirect.scatter.add.f32 [tilespmem:s16], [sflag:$0x3], $0x80, s28, s19, $0xb8;
	[tilespmem:$0x1E800] =	vst v63  }
0x42: {  	_ =	swait.ge [sflag:s17], $0x4000  }
0x43: {  	[sflag:s17] =	ssyncset.done $0x0  }
0x44: {  	[sflag:s17] =	ssyncadd.s32 $0xFFFFC000  }
0x45: {  	_ =	swait.ge [sflag:s22], $0x4000  }
0x46: {  	[sflag:s22] =	ssyncset.done $0x0  }
0x47: {  	s28 =	simm.s32 $0x100;
	[sflag:s22] =	ssyncadd.s32 $0xFFFFC000  }
0x48: {  	[tilespmem:s16], [sflag:$0x1] =	stream.indirect.gather [hbm4b:s11+s19], $0x80, s28, s19, $0xb8;
	[tilespmem:$0x1E800] =	vst v63  }
0x49: {  	s28 =	simm.s32 $0x1480  }
0x4a: {  	[spmem:s1] =	stream.indirect.scatter.add.f32 [tilespmem:s21], [sflag:$0x3], $0x80, s28, s19, $0xb8;
	[tilespmem:$0x1E800] =	vst v63  }
0x4b: {  	_ =	swait.ge [sflag:s17], $0x4000  }
0x4c: {  	s28 =	simm.s32 $0x400;
	[sflag:s17] =	ssyncset.done $0x0  }
.LBB2_4:
0x4d: {  	p0 =	sne.s32 s28, $0x4800  }
0x4e: {  	[sflag:s17] =	ssyncadd.s32 $0xFFFFC000;
	s29 =	smov.u32 s28;
	s28 =	sadd.s32 $0x400, s28  }
0x4f: {  	_ = 	snop  }
0x50: {  	_ =	swait.ge [sflag:s20], $0x4000  }
0x51: {  	s29 =	sshra.s32 s29, $0x2;
	[sflag:s20] =	ssyncset.done $0x0  }
0x52: {  	s30 =	sadd.s32 $0x80, s29;
	[sflag:s20] =	ssyncadd.s32 $0xFFFFC000  }
0x53: {  	[tilespmem:s21], [sflag:$0x2] =	stream.indirect.gather [hbm4b:s11+s19], $0x80, s30, s19, $0xb8;
	[tilespmem:$0x1E800] =	vst v63  }
0x54: {  	s30 =	sadd.s32 $0x1400, s29  }
0x55: {  	[spmem:s1] =	stream.indirect.scatter.add.f32 [tilespmem:s16], [sflag:$0x3], $0x80, s30, s19, $0xb8;
	[tilespmem:$0x1E800] =	vst v63  }
0x56: {  	_ =	swait.ge [sflag:s17], $0x4000  }
0x57: {  	[sflag:s17] =	ssyncset.done $0x0  }
0x58: {  	[sflag:s17] =	ssyncadd.s32 $0xFFFFC000  }
0x59: {  	_ =	swait.ge [sflag:s22], $0x4000  }
0x5a: {  	[sflag:s22] =	ssyncset.done $0x0  }
0x5b: {  	s30 =	sadd.s32 $0x100, s29;
	[sflag:s22] =	ssyncadd.s32 $0xFFFFC000  }
0x5c: {  	[tilespmem:s16], [sflag:$0x1] =	stream.indirect.gather [hbm4b:s11+s19], $0x80, s30, s19, $0xb8;
	[tilespmem:$0x1E800] =	vst v63  }
.Ltmp1:
0x5d: {  	_ = 	snop;
	(pc) =	sbr.rel @p0 .LBB2_4-.Ltmp1, $4  }
0x5e: {  	s29 =	sadd.s32 $0x1480, s29  }
0x5f: {  	[spmem:s1] =	stream.indirect.scatter.add.f32 [tilespmem:s21], [sflag:$0x3], $0x80, s29, s19, $0xb8;
	[tilespmem:$0x1E800] =	vst v63  }
0x60: {  	_ =	swait.ge [sflag:s17], $0x4000  }
0x61: {  	[sflag:s17] =	ssyncset.done $0x0  }
0x62: {  	[sflag:s17] =	ssyncadd.s32 $0xFFFFC000  }
0x63: {  	_ =	swait.ge [sflag:s20], $0x4000  }
0x64: {  	[sflag:s20] =	ssyncset.done $0x0  }
0x65: {  	[sflag:s20] =	ssyncadd.s32 $0xFFFFC000  }
0x66: {  	[tilespmem:s21], [sflag:$0x2] =	stream.indirect.gather [hbm4b:s11+s19], $0x80, s23, s19, $0xb8;
	[tilespmem:$0x1E800] =	vst v63  }
0x67: {  	_ = 	snop  }
0x68: {  	[spmem:s1] =	stream.indirect.scatter.add.f32 [tilespmem:s16], [sflag:$0x3], $0x80, s24, s19, $0xb8;
	[tilespmem:$0x1E800] =	vst v63  }
0x69: {  	_ =	swait.ge [sflag:s17], $0x4000  }
0x6a: {  	[sflag:s17] =	ssyncset.done $0x0  }
0x6b: {  	[sflag:s17] =	ssyncadd.s32 $0xFFFFC000  }
0x6c: {  	_ =	swait.ge [sflag:s22], $0x4000  }
0x6d: {  	[sflag:s22] =	ssyncset.done $0x0  }
0x6e: {  	[sflag:s22] =	ssyncadd.s32 $0xFFFFC000  }
0x6f: {  	[spmem:s1] =	stream.indirect.scatter.add.f32 [tilespmem:s21], [sflag:$0x3], $0x80, s25, s19, $0xb8;
	[tilespmem:$0x1E800] =	vst v63  }
0x70: {  	_ =	swait.ge [sflag:s17], $0x4000  }
0x71: {  	[sflag:s17] =	ssyncset.done $0x0  }
0x72: {  	s28 =	simm.s32 $0x0;
	[sflag:s17] =	ssyncadd.s32 $0xFFFFC000  }
0x73: {  	[tilespmem:s28], [sflag:$0x3] =	stream.linear.gather [hbm4b:s12+s28], $0x1400, $0x38;
	[tilespmem:$0x1E800] =	vst v63  }
0x74: {  	_ =	swait.ge [sflag:s17], $0x1400  }
0x75: {  	[sflag:s17] =	ssyncset.done $0x0  }
0x76: {  	[sflag:s17] =	ssyncadd.s32 $0xFFFFEC00  }
0x77: {  	[tilespmem:s18], [sflag:$0x3] =	stream.linear.gather [hbm4b:s13+s28], $0x1400, $0x38;
	[tilespmem:$0x1E800] =	vst v63  }
0x78: {  	_ =	swait.ge [sflag:s17], $0x1400  }
0x79: {  	[sflag:s17] =	ssyncset.done $0x0  }
0x7a: {  	[sflag:s17] =	ssyncadd.s32 $0xFFFFEC00  }
0x7b: {  	[tilespmem:s16], [sflag:$0x1] =	stream.indirect.gather [hbm4b:s11+s19], $0x80, s28, s19, $0xb8;
	[tilespmem:$0x1E800] =	vst v63  }
0x7c: {  	_ =	swait.ge [sflag:s20], $0x4000  }
0x7d: {  	[sflag:s20] =	ssyncset.done $0x0  }
0x7e: {  	s28 =	simm.s32 $0x80;
	[sflag:s20] =	ssyncadd.s32 $0xFFFFC000  }
0x7f: {  	[tilespmem:s21], [sflag:$0x2] =	stream.indirect.gather [hbm4b:s11+s19], $0x80, s28, s19, $0xb8;
	[tilespmem:$0x1E800] =	vst v63  }
0x80: {  	s28 =	simm.s32 $0x1400  }
0x81: {  	[spmem:s1] =	stream.indirect.scatter.add.f32 [tilespmem:s16], [sflag:$0x3], $0x80, s28, s19, $0xb8;
	[tilespmem:$0x1E800] =	vst v63  }
0x82: {  	_ =	swait.ge [sflag:s17], $0x4000  }
0x83: {  	[sflag:s17] =	ssyncset.done $0x0  }
0x84: {  	[sflag:s17] =	ssyncadd.s32 $0xFFFFC000  }
0x85: {  	_ =	swait.ge [sflag:s22], $0x4000  }
0x86: {  	[sflag:s22] =	ssyncset.done $0x0  }
0x87: {  	s28 =	simm.s32 $0x100;
	[sflag:s22] =	ssyncadd.s32 $0xFFFFC000  }
0x88: {  	[tilespmem:s16], [sflag:$0x1] =	stream.indirect.gather [hbm4b:s11+s19], $0x80, s28, s19, $0xb8;
	[tilespmem:$0x1E800] =	vst v63  }
0x89: {  	s28 =	simm.s32 $0x1480  }
0x8a: {  	[spmem:s1] =	stream.indirect.scatter.add.f32 [tilespmem:s21], [sflag:$0x3], $0x80, s28, s19, $0xb8;
	[tilespmem:$0x1E800] =	vst v63  }
0x8b: {  	_ =	swait.ge [sflag:s17], $0x4000  }
0x8c: {  	s28 =	simm.s32 $0x400;
	[sflag:s17] =	ssyncset.done $0x0  }
.LBB2_6:
0x8d: {  	p0 =	sne.s32 s28, $0x4800  }
0x8e: {  	[sflag:s17] =	ssyncadd.s32 $0xFFFFC000;
	s29 =	smov.u32 s28;
	s28 =	sadd.s32 $0x400, s28  }
0x8f: {  	_ = 	snop  }
0x90: {  	_ =	swait.ge [sflag:s20], $0x4000  }
0x91: {  	s29 =	sshra.s32 s29, $0x2;
	[sflag:s20] =	ssyncset.done $0x0  }
0x92: {  	s30 =	sadd.s32 $0x80, s29;
	[sflag:s20] =	ssyncadd.s32 $0xFFFFC000  }
0x93: {  	[tilespmem:s21], [sflag:$0x2] =	stream.indirect.gather [hbm4b:s11+s19], $0x80, s30, s19, $0xb8;
	[tilespmem:$0x1E800] =	vst v63  }
0x94: {  	s30 =	sadd.s32 $0x1400, s29  }
0x95: {  	[spmem:s1] =	stream.indirect.scatter.add.f32 [tilespmem:s16], [sflag:$0x3], $0x80, s30, s19, $0xb8;
	[tilespmem:$0x1E800] =	vst v63  }
0x96: {  	_ =	swait.ge [sflag:s17], $0x4000  }
0x97: {  	[sflag:s17] =	ssyncset.done $0x0  }
0x98: {  	[sflag:s17] =	ssyncadd.s32 $0xFFFFC000  }
0x99: {  	_ =	swait.ge [sflag:s22], $0x4000  }
0x9a: {  	[sflag:s22] =	ssyncset.done $0x0  }
0x9b: {  	s30 =	sadd.s32 $0x100, s29;
	[sflag:s22] =	ssyncadd.s32 $0xFFFFC000  }
0x9c: {  	[tilespmem:s16], [sflag:$0x1] =	stream.indirect.gather [hbm4b:s11+s19], $0x80, s30, s19, $0xb8;
	[tilespmem:$0x1E800] =	vst v63  }
.Ltmp2:
0x9d: {  	_ = 	snop;
	(pc) =	sbr.rel @p0 .LBB2_6-.Ltmp2, $4  }
0x9e: {  	s29 =	sadd.s32 $0x1480, s29  }
0x9f: {  	[spmem:s1] =	stream.indirect.scatter.add.f32 [tilespmem:s21], [sflag:$0x3], $0x80, s29, s19, $0xb8;
	[tilespmem:$0x1E800] =	vst v63  }
0xa0: {  	_ =	swait.ge [sflag:s17], $0x4000  }
0xa1: {  	[sflag:s17] =	ssyncset.done $0x0  }
0xa2: {  	[sflag:s17] =	ssyncadd.s32 $0xFFFFC000  }
0xa3: {  	_ =	swait.ge [sflag:s20], $0x4000  }
0xa4: {  	[sflag:s20] =	ssyncset.done $0x0  }
0xa5: {  	[sflag:s20] =	ssyncadd.s32 $0xFFFFC000  }
0xa6: {  	[tilespmem:s21], [sflag:$0x2] =	stream.indirect.gather [hbm4b:s11+s19], $0x80, s23, s19, $0xb8;
	[tilespmem:$0x1E800] =	vst v63  }
0xa7: {  	_ = 	snop  }
0xa8: {  	[spmem:s1] =	stream.indirect.scatter.add.f32 [tilespmem:s16], [sflag:$0x3], $0x80, s24, s19, $0xb8;
	[tilespmem:$0x1E800] =	vst v63  }
0xa9: {  	_ =	swait.ge [sflag:s17], $0x4000  }
0xaa: {  	[sflag:s17] =	ssyncset.done $0x0  }
0xab: {  	[sflag:s17] =	ssyncadd.s32 $0xFFFFC000  }
0xac: {  	_ =	swait.ge [sflag:s22], $0x4000  }
0xad: {  	[sflag:s22] =	ssyncset.done $0x0  }
0xae: {  	[sflag:s22] =	ssyncadd.s32 $0xFFFFC000  }
0xaf: {  	[spmem:s1] =	stream.indirect.scatter.add.f32 [tilespmem:s21], [sflag:$0x3], $0x80, s25, s19, $0xb8;
	[tilespmem:$0x1E800] =	vst v63  }
0xb0: {  	_ =	swait.ge [sflag:s17], $0x4000  }
0xb1: {  	s28 =	sshll.u32 s2, $0x6;
	s26 =	sadd.s32 $0x1, s26;
	[sflag:s17] =	ssyncset.done $0x0  }
0xb2: {  	s29 =	sshrl.u32 s4, $0x3;
	p0 =	sne.s32 s26, s15;
	[sflag:s17] =	ssyncadd.s32 $0xFFFFC000  }
.Ltmp3:
0xb3: {  	s28 =	sor.u32 $0x1C03, s28;
	[bflag:$0x0] =	sbarrier.arrive $0xFFFF;
	(pc) =	sbr.rel @p0 .LBB2_1-.Ltmp3, $4  }
0xb4: {  	[hbm:s14], [sflag:s28] =	dma.local [spmem:s29], $0x2800  }
0xb5: {  	_ =	swait.ge [sflag:s17], $0x2800  }
0xb6: {  	[sflag:s17] =	ssyncset.done $0x0  }
0xb7: {  	[sflag:s17] =	ssyncadd.s32 $0xFFFFD800  }
0xb8: {  	_ =	sfence.sel $0x180000  }
0xb9: {  	[bflag:$0x0] =	sbarrier.arrive $0xFFFF  }
0xba: {  	p0 =	sne.s32 s2, $0x0;
	_ =	strace $0x9000004A  }
0xbb: {  	s0 =	sadd.s32 @!p0 $0x100000, s0;
	[bflag:$0x2] =	sbarrier.arrive $0xFFFF  }
0xbc: {  	[sflag:s0] =	ssyncadd.tile.s32 @!p0 $0x1;
	_ =	shalt  }
.Lfunc_end2:
_tile_overlayer_lowered:
.L_overlay_start_2:
0xbd: {  	(tag) =	ssettag $0x2  }
0xbe: {  	s0 =	rddreg [dreg:$0x0];
	s2 =	stileid.u32  }
0xbf: {  	s1 =	rddreg [dreg:$0x1];
	p0 =	sne.s32 s2, $0x0  }
0xc0: {  	s3 =	rddreg [dreg:$0x2];
	[bflag:$0x3] =	sbarrier.arrive $0xFFFF;
	s2 =	simm.s32 @!p0 $0x1C03  }
0xc1: {  	[timem:s3], [sflag:s2] =	dma.local @!p0 [hbm:s0], s1  }
0xc2: {  	s0 =	simm.s32 @!p0 $0x3  }
0xc3: {  	_ =	swait.ge @!p0 [sflag:s0], s1  }
0xc4: {  	s1 =	ssub.s32 @!p0 $0x0, s1;
	[sflag:s0] =	ssyncset.done @!p0 $0x0  }
0xc5: {  	[sflag:s0] =	ssyncadd.s32 @!p0 s1  }
0xc6: {  	[bflag:$0x3] =	sbarrier.arrive $0xFFFF  }
0xc7: {  	_ =	shalt  }

</sc_bundles>
